<compile_context>
chip_gen: v7x
topology: tpu7x:2x2x1
jax: 0.10.2.dev20260603
libtpu: 0.0.44.dev20260713+nightly
codegen_flags: <defaults>
</compile_context>

<pallas_src>
import functools

import jax
import jax.numpy as jnp
from jax import lax
from jax.experimental import pallas as pl
from jax.experimental.pallas import tpu as pltpu
from jax.experimental.pallas import tpu_sc as plsc

D = 64
TD = 2 * D
E = 16384
NC = 2
NS = 16
L = 16
NW = NC * NS
EPW = E // NW
CH = 128
NCH = EPW // CH

_mesh = plsc.VectorSubcoreMesh(core_axis_name="c", subcore_axis_name="s")


@functools.partial(
    pl.kernel,
    mesh=_mesh,
    out_type=jax.ShapeDtypeStruct((E,), jnp.float32),
    scratch_types=[
        pltpu.VMEM((EPW,), jnp.int32),
        pltpu.VMEM((EPW,), jnp.int32),
        pltpu.VMEM((2, CH, TD), jnp.float32),
        pltpu.VMEM((2, CH, TD), jnp.float32),
        pltpu.VMEM((TD,), jnp.float32),
        pltpu.VMEM((EPW,), jnp.float32),
        pltpu.VMEM((L * L,), jnp.float32),
        pltpu.SemaphoreType.DMA,
        pltpu.SemaphoreType.DMA,
        pltpu.SemaphoreType.DMA,
        pltpu.SemaphoreType.DMA,
    ],
    compiler_params=pltpu.CompilerParams(needs_layout_passes=False),
)
def _complex_score(table, rel_hbm, eidx_hbm, out_hbm,
                   hidx_v, tidx_v, hrows, trows, rel_v, out_v, red_v,
                   sem_h0, sem_t0, sem_h1, sem_t1):
    wid = lax.axis_index("s") * NC + lax.axis_index("c")
    base = wid * EPW

    cp_hi = pltpu.async_copy(eidx_hbm.at[0, pl.ds(base, EPW)], hidx_v, sem_h0)
    cp_ti = pltpu.async_copy(eidx_hbm.at[1, pl.ds(base, EPW)], tidx_v, sem_t0)
    cp_hi.wait()
    cp_ti.wait()

    sems = [(sem_h0, sem_t0), (sem_h1, sem_t1)]

    def start(j, bs):
        sh, st = sems[bs]
        pltpu.async_copy(
            table.at[hidx_v.at[pl.ds(j * CH, CH)]], hrows.at[bs], sh)
        pltpu.async_copy(
            table.at[tidx_v.at[pl.ds(j * CH, CH)]], trows.at[bs], st)

    def wait(j, bs):
        sh, st = sems[bs]
        pltpu.make_async_copy(
            table.at[hidx_v.at[pl.ds(j * CH, CH)]], hrows.at[bs], sh).wait()
        pltpu.make_async_copy(
            table.at[tidx_v.at[pl.ds(j * CH, CH)]], trows.at[bs], st).wait()

    start(0, 0)

    pltpu.sync_copy(rel_hbm.at[0], rel_v)
    rre = [rel_v[pl.ds(k * L, L)] for k in range(D // L)]
    rim = [rel_v[pl.ds(D + k * L, L)] for k in range(D // L)]
    lane = lax.iota(jnp.int32, L)

    def chunk(j, _):
        b = lax.rem(j, 2)

        @pl.when(jnp.logical_and(j + 1 < NCH, b == 0))
        def _():
            start(j + 1, 1)

        @pl.when(jnp.logical_and(j + 1 < NCH, b == 1))
        def _():
            start(j + 1, 0)

        @pl.when(b == 0)
        def _():
            wait(j, 0)

        @pl.when(b == 1)
        def _():
            wait(j, 1)

        def body(g, _):
            for h in range(2):
                accs = []
                for i2 in range(8):
                    i = h * 8 + i2
                    e = g * L + i
                    acc_a = None
                    acc_b = None
                    for k in range(D // L):
                        hre = hrows[b, e, pl.ds(k * L, L)]
                        him = hrows[b, e, pl.ds(D + k * L, L)]
                        tre = trows[b, e, pl.ds(k * L, L)]
                        tim = trows[b, e, pl.ds(D + k * L, L)]
                        ta = hre * (rre[k] * tre + rim[k] * tim)
                        tb = him * (rre[k] * tim - rim[k] * tre)
                        acc_a = ta if acc_a is None else acc_a + ta
                        acc_b = tb if acc_b is None else acc_b + tb
                    accs.append(acc_a + acc_b)
                for i2 in range(8):
                    red_v[pl.ds((h * 8 + i2) * L, L)] = accs[i2]
            vbase = lane * L
            cols = [plsc.load_gather(red_v, [vbase + t]) for t in range(L)]
            while len(cols) > 1:
                cols = [cols[i2] + cols[i2 + 1]
                        for i2 in range(0, len(cols), 2)]
            out_v[pl.ds(j * CH + g * L, L)] = cols[0]
            return 0

        lax.fori_loop(0, CH // L, body, 0)
        return 0

    lax.fori_loop(0, NCH, chunk, 0)

    pltpu.sync_copy(out_v, out_hbm.at[pl.ds(base, EPW)])


def kernel(node_emb, rel_emb, edge_label_index):
    return _complex_score(node_emb, rel_emb,
                          edge_label_index.astype(jnp.int32))

# --- scband reference (transcript-rebuilt; emitter-appended) ---
"""Pipeline reference for scband-compl-ex-29231547417249 (READ-ONLY COPY).

The authoritative reference and input builder live on the scoring server;
editing this copy changes nothing except your own understanding.
"""

import jax, jax.numpy as jnp
import numpy as np

NUM_NODES = 1000000
EMBED_DIM = 64
NUM_RELS = 1
NUM_EDGES = 16384


def setup_inputs(seed: int = 0) -> dict:
    key = jax.random.key(seed)
    k1, k2, k3 = jax.random.split(key, 3)
    node_emb = jax.random.normal(k1, (NUM_NODES, 2 * EMBED_DIM), dtype=jnp.float32)
    rel_emb = jax.random.normal(k2, (NUM_RELS, 2 * EMBED_DIM), dtype=jnp.float32)
    edge_label_index = jax.random.randint(k3, (2, NUM_EDGES), 0, NUM_NODES, dtype=jnp.int64 if jax.config.jax_enable_x64 else jnp.int32)
    return {"node_emb": node_emb, "rel_emb": rel_emb, "edge_label_index": edge_label_index}


def reference(node_emb, rel_emb, edge_label_index):
    # Faithful ComplEx scoring for the single edge type ('node','to','node').
    D = EMBED_DIM
    head = jnp.take(node_emb, edge_label_index[0], axis=0)  # gather [E, 2D]
    tail = jnp.take(node_emb, edge_label_index[1], axis=0)  # gather [E, 2D]
    head_re = head[:, :D]
    head_im = head[:, D:]
    tail_re = tail[:, :D]
    tail_im = tail[:, D:]
    rel = rel_emb[0]  # relation index 0 for the single metapath
    rel_re = rel[:D]
    rel_im = rel[D:]
    # triple_dot(x, y, z) = (x * y * z).sum(-1), vectorized over edges
    h = ((head_re * rel_re * tail_re).sum(axis=-1)
         + (head_im * rel_re * tail_im).sum(axis=-1)
         + (head_re * rel_im * tail_im).sum(axis=-1)
         - (head_im * rel_im * tail_re).sum(axis=-1))
    return h

if __name__ == "__main__":
    import jax
    _d = setup_inputs()
    print(jax.jit(kernel)(*tuple(_d.values())))

</pallas_src>

<mosaic_0001>
#map = affine_map<(d0, d1) -> (0, 0)>
#map1 = affine_map<(d0, d1) -> (0)>
module attributes {stable_mosaic.version = 14 : i64} {
  func.func @_complex_score(%arg0: i32, %arg1: i32, %arg2: memref<1000000x128xf32, #tpu.memory_space<hbm>>, %arg3: memref<1x128xf32, #tpu.memory_space<hbm>>, %arg4: memref<2x16384xi32, #tpu.memory_space<hbm>>, %arg5: memref<16384xf32, #tpu.memory_space<hbm>>, %arg6: memref<512xi32, #tpu.memory_space<vmem>>, %arg7: memref<512xi32, #tpu.memory_space<vmem>>, %arg8: memref<2x128x128xf32, #tpu.memory_space<vmem>>, %arg9: memref<2x128x128xf32, #tpu.memory_space<vmem>>, %arg10: memref<128xf32, #tpu.memory_space<vmem>>, %arg11: memref<512xf32, #tpu.memory_space<vmem>>, %arg12: memref<256xf32, #tpu.memory_space<vmem>>, %arg13: memref<!tpu.dma_semaphore, #tpu.memory_space<semaphore_mem>>, %arg14: memref<!tpu.dma_semaphore, #tpu.memory_space<semaphore_mem>>, %arg15: memref<!tpu.dma_semaphore, #tpu.memory_space<semaphore_mem>>, %arg16: memref<!tpu.dma_semaphore, #tpu.memory_space<semaphore_mem>>) attributes {dimension_semantics = [#tpu.dimension_semantics<core_parallel>, #tpu.dimension_semantics<subcore_parallel>], iteration_bounds = array<i64: 2, 16>, scalar_prefetch = 0 : i64, scratch_operands = 11 : i64, tpu.core_type = #tpu.core_type<sc_vector_subcore>, window_params = [{transform_indices = #map}, {transform_indices = #map}, {transform_indices = #map}, {transform_indices = #map1}]} {
    %mul3A = arith.constant 2 : i32
    %mul3A_0 = arith.muli %arg1, %mul3A : i32
    %add3A = arith.addi %mul3A_0, %arg0 : i32
    %mul3A_1 = arith.constant 512 : i32
    %mul3A_2 = arith.muli %add3A, %mul3A_1 : i32
    %dma_start3A = arith.constant 0 : i32
    %dma_start3A_3 = tpu.memref_slice %arg4[%dma_start3A, %mul3A_2] : memref<2x16384xi32, #tpu.memory_space<hbm>> -> memref<1x512xi32, #tpu.memory_space<hbm>>
    %dma_start3A_4 = tpu.memref_squeeze %dma_start3A_3 : memref<1x512xi32, #tpu.memory_space<hbm>> -> memref<512xi32, #tpu.memory_space<hbm>>
    %dma_start3A_5 = tpu.memref_slice %arg4[%dma_start3A, %mul3A_2] : memref<2x16384xi32, #tpu.memory_space<hbm>> -> memref<1x512xi32, #tpu.memory_space<hbm>>
    %dma_start3A_6 = tpu.memref_squeeze %dma_start3A_5 : memref<1x512xi32, #tpu.memory_space<hbm>> -> memref<512xi32, #tpu.memory_space<hbm>>
    tpu.enqueue_dma source(%dma_start3A_6 : memref<512xi32, #tpu.memory_space<hbm>>) target(%arg6 : memref<512xi32, #tpu.memory_space<vmem>>) target_semaphore(%arg13 : memref<!tpu.dma_semaphore, #tpu.memory_space<semaphore_mem>>)
    %dma_start3A_7 = arith.constant 1 : i32
    %dma_start3A_8 = tpu.memref_slice %arg4[%dma_start3A_7, %mul3A_2] : memref<2x16384xi32, #tpu.memory_space<hbm>> -> memref<1x512xi32, #tpu.memory_space<hbm>>
    %dma_start3A_9 = tpu.memref_squeeze %dma_start3A_8 : memref<1x512xi32, #tpu.memory_space<hbm>> -> memref<512xi32, #tpu.memory_space<hbm>>
    %dma_start3A_10 = tpu.memref_slice %arg4[%dma_start3A_7, %mul3A_2] : memref<2x16384xi32, #tpu.memory_space<hbm>> -> memref<1x512xi32, #tpu.memory_space<hbm>>
    %dma_start3A_11 = tpu.memref_squeeze %dma_start3A_10 : memref<1x512xi32, #tpu.memory_space<hbm>> -> memref<512xi32, #tpu.memory_space<hbm>>
    tpu.enqueue_dma source(%dma_start3A_11 : memref<512xi32, #tpu.memory_space<hbm>>) target(%arg7 : memref<512xi32, #tpu.memory_space<vmem>>) target_semaphore(%arg14 : memref<!tpu.dma_semaphore, #tpu.memory_space<semaphore_mem>>)
    %dma_wait3A = arith.constant 0 : i32
    %dma_wait3A_12 = tpu.memref_slice %arg4[%dma_wait3A, %mul3A_2] : memref<2x16384xi32, #tpu.memory_space<hbm>> -> memref<1x512xi32, #tpu.memory_space<hbm>>
    %dma_wait3A_13 = tpu.memref_squeeze %dma_wait3A_12 : memref<1x512xi32, #tpu.memory_space<hbm>> -> memref<512xi32, #tpu.memory_space<hbm>>
    %dma_wait3A_14 = tpu.memref_slice %arg4[%dma_wait3A, %mul3A_2] : memref<2x16384xi32, #tpu.memory_space<hbm>> -> memref<1x512xi32, #tpu.memory_space<hbm>>
    %dma_wait3A_15 = tpu.memref_squeeze %dma_wait3A_14 : memref<1x512xi32, #tpu.memory_space<hbm>> -> memref<512xi32, #tpu.memory_space<hbm>>
    tpu.wait_dma2 semaphore(%arg13 : memref<!tpu.dma_semaphore, #tpu.memory_space<semaphore_mem>>) src(%dma_wait3A_15 : memref<512xi32, #tpu.memory_space<hbm>>) dst(%arg6 : memref<512xi32, #tpu.memory_space<vmem>>)
    %dma_wait3A_16 = arith.constant 1 : i32
    %dma_wait3A_17 = tpu.memref_slice %arg4[%dma_wait3A_16, %mul3A_2] : memref<2x16384xi32, #tpu.memory_space<hbm>> -> memref<1x512xi32, #tpu.memory_space<hbm>>
    %dma_wait3A_18 = tpu.memref_squeeze %dma_wait3A_17 : memref<1x512xi32, #tpu.memory_space<hbm>> -> memref<512xi32, #tpu.memory_space<hbm>>
    %dma_wait3A_19 = tpu.memref_slice %arg4[%dma_wait3A_16, %mul3A_2] : memref<2x16384xi32, #tpu.memory_space<hbm>> -> memref<1x512xi32, #tpu.memory_space<hbm>>
    %dma_wait3A_20 = tpu.memref_squeeze %dma_wait3A_19 : memref<1x512xi32, #tpu.memory_space<hbm>> -> memref<512xi32, #tpu.memory_space<hbm>>
    tpu.wait_dma2 semaphore(%arg14 : memref<!tpu.dma_semaphore, #tpu.memory_space<semaphore_mem>>) src(%dma_wait3A_20 : memref<512xi32, #tpu.memory_space<hbm>>) dst(%arg7 : memref<512xi32, #tpu.memory_space<vmem>>)
    %dma_start3A_21 = arith.constant 0 : i32
    %dma_start3A_22 = arith.constant 0 : i32
    %dma_start3A_23 = arith.constant 0 : i32
    %dma_start3A_24 = tpu.memref_slice %arg8[%dma_start3A_21, %dma_start3A_22, %dma_start3A_23] : memref<2x128x128xf32, #tpu.memory_space<vmem>> -> memref<1x128x128xf32, #tpu.memory_space<vmem>>
    %dma_start3A_25 = tpu.memref_squeeze %dma_start3A_24 : memref<1x128x128xf32, #tpu.memory_space<vmem>> -> memref<128x128xf32, #tpu.memory_space<vmem>>
    %dma_start3A_26 = arith.constant 0 : i32
    %dma_start3A_27 = tpu.memref_slice %arg6[%dma_start3A_26] : memref<512xi32, #tpu.memory_space<vmem>> -> memref<128xi32, #tpu.memory_space<vmem>>
    %dma_start3A_28 = arith.constant 0 : i32
    %dma_start3A_29 = arith.constant 0 : i32
    %dma_start3A_30 = tpu.memref_slice %arg2[%dma_start3A_28, %dma_start3A_29] : memref<1000000x128xf32, #tpu.memory_space<hbm>> -> memref<1000000x128xf32, #tpu.memory_space<hbm>>
    tpu.enqueue_indirect_dma source(%dma_start3A_30 : memref<1000000x128xf32, #tpu.memory_space<hbm>>) target(%dma_start3A_25 : memref<128x128xf32, #tpu.memory_space<vmem>>) offsets(%dma_start3A_27 : memref<128xi32, #tpu.memory_space<vmem>>) semaphore(%arg13 : memref<!tpu.dma_semaphore, #tpu.memory_space<semaphore_mem>>)
    %dma_start3A_31 = arith.constant 0 : i32
    %dma_start3A_32 = arith.constant 0 : i32
    %dma_start3A_33 = arith.constant 0 : i32
    %dma_start3A_34 = tpu.memref_slice %arg9[%dma_start3A_31, %dma_start3A_32, %dma_start3A_33] : memref<2x128x128xf32, #tpu.memory_space<vmem>> -> memref<1x128x128xf32, #tpu.memory_space<vmem>>
    %dma_start3A_35 = tpu.memref_squeeze %dma_start3A_34 : memref<1x128x128xf32, #tpu.memory_space<vmem>> -> memref<128x128xf32, #tpu.memory_space<vmem>>
    %dma_start3A_36 = arith.constant 0 : i32
    %dma_start3A_37 = tpu.memref_slice %arg7[%dma_start3A_36] : memref<512xi32, #tpu.memory_space<vmem>> -> memref<128xi32, #tpu.memory_space<vmem>>
    %dma_start3A_38 = arith.constant 0 : i32
    %dma_start3A_39 = arith.constant 0 : i32
    %dma_start3A_40 = tpu.memref_slice %arg2[%dma_start3A_38, %dma_start3A_39] : memref<1000000x128xf32, #tpu.memory_space<hbm>> -> memref<1000000x128xf32, #tpu.memory_space<hbm>>
    tpu.enqueue_indirect_dma source(%dma_start3A_40 : memref<1000000x128xf32, #tpu.memory_space<hbm>>) target(%dma_start3A_35 : memref<128x128xf32, #tpu.memory_space<vmem>>) offsets(%dma_start3A_37 : memref<128xi32, #tpu.memory_space<vmem>>) semaphore(%arg14 : memref<!tpu.dma_semaphore, #tpu.memory_space<semaphore_mem>>)
    %run_scoped3A = arith.constant 0 : i32
    "tpu.region"() ({
      %run_scoped3A_62 = tpu.sem_alloc : memref<!tpu.dma_semaphore, #tpu.memory_space<semaphore_mem>>
      %dma_start3A_63 = arith.constant 0 : i32
      %dma_start3A_64 = tpu.memref_slice %arg3[%run_scoped3A, %dma_start3A_63] : memref<1x128xf32, #tpu.memory_space<hbm>> -> memref<1x128xf32, #tpu.memory_space<hbm>>
      %dma_start3A_65 = tpu.memref_squeeze %dma_start3A_64 : memref<1x128xf32, #tpu.memory_space<hbm>> -> memref<128xf32, #tpu.memory_space<hbm>>
      %dma_start3A_66 = arith.constant 0 : i32
      %dma_start3A_67 = tpu.memref_slice %arg3[%run_scoped3A, %dma_start3A_66] : memref<1x128xf32, #tpu.memory_space<hbm>> -> memref<1x128xf32, #tpu.memory_space<hbm>>
      %dma_start3A_68 = tpu.memref_squeeze %dma_start3A_67 : memref<1x128xf32, #tpu.memory_space<hbm>> -> memref<128xf32, #tpu.memory_space<hbm>>
      tpu.enqueue_dma source(%dma_start3A_68 : memref<128xf32, #tpu.memory_space<hbm>>) target(%arg10 : memref<128xf32, #tpu.memory_space<vmem>>) target_semaphore(%run_scoped3A_62 : memref<!tpu.dma_semaphore, #tpu.memory_space<semaphore_mem>>)
      %dma_wait3A_69 = arith.constant 0 : i32
      %dma_wait3A_70 = tpu.memref_slice %arg3[%run_scoped3A, %dma_wait3A_69] : memref<1x128xf32, #tpu.memory_space<hbm>> -> memref<1x128xf32, #tpu.memory_space<hbm>>
      %dma_wait3A_71 = tpu.memref_squeeze %dma_wait3A_70 : memref<1x128xf32, #tpu.memory_space<hbm>> -> memref<128xf32, #tpu.memory_space<hbm>>
      %dma_wait3A_72 = arith.constant 0 : i32
      %dma_wait3A_73 = tpu.memref_slice %arg3[%run_scoped3A, %dma_wait3A_72] : memref<1x128xf32, #tpu.memory_space<hbm>> -> memref<1x128xf32, #tpu.memory_space<hbm>>
      %dma_wait3A_74 = tpu.memref_squeeze %dma_wait3A_73 : memref<1x128xf32, #tpu.memory_space<hbm>> -> memref<128xf32, #tpu.memory_space<hbm>>
      tpu.wait_dma2 semaphore(%run_scoped3A_62 : memref<!tpu.dma_semaphore, #tpu.memory_space<semaphore_mem>>) src(%dma_wait3A_74 : memref<128xf32, #tpu.memory_space<hbm>>) dst(%arg10 : memref<128xf32, #tpu.memory_space<vmem>>)
      tpu.yield
    }) : () -> ()
    %get3A = arith.constant 0 : index
    %get3A_41 = tpu.vector_load %arg10[%get3A] {strides = array<i32>} : memref<128xf32, #tpu.memory_space<vmem>>, vector<16xf32>,
    %get3A_42 = arith.constant 16 : index
    %get3A_43 = tpu.vector_load %arg10[%get3A_42] {strides = array<i32>} : memref<128xf32, #tpu.memory_space<vmem>>, vector<16xf32>,
    %get3A_44 = arith.constant 32 : index
    %get3A_45 = tpu.vector_load %arg10[%get3A_44] {strides = array<i32>} : memref<128xf32, #tpu.memory_space<vmem>>, vector<16xf32>,
    %get3A_46 = arith.constant 48 : index
    %get3A_47 = tpu.vector_load %arg10[%get3A_46] {strides = array<i32>} : memref<128xf32, #tpu.memory_space<vmem>>, vector<16xf32>,
    %get3A_48 = arith.constant 64 : index
    %get3A_49 = tpu.vector_load %arg10[%get3A_48] {strides = array<i32>} : memref<128xf32, #tpu.memory_space<vmem>>, vector<16xf32>,
    %get3A_50 = arith.constant 80 : index
    %get3A_51 = tpu.vector_load %arg10[%get3A_50] {strides = array<i32>} : memref<128xf32, #tpu.memory_space<vmem>>, vector<16xf32>,
    %get3A_52 = arith.constant 96 : index
    %get3A_53 = tpu.vector_load %arg10[%get3A_52] {strides = array<i32>} : memref<128xf32, #tpu.memory_space<vmem>>, vector<16xf32>,
    %get3A_54 = arith.constant 112 : index
    %get3A_55 = tpu.vector_load %arg10[%get3A_54] {strides = array<i32>} : memref<128xf32, #tpu.memory_space<vmem>>, vector<16xf32>,
    %iota3A = tpu.iota {dimensions = array<i32: 0>} : vector<16xi32>
    %scan3A = arith.constant 0 : i32
    %scan3A_56 = arith.constant 0 : i32
    %scan3A_57 = arith.constant 4 : i32
    %scan3A_58 = arith.addi %scan3A_56, %scan3A_57 : i32
    %scan3A_59 = arith.constant 1 : i32
    %scan3A_60 = scf.for %scan3A_62 = %scan3A_56 to %scan3A_58 step %scan3A_59 iter_args(%scan3A_63 = %scan3A) -> (i32)  : i32 {
      %rem3A = arith.constant 2 : i32
      %rem3A_64 = arith.remsi %scan3A_62, %rem3A : i32
      %add3A_65 = arith.constant 1 : i32
      %add3A_66 = arith.addi %scan3A_62, %add3A_65 : i32
      %lt3A = arith.constant 4 : i32
      %lt3A_67 = arith.cmpi slt, %add3A_66, %lt3A : i32
      %eq3A = arith.constant 0 : i32
      %eq3A_68 = arith.cmpi eq, %rem3A_64, %eq3A : i32
      %and3A = arith.andi %lt3A_67, %eq3A_68 : i1
      %convert_element_type3A = arith.extui %and3A : i1 to i32
      %cond3A = arith.constant 0 : i32
      %cond3A_69 = arith.cmpi ne, %convert_element_type3A, %cond3A : i32
      scf.if %cond3A_69 {
        %add3A_98 = arith.constant 1 : i32
        %add3A_99 = arith.addi %scan3A_62, %add3A_98 : i32
        %mul3A_100 = arith.constant 128 : i32
        %mul3A_101 = arith.muli %add3A_99, %mul3A_100 : i32
        %dma_start3A_102 = arith.constant 1 : i32
        %dma_start3A_103 = arith.constant 0 : i32
        %dma_start3A_104 = arith.constant 0 : i32
        %dma_start3A_105 = tpu.memref_slice %arg8[%dma_start3A_102, %dma_start3A_103, %dma_start3A_104] : memref<2x128x128xf32, #tpu.memory_space<vmem>> -> memref<1x128x128xf32, #tpu.memory_space<vmem>>
        %dma_start3A_106 = tpu.memref_squeeze %dma_start3A_105 : memref<1x128x128xf32, #tpu.memory_space<vmem>> -> memref<128x128xf32, #tpu.memory_space<vmem>>
        %dma_start3A_107 = tpu.memref_slice %arg6[%mul3A_101] : memref<512xi32, #tpu.memory_space<vmem>> -> memref<128xi32, #tpu.memory_space<vmem>>
        %dma_start3A_108 = arith.constant 0 : i32
        %dma_start3A_109 = arith.constant 0 : i32
        %dma_start3A_110 = tpu.memref_slice %arg2[%dma_start3A_108, %dma_start3A_109] : memref<1000000x128xf32, #tpu.memory_space<hbm>> -> memref<1000000x128xf32, #tpu.memory_space<hbm>>
        tpu.enqueue_indirect_dma source(%dma_start3A_110 : memref<1000000x128xf32, #tpu.memory_space<hbm>>) target(%dma_start3A_106 : memref<128x128xf32, #tpu.memory_space<vmem>>) offsets(%dma_start3A_107 : memref<128xi32, #tpu.memory_space<vmem>>) semaphore(%arg15 : memref<!tpu.dma_semaphore, #tpu.memory_space<semaphore_mem>>)
        %mul3A_111 = arith.constant 128 : i32
        %mul3A_112 = arith.muli %add3A_99, %mul3A_111 : i32
        %dma_start3A_113 = arith.constant 1 : i32
        %dma_start3A_114 = arith.constant 0 : i32
        %dma_start3A_115 = arith.constant 0 : i32
        %dma_start3A_116 = tpu.memref_slice %arg9[%dma_start3A_113, %dma_start3A_114, %dma_start3A_115] : memref<2x128x128xf32, #tpu.memory_space<vmem>> -> memref<1x128x128xf32, #tpu.memory_space<vmem>>
        %dma_start3A_117 = tpu.memref_squeeze %dma_start3A_116 : memref<1x128x128xf32, #tpu.memory_space<vmem>> -> memref<128x128xf32, #tpu.memory_space<vmem>>
        %dma_start3A_118 = tpu.memref_slice %arg7[%mul3A_112] : memref<512xi32, #tpu.memory_space<vmem>> -> memref<128xi32, #tpu.memory_space<vmem>>
        %dma_start3A_119 = arith.constant 0 : i32
        %dma_start3A_120 = arith.constant 0 : i32
        %dma_start3A_121 = tpu.memref_slice %arg2[%dma_start3A_119, %dma_start3A_120] : memref<1000000x128xf32, #tpu.memory_space<hbm>> -> memref<1000000x128xf32, #tpu.memory_space<hbm>>
        tpu.enqueue_indirect_dma source(%dma_start3A_121 : memref<1000000x128xf32, #tpu.memory_space<hbm>>) target(%dma_start3A_117 : memref<128x128xf32, #tpu.memory_space<vmem>>) offsets(%dma_start3A_118 : memref<128xi32, #tpu.memory_space<vmem>>) semaphore(%arg16 : memref<!tpu.dma_semaphore, #tpu.memory_space<semaphore_mem>>)
      } else {
      }
      %add3A_70 = arith.constant 1 : i32
      %add3A_71 = arith.addi %scan3A_62, %add3A_70 : i32
      %lt3A_72 = arith.constant 4 : i32
      %lt3A_73 = arith.cmpi slt, %add3A_71, %lt3A_72 : i32
      %eq3A_74 = arith.constant 1 : i32
      %eq3A_75 = arith.cmpi eq, %rem3A_64, %eq3A_74 : i32
      %and3A_76 = arith.andi %lt3A_73, %eq3A_75 : i1
      %convert_element_type3A_77 = arith.extui %and3A_76 : i1 to i32
      %cond3A_78 = arith.constant 0 : i32
      %cond3A_79 = arith.cmpi ne, %convert_element_type3A_77, %cond3A_78 : i32
      scf.if %cond3A_79 {
        %add3A_98 = arith.constant 1 : i32
        %add3A_99 = arith.addi %scan3A_62, %add3A_98 : i32
        %mul3A_100 = arith.constant 128 : i32
        %mul3A_101 = arith.muli %add3A_99, %mul3A_100 : i32
        %dma_start3A_102 = arith.constant 0 : i32
        %dma_start3A_103 = arith.constant 0 : i32
        %dma_start3A_104 = arith.constant 0 : i32
        %dma_start3A_105 = tpu.memref_slice %arg8[%dma_start3A_102, %dma_start3A_103, %dma_start3A_104] : memref<2x128x128xf32, #tpu.memory_space<vmem>> -> memref<1x128x128xf32, #tpu.memory_space<vmem>>
        %dma_start3A_106 = tpu.memref_squeeze %dma_start3A_105 : memref<1x128x128xf32, #tpu.memory_space<vmem>> -> memref<128x128xf32, #tpu.memory_space<vmem>>
        %dma_start3A_107 = tpu.memref_slice %arg6[%mul3A_101] : memref<512xi32, #tpu.memory_space<vmem>> -> memref<128xi32, #tpu.memory_space<vmem>>
        %dma_start3A_108 = arith.constant 0 : i32
        %dma_start3A_109 = arith.constant 0 : i32
        %dma_start3A_110 = tpu.memref_slice %arg2[%dma_start3A_108, %dma_start3A_109] : memref<1000000x128xf32, #tpu.memory_space<hbm>> -> memref<1000000x128xf32, #tpu.memory_space<hbm>>
        tpu.enqueue_indirect_dma source(%dma_start3A_110 : memref<1000000x128xf32, #tpu.memory_space<hbm>>) target(%dma_start3A_106 : memref<128x128xf32, #tpu.memory_space<vmem>>) offsets(%dma_start3A_107 : memref<128xi32, #tpu.memory_space<vmem>>) semaphore(%arg13 : memref<!tpu.dma_semaphore, #tpu.memory_space<semaphore_mem>>)
        %mul3A_111 = arith.constant 128 : i32
        %mul3A_112 = arith.muli %add3A_99, %mul3A_111 : i32
        %dma_start3A_113 = arith.constant 0 : i32
        %dma_start3A_114 = arith.constant 0 : i32
        %dma_start3A_115 = arith.constant 0 : i32
        %dma_start3A_116 = tpu.memref_slice %arg9[%dma_start3A_113, %dma_start3A_114, %dma_start3A_115] : memref<2x128x128xf32, #tpu.memory_space<vmem>> -> memref<1x128x128xf32, #tpu.memory_space<vmem>>
        %dma_start3A_117 = tpu.memref_squeeze %dma_start3A_116 : memref<1x128x128xf32, #tpu.memory_space<vmem>> -> memref<128x128xf32, #tpu.memory_space<vmem>>
        %dma_start3A_118 = tpu.memref_slice %arg7[%mul3A_112] : memref<512xi32, #tpu.memory_space<vmem>> -> memref<128xi32, #tpu.memory_space<vmem>>
        %dma_start3A_119 = arith.constant 0 : i32
        %dma_start3A_120 = arith.constant 0 : i32
        %dma_start3A_121 = tpu.memref_slice %arg2[%dma_start3A_119, %dma_start3A_120] : memref<1000000x128xf32, #tpu.memory_space<hbm>> -> memref<1000000x128xf32, #tpu.memory_space<hbm>>
        tpu.enqueue_indirect_dma source(%dma_start3A_121 : memref<1000000x128xf32, #tpu.memory_space<hbm>>) target(%dma_start3A_117 : memref<128x128xf32, #tpu.memory_space<vmem>>) offsets(%dma_start3A_118 : memref<128xi32, #tpu.memory_space<vmem>>) semaphore(%arg14 : memref<!tpu.dma_semaphore, #tpu.memory_space<semaphore_mem>>)
      } else {
      }
      %eq3A_80 = arith.constant 0 : i32
      %eq3A_81 = arith.cmpi eq, %rem3A_64, %eq3A_80 : i32
      %convert_element_type3A_82 = arith.extui %eq3A_81 : i1 to i32
      %cond3A_83 = arith.constant 0 : i32
      %cond3A_84 = arith.cmpi ne, %convert_element_type3A_82, %cond3A_83 : i32
      scf.if %cond3A_84 {
        %mul3A_98 = arith.constant 128 : i32
        %mul3A_99 = arith.muli %scan3A_62, %mul3A_98 : i32
        %dma_wait3A_100 = arith.constant 0 : i32
        %dma_wait3A_101 = arith.constant 0 : i32
        %dma_wait3A_102 = arith.constant 0 : i32
        %dma_wait3A_103 = tpu.memref_slice %arg8[%dma_wait3A_100, %dma_wait3A_101, %dma_wait3A_102] : memref<2x128x128xf32, #tpu.memory_space<vmem>> -> memref<1x128x128xf32, #tpu.memory_space<vmem>>
        %dma_wait3A_104 = tpu.memref_squeeze %dma_wait3A_103 : memref<1x128x128xf32, #tpu.memory_space<vmem>> -> memref<128x128xf32, #tpu.memory_space<vmem>>
        %dma_wait3A_105 = tpu.memref_slice %arg6[%mul3A_99] : memref<512xi32, #tpu.memory_space<vmem>> -> memref<128xi32, #tpu.memory_space<vmem>>
        %dma_wait3A_106 = arith.constant 0 : i32
        %dma_wait3A_107 = arith.constant 0 : i32
        %dma_wait3A_108 = tpu.memref_slice %arg2[%dma_wait3A_106, %dma_wait3A_107] : memref<1000000x128xf32, #tpu.memory_space<hbm>> -> memref<1000000x128xf32, #tpu.memory_space<hbm>>
        tpu.wait_indirect_dma semaphore(%arg13 : memref<!tpu.dma_semaphore, #tpu.memory_space<semaphore_mem>>) src(%dma_wait3A_108 : memref<1000000x128xf32, #tpu.memory_space<hbm>>) dst(%dma_wait3A_104 : memref<128x128xf32, #tpu.memory_space<vmem>>)
        %mul3A_109 = arith.constant 128 : i32
        %mul3A_110 = arith.muli %scan3A_62, %mul3A_109 : i32
        %dma_wait3A_111 = arith.constant 0 : i32
        %dma_wait3A_112 = arith.constant 0 : i32
        %dma_wait3A_113 = arith.constant 0 : i32
        %dma_wait3A_114 = tpu.memref_slice %arg9[%dma_wait3A_111, %dma_wait3A_112, %dma_wait3A_113] : memref<2x128x128xf32, #tpu.memory_space<vmem>> -> memref<1x128x128xf32, #tpu.memory_space<vmem>>
        %dma_wait3A_115 = tpu.memref_squeeze %dma_wait3A_114 : memref<1x128x128xf32, #tpu.memory_space<vmem>> -> memref<128x128xf32, #tpu.memory_space<vmem>>
        %dma_wait3A_116 = tpu.memref_slice %arg7[%mul3A_110] : memref<512xi32, #tpu.memory_space<vmem>> -> memref<128xi32, #tpu.memory_space<vmem>>
        %dma_wait3A_117 = arith.constant 0 : i32
        %dma_wait3A_118 = arith.constant 0 : i32
        %dma_wait3A_119 = tpu.memref_slice %arg2[%dma_wait3A_117, %dma_wait3A_118] : memref<1000000x128xf32, #tpu.memory_space<hbm>> -> memref<1000000x128xf32, #tpu.memory_space<hbm>>
        tpu.wait_indirect_dma semaphore(%arg14 : memref<!tpu.dma_semaphore, #tpu.memory_space<semaphore_mem>>) src(%dma_wait3A_119 : memref<1000000x128xf32, #tpu.memory_space<hbm>>) dst(%dma_wait3A_115 : memref<128x128xf32, #tpu.memory_space<vmem>>)
      } else {
      }
      %eq3A_85 = arith.constant 1 : i32
      %eq3A_86 = arith.cmpi eq, %rem3A_64, %eq3A_85 : i32
      %convert_element_type3A_87 = arith.extui %eq3A_86 : i1 to i32
      %cond3A_88 = arith.constant 0 : i32
      %cond3A_89 = arith.cmpi ne, %convert_element_type3A_87, %cond3A_88 : i32
      scf.if %cond3A_89 {
        %mul3A_98 = arith.constant 128 : i32
        %mul3A_99 = arith.muli %scan3A_62, %mul3A_98 : i32
        %dma_wait3A_100 = arith.constant 1 : i32
        %dma_wait3A_101 = arith.constant 0 : i32
        %dma_wait3A_102 = arith.constant 0 : i32
        %dma_wait3A_103 = tpu.memref_slice %arg8[%dma_wait3A_100, %dma_wait3A_101, %dma_wait3A_102] : memref<2x128x128xf32, #tpu.memory_space<vmem>> -> memref<1x128x128xf32, #tpu.memory_space<vmem>>
        %dma_wait3A_104 = tpu.memref_squeeze %dma_wait3A_103 : memref<1x128x128xf32, #tpu.memory_space<vmem>> -> memref<128x128xf32, #tpu.memory_space<vmem>>
        %dma_wait3A_105 = tpu.memref_slice %arg6[%mul3A_99] : memref<512xi32, #tpu.memory_space<vmem>> -> memref<128xi32, #tpu.memory_space<vmem>>
        %dma_wait3A_106 = arith.constant 0 : i32
        %dma_wait3A_107 = arith.constant 0 : i32
        %dma_wait3A_108 = tpu.memref_slice %arg2[%dma_wait3A_106, %dma_wait3A_107] : memref<1000000x128xf32, #tpu.memory_space<hbm>> -> memref<1000000x128xf32, #tpu.memory_space<hbm>>
        tpu.wait_indirect_dma semaphore(%arg15 : memref<!tpu.dma_semaphore, #tpu.memory_space<semaphore_mem>>) src(%dma_wait3A_108 : memref<1000000x128xf32, #tpu.memory_space<hbm>>) dst(%dma_wait3A_104 : memref<128x128xf32, #tpu.memory_space<vmem>>)
        %mul3A_109 = arith.constant 128 : i32
        %mul3A_110 = arith.muli %scan3A_62, %mul3A_109 : i32
        %dma_wait3A_111 = arith.constant 1 : i32
        %dma_wait3A_112 = arith.constant 0 : i32
        %dma_wait3A_113 = arith.constant 0 : i32
        %dma_wait3A_114 = tpu.memref_slice %arg9[%dma_wait3A_111, %dma_wait3A_112, %dma_wait3A_113] : memref<2x128x128xf32, #tpu.memory_space<vmem>> -> memref<1x128x128xf32, #tpu.memory_space<vmem>>
        %dma_wait3A_115 = tpu.memref_squeeze %dma_wait3A_114 : memref<1x128x128xf32, #tpu.memory_space<vmem>> -> memref<128x128xf32, #tpu.memory_space<vmem>>
        %dma_wait3A_116 = tpu.memref_slice %arg7[%mul3A_110] : memref<512xi32, #tpu.memory_space<vmem>> -> memref<128xi32, #tpu.memory_space<vmem>>
        %dma_wait3A_117 = arith.constant 0 : i32
        %dma_wait3A_118 = arith.constant 0 : i32
        %dma_wait3A_119 = tpu.memref_slice %arg2[%dma_wait3A_117, %dma_wait3A_118] : memref<1000000x128xf32, #tpu.memory_space<hbm>> -> memref<1000000x128xf32, #tpu.memory_space<hbm>>
        tpu.wait_indirect_dma semaphore(%arg16 : memref<!tpu.dma_semaphore, #tpu.memory_space<semaphore_mem>>) src(%dma_wait3A_119 : memref<1000000x128xf32, #tpu.memory_space<hbm>>) dst(%dma_wait3A_115 : memref<128x128xf32, #tpu.memory_space<vmem>>)
      } else {
      }
      %scan3A_90 = arith.constant 0 : i32
      %scan3A_91 = arith.constant 0 : i32
      %scan3A_92 = arith.constant 8 : i32
      %scan3A_93 = arith.addi %scan3A_91, %scan3A_92 : i32
      %scan3A_94 = arith.constant 1 : i32
      %scan3A_95 = scf.for %scan3A_98 = %scan3A_91 to %scan3A_93 step %scan3A_94 iter_args(%scan3A_99 = %scan3A_90) -> (i32)  : i32 {
        %mul3A_100 = arith.constant 16 : i32
        %mul3A_101 = arith.muli %scan3A_98, %mul3A_100 : i32
        %add3A_102 = arith.constant 0 : i32
        %add3A_103 = arith.addi %mul3A_101, %add3A_102 : i32
        %get3A_104 = arith.index_cast %rem3A_64 : i32 to index
        %get3A_105 = arith.index_cast %add3A_103 : i32 to index
        %get3A_106 = arith.constant 0 : index
        %get3A_107 = tpu.vector_load %arg8[%get3A_104, %get3A_105, %get3A_106] {strides = array<i32>} : memref<2x128x128xf32, #tpu.memory_space<vmem>>, vector<16xf32>,
        %get3A_108 = arith.index_cast %rem3A_64 : i32 to index
        %get3A_109 = arith.index_cast %add3A_103 : i32 to index
        %get3A_110 = arith.constant 64 : index
        %get3A_111 = tpu.vector_load %arg8[%get3A_108, %get3A_109, %get3A_110] {strides = array<i32>} : memref<2x128x128xf32, #tpu.memory_space<vmem>>, vector<16xf32>,
        %get3A_112 = arith.index_cast %rem3A_64 : i32 to index
        %get3A_113 = arith.index_cast %add3A_103 : i32 to index
        %get3A_114 = arith.constant 0 : index
        %get3A_115 = tpu.vector_load %arg9[%get3A_112, %get3A_113, %get3A_114] {strides = array<i32>} : memref<2x128x128xf32, #tpu.memory_space<vmem>>, vector<16xf32>,
        %get3A_116 = arith.index_cast %rem3A_64 : i32 to index
        %get3A_117 = arith.index_cast %add3A_103 : i32 to index
        %get3A_118 = arith.constant 64 : index
        %get3A_119 = tpu.vector_load %arg9[%get3A_116, %get3A_117, %get3A_118] {strides = array<i32>} : memref<2x128x128xf32, #tpu.memory_space<vmem>>, vector<16xf32>,
        %mul3A_120 = arith.mulf %get3A_41, %get3A_115 : vector<16xf32>
        %mul3A_121 = arith.mulf %get3A_49, %get3A_119 : vector<16xf32>
        %add3A_122 = arith.addf %mul3A_120, %mul3A_121 : vector<16xf32>
        %mul3A_123 = arith.mulf %get3A_107, %add3A_122 : vector<16xf32>
        %mul3A_124 = arith.mulf %get3A_41, %get3A_119 : vector<16xf32>
        %mul3A_125 = arith.mulf %get3A_49, %get3A_115 : vector<16xf32>
        %sub3A = arith.subf %mul3A_124, %mul3A_125 : vector<16xf32>
        %mul3A_126 = arith.mulf %get3A_111, %sub3A : vector<16xf32>
        %get3A_127 = arith.index_cast %rem3A_64 : i32 to index
        %get3A_128 = arith.index_cast %add3A_103 : i32 to index
        %get3A_129 = arith.constant 16 : index
        %get3A_130 = tpu.vector_load %arg8[%get3A_127, %get3A_128, %get3A_129] {strides = array<i32>} : memref<2x128x128xf32, #tpu.memory_space<vmem>>, vector<16xf32>,
        %get3A_131 = arith.index_cast %rem3A_64 : i32 to index
        %get3A_132 = arith.index_cast %add3A_103 : i32 to index
        %get3A_133 = arith.constant 80 : index
        %get3A_134 = tpu.vector_load %arg8[%get3A_131, %get3A_132, %get3A_133] {strides = array<i32>} : memref<2x128x128xf32, #tpu.memory_space<vmem>>, vector<16xf32>,
        %get3A_135 = arith.index_cast %rem3A_64 : i32 to index
        %get3A_136 = arith.index_cast %add3A_103 : i32 to index
        %get3A_137 = arith.constant 16 : index
        %get3A_138 = tpu.vector_load %arg9[%get3A_135, %get3A_136, %get3A_137] {strides = array<i32>} : memref<2x128x128xf32, #tpu.memory_space<vmem>>, vector<16xf32>,
        %get3A_139 = arith.index_cast %rem3A_64 : i32 to index
        %get3A_140 = arith.index_cast %add3A_103 : i32 to index
        %get3A_141 = arith.constant 80 : index
        %get3A_142 = tpu.vector_load %arg9[%get3A_139, %get3A_140, %get3A_141] {strides = array<i32>} : memref<2x128x128xf32, #tpu.memory_space<vmem>>, vector<16xf32>,
        %mul3A_143 = arith.mulf %get3A_43, %get3A_138 : vector<16xf32>
        %mul3A_144 = arith.mulf %get3A_51, %get3A_142 : vector<16xf32>
        %add3A_145 = arith.addf %mul3A_143, %mul3A_144 : vector<16xf32>
        %mul3A_146 = arith.mulf %get3A_130, %add3A_145 : vector<16xf32>
        %mul3A_147 = arith.mulf %get3A_43, %get3A_142 : vector<16xf32>
        %mul3A_148 = arith.mulf %get3A_51, %get3A_138 : vector<16xf32>
        %sub3A_149 = arith.subf %mul3A_147, %mul3A_148 : vector<16xf32>
        %mul3A_150 = arith.mulf %get3A_134, %sub3A_149 : vector<16xf32>
        %add3A_151 = arith.addf %mul3A_123, %mul3A_146 : vector<16xf32>
        %add3A_152 = arith.addf %mul3A_126, %mul3A_150 : vector<16xf32>
        %get3A_153 = arith.index_cast %rem3A_64 : i32 to index
        %get3A_154 = arith.index_cast %add3A_103 : i32 to index
        %get3A_155 = arith.constant 32 : index
        %get3A_156 = tpu.vector_load %arg8[%get3A_153, %get3A_154, %get3A_155] {strides = array<i32>} : memref<2x128x128xf32, #tpu.memory_space<vmem>>, vector<16xf32>,
        %get3A_157 = arith.index_cast %rem3A_64 : i32 to index
        %get3A_158 = arith.index_cast %add3A_103 : i32 to index
        %get3A_159 = arith.constant 96 : index
        %get3A_160 = tpu.vector_load %arg8[%get3A_157, %get3A_158, %get3A_159] {strides = array<i32>} : memref<2x128x128xf32, #tpu.memory_space<vmem>>, vector<16xf32>,
        %get3A_161 = arith.index_cast %rem3A_64 : i32 to index
        %get3A_162 = arith.index_cast %add3A_103 : i32 to index
        %get3A_163 = arith.constant 32 : index
        %get3A_164 = tpu.vector_load %arg9[%get3A_161, %get3A_162, %get3A_163] {strides = array<i32>} : memref<2x128x128xf32, #tpu.memory_space<vmem>>, vector<16xf32>,
        %get3A_165 = arith.index_cast %rem3A_64 : i32 to index
        %get3A_166 = arith.index_cast %add3A_103 : i32 to index
        %get3A_167 = arith.constant 96 : index
        %get3A_168 = tpu.vector_load %arg9[%get3A_165, %get3A_166, %get3A_167] {strides = array<i32>} : memref<2x128x128xf32, #tpu.memory_space<vmem>>, vector<16xf32>,
        %mul3A_169 = arith.mulf %get3A_45, %get3A_164 : vector<16xf32>
        %mul3A_170 = arith.mulf %get3A_53, %get3A_168 : vector<16xf32>
        %add3A_171 = arith.addf %mul3A_169, %mul3A_170 : vector<16xf32>
        %mul3A_172 = arith.mulf %get3A_156, %add3A_171 : vector<16xf32>
        %mul3A_173 = arith.mulf %get3A_45, %get3A_168 : vector<16xf32>
        %mul3A_174 = arith.mulf %get3A_53, %get3A_164 : vector<16xf32>
        %sub3A_175 = arith.subf %mul3A_173, %mul3A_174 : vector<16xf32>
        %mul3A_176 = arith.mulf %get3A_160, %sub3A_175 : vector<16xf32>
        %add3A_177 = arith.addf %add3A_151, %mul3A_172 : vector<16xf32>
        %add3A_178 = arith.addf %add3A_152, %mul3A_176 : vector<16xf32>
        %get3A_179 = arith.index_cast %rem3A_64 : i32 to index
        %get3A_180 = arith.index_cast %add3A_103 : i32 to index
        %get3A_181 = arith.constant 48 : index
        %get3A_182 = tpu.vector_load %arg8[%get3A_179, %get3A_180, %get3A_181] {strides = array<i32>} : memref<2x128x128xf32, #tpu.memory_space<vmem>>, vector<16xf32>,
        %get3A_183 = arith.index_cast %rem3A_64 : i32 to index
        %get3A_184 = arith.index_cast %add3A_103 : i32 to index
        %get3A_185 = arith.constant 112 : index
        %get3A_186 = tpu.vector_load %arg8[%get3A_183, %get3A_184, %get3A_185] {strides = array<i32>} : memref<2x128x128xf32, #tpu.memory_space<vmem>>, vector<16xf32>,
        %get3A_187 = arith.index_cast %rem3A_64 : i32 to index
        %get3A_188 = arith.index_cast %add3A_103 : i32 to index
        %get3A_189 = arith.constant 48 : index
        %get3A_190 = tpu.vector_load %arg9[%get3A_187, %get3A_188, %get3A_189] {strides = array<i32>} : memref<2x128x128xf32, #tpu.memory_space<vmem>>, vector<16xf32>,
        %get3A_191 = arith.index_cast %rem3A_64 : i32 to index
        %get3A_192 = arith.index_cast %add3A_103 : i32 to index
        %get3A_193 = arith.constant 112 : index
        %get3A_194 = tpu.vector_load %arg9[%get3A_191, %get3A_192, %get3A_193] {strides = array<i32>} : memref<2x128x128xf32, #tpu.memory_space<vmem>>, vector<16xf32>,
        %mul3A_195 = arith.mulf %get3A_47, %get3A_190 : vector<16xf32>
        %mul3A_196 = arith.mulf %get3A_55, %get3A_194 : vector<16xf32>
        %add3A_197 = arith.addf %mul3A_195, %mul3A_196 : vector<16xf32>
        %mul3A_198 = arith.mulf %get3A_182, %add3A_197 : vector<16xf32>
        %mul3A_199 = arith.mulf %get3A_47, %get3A_194 : vector<16xf32>
        %mul3A_200 = arith.mulf %get3A_55, %get3A_190 : vector<16xf32>
        %sub3A_201 = arith.subf %mul3A_199, %mul3A_200 : vector<16xf32>
        %mul3A_202 = arith.mulf %get3A_186, %sub3A_201 : vector<16xf32>
        %add3A_203 = arith.addf %add3A_177, %mul3A_198 : vector<16xf32>
        %add3A_204 = arith.addf %add3A_178, %mul3A_202 : vector<16xf32>
        %add3A_205 = arith.addf %add3A_203, %add3A_204 : vector<16xf32>
        %mul3A_206 = arith.constant 16 : i32
        %mul3A_207 = arith.muli %scan3A_98, %mul3A_206 : i32
        %add3A_208 = arith.constant 1 : i32
        %add3A_209 = arith.addi %mul3A_207, %add3A_208 : i32
        %get3A_210 = arith.index_cast %rem3A_64 : i32 to index
        %get3A_211 = arith.index_cast %add3A_209 : i32 to index
        %get3A_212 = arith.constant 0 : index
        %get3A_213 = tpu.vector_load %arg8[%get3A_210, %get3A_211, %get3A_212] {strides = array<i32>} : memref<2x128x128xf32, #tpu.memory_space<vmem>>, vector<16xf32>,
        %get3A_214 = arith.index_cast %rem3A_64 : i32 to index
        %get3A_215 = arith.index_cast %add3A_209 : i32 to index
        %get3A_216 = arith.constant 64 : index
        %get3A_217 = tpu.vector_load %arg8[%get3A_214, %get3A_215, %get3A_216] {strides = array<i32>} : memref<2x128x128xf32, #tpu.memory_space<vmem>>, vector<16xf32>,
        %get3A_218 = arith.index_cast %rem3A_64 : i32 to index
        %get3A_219 = arith.index_cast %add3A_209 : i32 to index
        %get3A_220 = arith.constant 0 : index
        %get3A_221 = tpu.vector_load %arg9[%get3A_218, %get3A_219, %get3A_220] {strides = array<i32>} : memref<2x128x128xf32, #tpu.memory_space<vmem>>, vector<16xf32>,
        %get3A_222 = arith.index_cast %rem3A_64 : i32 to index
        %get3A_223 = arith.index_cast %add3A_209 : i32 to index
        %get3A_224 = arith.constant 64 : index
        %get3A_225 = tpu.vector_load %arg9[%get3A_222, %get3A_223, %get3A_224] {strides = array<i32>} : memref<2x128x128xf32, #tpu.memory_space<vmem>>, vector<16xf32>,
        %mul3A_226 = arith.mulf %get3A_41, %get3A_221 : vector<16xf32>
        %mul3A_227 = arith.mulf %get3A_49, %get3A_225 : vector<16xf32>
        %add3A_228 = arith.addf %mul3A_226, %mul3A_227 : vector<16xf32>
        %mul3A_229 = arith.mulf %get3A_213, %add3A_228 : vector<16xf32>
        %mul3A_230 = arith.mulf %get3A_41, %get3A_225 : vector<16xf32>
        %mul3A_231 = arith.mulf %get3A_49, %get3A_221 : vector<16xf32>
        %sub3A_232 = arith.subf %mul3A_230, %mul3A_231 : vector<16xf32>
        %mul3A_233 = arith.mulf %get3A_217, %sub3A_232 : vector<16xf32>
        %get3A_234 = arith.index_cast %rem3A_64 : i32 to index
        %get3A_235 = arith.index_cast %add3A_209 : i32 to index
        %get3A_236 = arith.constant 16 : index
        %get3A_237 = tpu.vector_load %arg8[%get3A_234, %get3A_235, %get3A_236] {strides = array<i32>} : memref<2x128x128xf32, #tpu.memory_space<vmem>>, vector<16xf32>,
        %get3A_238 = arith.index_cast %rem3A_64 : i32 to index
        %get3A_239 = arith.index_cast %add3A_209 : i32 to index
        %get3A_240 = arith.constant 80 : index
        %get3A_241 = tpu.vector_load %arg8[%get3A_238, %get3A_239, %get3A_240] {strides = array<i32>} : memref<2x128x128xf32, #tpu.memory_space<vmem>>, vector<16xf32>,
        %get3A_242 = arith.index_cast %rem3A_64 : i32 to index
        %get3A_243 = arith.index_cast %add3A_209 : i32 to index
        %get3A_244 = arith.constant 16 : index
        %get3A_245 = tpu.vector_load %arg9[%get3A_242, %get3A_243, %get3A_244] {strides = array<i32>} : memref<2x128x128xf32, #tpu.memory_space<vmem>>, vector<16xf32>,
        %get3A_246 = arith.index_cast %rem3A_64 : i32 to index
        %get3A_247 = arith.index_cast %add3A_209 : i32 to index
        %get3A_248 = arith.constant 80 : index
        %get3A_249 = tpu.vector_load %arg9[%get3A_246, %get3A_247, %get3A_248] {strides = array<i32>} : memref<2x128x128xf32, #tpu.memory_space<vmem>>, vector<16xf32>,
        %mul3A_250 = arith.mulf %get3A_43, %get3A_245 : vector<16xf32>
        %mul3A_251 = arith.mulf %get3A_51, %get3A_249 : vector<16xf32>
        %add3A_252 = arith.addf %mul3A_250, %mul3A_251 : vector<16xf32>
        %mul3A_253 = arith.mulf %get3A_237, %add3A_252 : vector<16xf32>
        %mul3A_254 = arith.mulf %get3A_43, %get3A_249 : vector<16xf32>
        %mul3A_255 = arith.mulf %get3A_51, %get3A_245 : vector<16xf32>
        %sub3A_256 = arith.subf %mul3A_254, %mul3A_255 : vector<16xf32>
        %mul3A_257 = arith.mulf %get3A_241, %sub3A_256 : vector<16xf32>
        %add3A_258 = arith.addf %mul3A_229, %mul3A_253 : vector<16xf32>
        %add3A_259 = arith.addf %mul3A_233, %mul3A_257 : vector<16xf32>
        %get3A_260 = arith.index_cast %rem3A_64 : i32 to index
        %get3A_261 = arith.index_cast %add3A_209 : i32 to index
        %get3A_262 = arith.constant 32 : index
        %get3A_263 = tpu.vector_load %arg8[%get3A_260, %get3A_261, %get3A_262] {strides = array<i32>} : memref<2x128x128xf32, #tpu.memory_space<vmem>>, vector<16xf32>,
        %get3A_264 = arith.index_cast %rem3A_64 : i32 to index
        %get3A_265 = arith.index_cast %add3A_209 : i32 to index
        %get3A_266 = arith.constant 96 : index
        %get3A_267 = tpu.vector_load %arg8[%get3A_264, %get3A_265, %get3A_266] {strides = array<i32>} : memref<2x128x128xf32, #tpu.memory_space<vmem>>, vector<16xf32>,
        %get3A_268 = arith.index_cast %rem3A_64 : i32 to index
        %get3A_269 = arith.index_cast %add3A_209 : i32 to index
        %get3A_270 = arith.constant 32 : index
        %get3A_271 = tpu.vector_load %arg9[%get3A_268, %get3A_269, %get3A_270] {strides = array<i32>} : memref<2x128x128xf32, #tpu.memory_space<vmem>>, vector<16xf32>,
        %get3A_272 = arith.index_cast %rem3A_64 : i32 to index
        %get3A_273 = arith.index_cast %add3A_209 : i32 to index
        %get3A_274 = arith.constant 96 : index
        %get3A_275 = tpu.vector_load %arg9[%get3A_272, %get3A_273, %get3A_274] {strides = array<i32>} : memref<2x128x128xf32, #tpu.memory_space<vmem>>, vector<16xf32>,
        %mul3A_276 = arith.mulf %get3A_45, %get3A_271 : vector<16xf32>
        %mul3A_277 = arith.mulf %get3A_53, %get3A_275 : vector<16xf32>
        %add3A_278 = arith.addf %mul3A_276, %mul3A_277 : vector<16xf32>
        %mul3A_279 = arith.mulf %get3A_263, %add3A_278 : vector<16xf32>
        %mul3A_280 = arith.mulf %get3A_45, %get3A_275 : vector<16xf32>
        %mul3A_281 = arith.mulf %get3A_53, %get3A_271 : vector<16xf32>
        %sub3A_282 = arith.subf %mul3A_280, %mul3A_281 : vector<16xf32>
        %mul3A_283 = arith.mulf %get3A_267, %sub3A_282 : vector<16xf32>
        %add3A_284 = arith.addf %add3A_258, %mul3A_279 : vector<16xf32>
        %add3A_285 = arith.addf %add3A_259, %mul3A_283 : vector<16xf32>
        %get3A_286 = arith.index_cast %rem3A_64 : i32 to index
        %get3A_287 = arith.index_cast %add3A_209 : i32 to index
        %get3A_288 = arith.constant 48 : index
        %get3A_289 = tpu.vector_load %arg8[%get3A_286, %get3A_287, %get3A_288] {strides = array<i32>} : memref<2x128x128xf32, #tpu.memory_space<vmem>>, vector<16xf32>,
        %get3A_290 = arith.index_cast %rem3A_64 : i32 to index
        %get3A_291 = arith.index_cast %add3A_209 : i32 to index
        %get3A_292 = arith.constant 112 : index
        %get3A_293 = tpu.vector_load %arg8[%get3A_290, %get3A_291, %get3A_292] {strides = array<i32>} : memref<2x128x128xf32, #tpu.memory_space<vmem>>, vector<16xf32>,
        %get3A_294 = arith.index_cast %rem3A_64 : i32 to index
        %get3A_295 = arith.index_cast %add3A_209 : i32 to index
        %get3A_296 = arith.constant 48 : index
        %get3A_297 = tpu.vector_load %arg9[%get3A_294, %get3A_295, %get3A_296] {strides = array<i32>} : memref<2x128x128xf32, #tpu.memory_space<vmem>>, vector<16xf32>,
        %get3A_298 = arith.index_cast %rem3A_64 : i32 to index
        %get3A_299 = arith.index_cast %add3A_209 : i32 to index
        %get3A_300 = arith.constant 112 : index
        %get3A_301 = tpu.vector_load %arg9[%get3A_298, %get3A_299, %get3A_300] {strides = array<i32>} : memref<2x128x128xf32, #tpu.memory_space<vmem>>, vector<16xf32>,
        %mul3A_302 = arith.mulf %get3A_47, %get3A_297 : vector<16xf32>
        %mul3A_303 = arith.mulf %get3A_55, %get3A_301 : vector<16xf32>
        %add3A_304 = arith.addf %mul3A_302, %mul3A_303 : vector<16xf32>
        %mul3A_305 = arith.mulf %get3A_289, %add3A_304 : vector<16xf32>
        %mul3A_306 = arith.mulf %get3A_47, %get3A_301 : vector<16xf32>
        %mul3A_307 = arith.mulf %get3A_55, %get3A_297 : vector<16xf32>
        %sub3A_308 = arith.subf %mul3A_306, %mul3A_307 : vector<16xf32>
        %mul3A_309 = arith.mulf %get3A_293, %sub3A_308 : vector<16xf32>
        %add3A_310 = arith.addf %add3A_284, %mul3A_305 : vector<16xf32>
        %add3A_311 = arith.addf %add3A_285, %mul3A_309 : vector<16xf32>
        %add3A_312 = arith.addf %add3A_310, %add3A_311 : vector<16xf32>
        %mul3A_313 = arith.constant 16 : i32
        %mul3A_314 = arith.muli %scan3A_98, %mul3A_313 : i32
        %add3A_315 = arith.constant 2 : i32
        %add3A_316 = arith.addi %mul3A_314, %add3A_315 : i32
        %get3A_317 = arith.index_cast %rem3A_64 : i32 to index
        %get3A_318 = arith.index_cast %add3A_316 : i32 to index
        %get3A_319 = arith.constant 0 : index
        %get3A_320 = tpu.vector_load %arg8[%get3A_317, %get3A_318, %get3A_319] {strides = array<i32>} : memref<2x128x128xf32, #tpu.memory_space<vmem>>, vector<16xf32>,
        %get3A_321 = arith.index_cast %rem3A_64 : i32 to index
        %get3A_322 = arith.index_cast %add3A_316 : i32 to index
        %get3A_323 = arith.constant 64 : index
        %get3A_324 = tpu.vector_load %arg8[%get3A_321, %get3A_322, %get3A_323] {strides = array<i32>} : memref<2x128x128xf32, #tpu.memory_space<vmem>>, vector<16xf32>,
        %get3A_325 = arith.index_cast %rem3A_64 : i32 to index
        %get3A_326 = arith.index_cast %add3A_316 : i32 to index
        %get3A_327 = arith.constant 0 : index
        %get3A_328 = tpu.vector_load %arg9[%get3A_325, %get3A_326, %get3A_327] {strides = array<i32>} : memref<2x128x128xf32, #tpu.memory_space<vmem>>, vector<16xf32>,
        %get3A_329 = arith.index_cast %rem3A_64 : i32 to index
        %get3A_330 = arith.index_cast %add3A_316 : i32 to index
        %get3A_331 = arith.constant 64 : index
        %get3A_332 = tpu.vector_load %arg9[%get3A_329, %get3A_330, %get3A_331] {strides = array<i32>} : memref<2x128x128xf32, #tpu.memory_space<vmem>>, vector<16xf32>,
        %mul3A_333 = arith.mulf %get3A_41, %get3A_328 : vector<16xf32>
        %mul3A_334 = arith.mulf %get3A_49, %get3A_332 : vector<16xf32>
        %add3A_335 = arith.addf %mul3A_333, %mul3A_334 : vector<16xf32>
        %mul3A_336 = arith.mulf %get3A_320, %add3A_335 : vector<16xf32>
        %mul3A_337 = arith.mulf %get3A_41, %get3A_332 : vector<16xf32>
        %mul3A_338 = arith.mulf %get3A_49, %get3A_328 : vector<16xf32>
        %sub3A_339 = arith.subf %mul3A_337, %mul3A_338 : vector<16xf32>
        %mul3A_340 = arith.mulf %get3A_324, %sub3A_339 : vector<16xf32>
        %get3A_341 = arith.index_cast %rem3A_64 : i32 to index
        %get3A_342 = arith.index_cast %add3A_316 : i32 to index
        %get3A_343 = arith.constant 16 : index
        %get3A_344 = tpu.vector_load %arg8[%get3A_341, %get3A_342, %get3A_343] {strides = array<i32>} : memref<2x128x128xf32, #tpu.memory_space<vmem>>, vector<16xf32>,
        %get3A_345 = arith.index_cast %rem3A_64 : i32 to index
        %get3A_346 = arith.index_cast %add3A_316 : i32 to index
        %get3A_347 = arith.constant 80 : index
        %get3A_348 = tpu.vector_load %arg8[%get3A_345, %get3A_346, %get3A_347] {strides = array<i32>} : memref<2x128x128xf32, #tpu.memory_space<vmem>>, vector<16xf32>,
        %get3A_349 = arith.index_cast %rem3A_64 : i32 to index
        %get3A_350 = arith.index_cast %add3A_316 : i32 to index
        %get3A_351 = arith.constant 16 : index
        %get3A_352 = tpu.vector_load %arg9[%get3A_349, %get3A_350, %get3A_351] {strides = array<i32>} : memref<2x128x128xf32, #tpu.memory_space<vmem>>, vector<16xf32>,
        %get3A_353 = arith.index_cast %rem3A_64 : i32 to index
        %get3A_354 = arith.index_cast %add3A_316 : i32 to index
        %get3A_355 = arith.constant 80 : index
        %get3A_356 = tpu.vector_load %arg9[%get3A_353, %get3A_354, %get3A_355] {strides = array<i32>} : memref<2x128x128xf32, #tpu.memory_space<vmem>>, vector<16xf32>,
        %mul3A_357 = arith.mulf %get3A_43, %get3A_352 : vector<16xf32>
        %mul3A_358 = arith.mulf %get3A_51, %get3A_356 : vector<16xf32>
        %add3A_359 = arith.addf %mul3A_357, %mul3A_358 : vector<16xf32>
        %mul3A_360 = arith.mulf %get3A_344, %add3A_359 : vector<16xf32>
        %mul3A_361 = arith.mulf %get3A_43, %get3A_356 : vector<16xf32>
        %mul3A_362 = arith.mulf %get3A_51, %get3A_352 : vector<16xf32>
        %sub3A_363 = arith.subf %mul3A_361, %mul3A_362 : vector<16xf32>
        %mul3A_364 = arith.mulf %get3A_348, %sub3A_363 : vector<16xf32>
        %add3A_365 = arith.addf %mul3A_336, %mul3A_360 : vector<16xf32>
        %add3A_366 = arith.addf %mul3A_340, %mul3A_364 : vector<16xf32>
        %get3A_367 = arith.index_cast %rem3A_64 : i32 to index
        %get3A_368 = arith.index_cast %add3A_316 : i32 to index
        %get3A_369 = arith.constant 32 : index
        %get3A_370 = tpu.vector_load %arg8[%get3A_367, %get3A_368, %get3A_369] {strides = array<i32>} : memref<2x128x128xf32, #tpu.memory_space<vmem>>, vector<16xf32>,
        %get3A_371 = arith.index_cast %rem3A_64 : i32 to index
        %get3A_372 = arith.index_cast %add3A_316 : i32 to index
        %get3A_373 = arith.constant 96 : index
        %get3A_374 = tpu.vector_load %arg8[%get3A_371, %get3A_372, %get3A_373] {strides = array<i32>} : memref<2x128x128xf32, #tpu.memory_space<vmem>>, vector<16xf32>,
        %get3A_375 = arith.index_cast %rem3A_64 : i32 to index
        %get3A_376 = arith.index_cast %add3A_316 : i32 to index
        %get3A_377 = arith.constant 32 : index
        %get3A_378 = tpu.vector_load %arg9[%get3A_375, %get3A_376, %get3A_377] {strides = array<i32>} : memref<2x128x128xf32, #tpu.memory_space<vmem>>, vector<16xf32>,
        %get3A_379 = arith.index_cast %rem3A_64 : i32 to index
        %get3A_380 = arith.index_cast %add3A_316 : i32 to index
        %get3A_381 = arith.constant 96 : index
        %get3A_382 = tpu.vector_load %arg9[%get3A_379, %get3A_380, %get3A_381] {strides = array<i32>} : memref<2x128x128xf32, #tpu.memory_space<vmem>>, vector<16xf32>,
        %mul3A_383 = arith.mulf %get3A_45, %get3A_378 : vector<16xf32>
        %mul3A_384 = arith.mulf %get3A_53, %get3A_382 : vector<16xf32>
        %add3A_385 = arith.addf %mul3A_383, %mul3A_384 : vector<16xf32>
        %mul3A_386 = arith.mulf %get3A_370, %add3A_385 : vector<16xf32>
        %mul3A_387 = arith.mulf %get3A_45, %get3A_382 : vector<16xf32>
        %mul3A_388 = arith.mulf %get3A_53, %get3A_378 : vector<16xf32>
        %sub3A_389 = arith.subf %mul3A_387, %mul3A_388 : vector<16xf32>
        %mul3A_390 = arith.mulf %get3A_374, %sub3A_389 : vector<16xf32>
        %add3A_391 = arith.addf %add3A_365, %mul3A_386 : vector<16xf32>
        %add3A_392 = arith.addf %add3A_366, %mul3A_390 : vector<16xf32>
        %get3A_393 = arith.index_cast %rem3A_64 : i32 to index
        %get3A_394 = arith.index_cast %add3A_316 : i32 to index
        %get3A_395 = arith.constant 48 : index
        %get3A_396 = tpu.vector_load %arg8[%get3A_393, %get3A_394, %get3A_395] {strides = array<i32>} : memref<2x128x128xf32, #tpu.memory_space<vmem>>, vector<16xf32>,
        %get3A_397 = arith.index_cast %rem3A_64 : i32 to index
        %get3A_398 = arith.index_cast %add3A_316 : i32 to index
        %get3A_399 = arith.constant 112 : index
        %get3A_400 = tpu.vector_load %arg8[%get3A_397, %get3A_398, %get3A_399] {strides = array<i32>} : memref<2x128x128xf32, #tpu.memory_space<vmem>>, vector<16xf32>,
        %get3A_401 = arith.index_cast %rem3A_64 : i32 to index
        %get3A_402 = arith.index_cast %add3A_316 : i32 to index
        %get3A_403 = arith.constant 48 : index
        %get3A_404 = tpu.vector_load %arg9[%get3A_401, %get3A_402, %get3A_403] {strides = array<i32>} : memref<2x128x128xf32, #tpu.memory_space<vmem>>, vector<16xf32>,
        %get3A_405 = arith.index_cast %rem3A_64 : i32 to index
        %get3A_406 = arith.index_cast %add3A_316 : i32 to index
        %get3A_407 = arith.constant 112 : index
        %get3A_408 = tpu.vector_load %arg9[%get3A_405, %get3A_406, %get3A_407] {strides = array<i32>} : memref<2x128x128xf32, #tpu.memory_space<vmem>>, vector<16xf32>,
        %mul3A_409 = arith.mulf %get3A_47, %get3A_404 : vector<16xf32>
        %mul3A_410 = arith.mulf %get3A_55, %get3A_408 : vector<16xf32>
        %add3A_411 = arith.addf %mul3A_409, %mul3A_410 : vector<16xf32>
        %mul3A_412 = arith.mulf %get3A_396, %add3A_411 : vector<16xf32>
        %mul3A_413 = arith.mulf %get3A_47, %get3A_408 : vector<16xf32>
        %mul3A_414 = arith.mulf %get3A_55, %get3A_404 : vector<16xf32>
        %sub3A_415 = arith.subf %mul3A_413, %mul3A_414 : vector<16xf32>
        %mul3A_416 = arith.mulf %get3A_400, %sub3A_415 : vector<16xf32>
        %add3A_417 = arith.addf %add3A_391, %mul3A_412 : vector<16xf32>
        %add3A_418 = arith.addf %add3A_392, %mul3A_416 : vector<16xf32>
        %add3A_419 = arith.addf %add3A_417, %add3A_418 : vector<16xf32>
        %mul3A_420 = arith.constant 16 : i32
        %mul3A_421 = arith.muli %scan3A_98, %mul3A_420 : i32
        %add3A_422 = arith.constant 3 : i32
        %add3A_423 = arith.addi %mul3A_421, %add3A_422 : i32
        %get3A_424 = arith.index_cast %rem3A_64 : i32 to index
        %get3A_425 = arith.index_cast %add3A_423 : i32 to index
        %get3A_426 = arith.constant 0 : index
        %get3A_427 = tpu.vector_load %arg8[%get3A_424, %get3A_425, %get3A_426] {strides = array<i32>} : memref<2x128x128xf32, #tpu.memory_space<vmem>>, vector<16xf32>,
        %get3A_428 = arith.index_cast %rem3A_64 : i32 to index
        %get3A_429 = arith.index_cast %add3A_423 : i32 to index
        %get3A_430 = arith.constant 64 : index
        %get3A_431 = tpu.vector_load %arg8[%get3A_428, %get3A_429, %get3A_430] {strides = array<i32>} : memref<2x128x128xf32, #tpu.memory_space<vmem>>, vector<16xf32>,
        %get3A_432 = arith.index_cast %rem3A_64 : i32 to index
        %get3A_433 = arith.index_cast %add3A_423 : i32 to index
        %get3A_434 = arith.constant 0 : index
        %get3A_435 = tpu.vector_load %arg9[%get3A_432, %get3A_433, %get3A_434] {strides = array<i32>} : memref<2x128x128xf32, #tpu.memory_space<vmem>>, vector<16xf32>,
        %get3A_436 = arith.index_cast %rem3A_64 : i32 to index
        %get3A_437 = arith.index_cast %add3A_423 : i32 to index
        %get3A_438 = arith.constant 64 : index
        %get3A_439 = tpu.vector_load %arg9[%get3A_436, %get3A_437, %get3A_438] {strides = array<i32>} : memref<2x128x128xf32, #tpu.memory_space<vmem>>, vector<16xf32>,
        %mul3A_440 = arith.mulf %get3A_41, %get3A_435 : vector<16xf32>
        %mul3A_441 = arith.mulf %get3A_49, %get3A_439 : vector<16xf32>
        %add3A_442 = arith.addf %mul3A_440, %mul3A_441 : vector<16xf32>
        %mul3A_443 = arith.mulf %get3A_427, %add3A_442 : vector<16xf32>
        %mul3A_444 = arith.mulf %get3A_41, %get3A_439 : vector<16xf32>
        %mul3A_445 = arith.mulf %get3A_49, %get3A_435 : vector<16xf32>
        %sub3A_446 = arith.subf %mul3A_444, %mul3A_445 : vector<16xf32>
        %mul3A_447 = arith.mulf %get3A_431, %sub3A_446 : vector<16xf32>
        %get3A_448 = arith.index_cast %rem3A_64 : i32 to index
        %get3A_449 = arith.index_cast %add3A_423 : i32 to index
        %get3A_450 = arith.constant 16 : index
        %get3A_451 = tpu.vector_load %arg8[%get3A_448, %get3A_449, %get3A_450] {strides = array<i32>} : memref<2x128x128xf32, #tpu.memory_space<vmem>>, vector<16xf32>,
        %get3A_452 = arith.index_cast %rem3A_64 : i32 to index
        %get3A_453 = arith.index_cast %add3A_423 : i32 to index
        %get3A_454 = arith.constant 80 : index
        %get3A_455 = tpu.vector_load %arg8[%get3A_452, %get3A_453, %get3A_454] {strides = array<i32>} : memref<2x128x128xf32, #tpu.memory_space<vmem>>, vector<16xf32>,
        %get3A_456 = arith.index_cast %rem3A_64 : i32 to index
        %get3A_457 = arith.index_cast %add3A_423 : i32 to index
        %get3A_458 = arith.constant 16 : index
        %get3A_459 = tpu.vector_load %arg9[%get3A_456, %get3A_457, %get3A_458] {strides = array<i32>} : memref<2x128x128xf32, #tpu.memory_space<vmem>>, vector<16xf32>,
        %get3A_460 = arith.index_cast %rem3A_64 : i32 to index
        %get3A_461 = arith.index_cast %add3A_423 : i32 to index
        %get3A_462 = arith.constant 80 : index
        %get3A_463 = tpu.vector_load %arg9[%get3A_460, %get3A_461, %get3A_462] {strides = array<i32>} : memref<2x128x128xf32, #tpu.memory_space<vmem>>, vector<16xf32>,
        %mul3A_464 = arith.mulf %get3A_43, %get3A_459 : vector<16xf32>
        %mul3A_465 = arith.mulf %get3A_51, %get3A_463 : vector<16xf32>
        %add3A_466 = arith.addf %mul3A_464, %mul3A_465 : vector<16xf32>
        %mul3A_467 = arith.mulf %get3A_451, %add3A_466 : vector<16xf32>
        %mul3A_468 = arith.mulf %get3A_43, %get3A_463 : vector<16xf32>
        %mul3A_469 = arith.mulf %get3A_51, %get3A_459 : vector<16xf32>
        %sub3A_470 = arith.subf %mul3A_468, %mul3A_469 : vector<16xf32>
        %mul3A_471 = arith.mulf %get3A_455, %sub3A_470 : vector<16xf32>
        %add3A_472 = arith.addf %mul3A_443, %mul3A_467 : vector<16xf32>
        %add3A_473 = arith.addf %mul3A_447, %mul3A_471 : vector<16xf32>
        %get3A_474 = arith.index_cast %rem3A_64 : i32 to index
        %get3A_475 = arith.index_cast %add3A_423 : i32 to index
        %get3A_476 = arith.constant 32 : index
        %get3A_477 = tpu.vector_load %arg8[%get3A_474, %get3A_475, %get3A_476] {strides = array<i32>} : memref<2x128x128xf32, #tpu.memory_space<vmem>>, vector<16xf32>,
        %get3A_478 = arith.index_cast %rem3A_64 : i32 to index
        %get3A_479 = arith.index_cast %add3A_423 : i32 to index
        %get3A_480 = arith.constant 96 : index
        %get3A_481 = tpu.vector_load %arg8[%get3A_478, %get3A_479, %get3A_480] {strides = array<i32>} : memref<2x128x128xf32, #tpu.memory_space<vmem>>, vector<16xf32>,
        %get3A_482 = arith.index_cast %rem3A_64 : i32 to index
        %get3A_483 = arith.index_cast %add3A_423 : i32 to index
        %get3A_484 = arith.constant 32 : index
        %get3A_485 = tpu.vector_load %arg9[%get3A_482, %get3A_483, %get3A_484] {strides = array<i32>} : memref<2x128x128xf32, #tpu.memory_space<vmem>>, vector<16xf32>,
        %get3A_486 = arith.index_cast %rem3A_64 : i32 to index
        %get3A_487 = arith.index_cast %add3A_423 : i32 to index
        %get3A_488 = arith.constant 96 : index
        %get3A_489 = tpu.vector_load %arg9[%get3A_486, %get3A_487, %get3A_488] {strides = array<i32>} : memref<2x128x128xf32, #tpu.memory_space<vmem>>, vector<16xf32>,
        %mul3A_490 = arith.mulf %get3A_45, %get3A_485 : vector<16xf32>
        %mul3A_491 = arith.mulf %get3A_53, %get3A_489 : vector<16xf32>
        %add3A_492 = arith.addf %mul3A_490, %mul3A_491 : vector<16xf32>
        %mul3A_493 = arith.mulf %get3A_477, %add3A_492 : vector<16xf32>
        %mul3A_494 = arith.mulf %get3A_45, %get3A_489 : vector<16xf32>
        %mul3A_495 = arith.mulf %get3A_53, %get3A_485 : vector<16xf32>
        %sub3A_496 = arith.subf %mul3A_494, %mul3A_495 : vector<16xf32>
        %mul3A_497 = arith.mulf %get3A_481, %sub3A_496 : vector<16xf32>
        %add3A_498 = arith.addf %add3A_472, %mul3A_493 : vector<16xf32>
        %add3A_499 = arith.addf %add3A_473, %mul3A_497 : vector<16xf32>
        %get3A_500 = arith.index_cast %rem3A_64 : i32 to index
        %get3A_501 = arith.index_cast %add3A_423 : i32 to index
        %get3A_502 = arith.constant 48 : index
        %get3A_503 = tpu.vector_load %arg8[%get3A_500, %get3A_501, %get3A_502] {strides = array<i32>} : memref<2x128x128xf32, #tpu.memory_space<vmem>>, vector<16xf32>,
        %get3A_504 = arith.index_cast %rem3A_64 : i32 to index
        %get3A_505 = arith.index_cast %add3A_423 : i32 to index
        %get3A_506 = arith.constant 112 : index
        %get3A_507 = tpu.vector_load %arg8[%get3A_504, %get3A_505, %get3A_506] {strides = array<i32>} : memref<2x128x128xf32, #tpu.memory_space<vmem>>, vector<16xf32>,
        %get3A_508 = arith.index_cast %rem3A_64 : i32 to index
        %get3A_509 = arith.index_cast %add3A_423 : i32 to index
        %get3A_510 = arith.constant 48 : index
        %get3A_511 = tpu.vector_load %arg9[%get3A_508, %get3A_509, %get3A_510] {strides = array<i32>} : memref<2x128x128xf32, #tpu.memory_space<vmem>>, vector<16xf32>,
        %get3A_512 = arith.index_cast %rem3A_64 : i32 to index
        %get3A_513 = arith.index_cast %add3A_423 : i32 to index
        %get3A_514 = arith.constant 112 : index
        %get3A_515 = tpu.vector_load %arg9[%get3A_512, %get3A_513, %get3A_514] {strides = array<i32>} : memref<2x128x128xf32, #tpu.memory_space<vmem>>, vector<16xf32>,
        %mul3A_516 = arith.mulf %get3A_47, %get3A_511 : vector<16xf32>
        %mul3A_517 = arith.mulf %get3A_55, %get3A_515 : vector<16xf32>
        %add3A_518 = arith.addf %mul3A_516, %mul3A_517 : vector<16xf32>
        %mul3A_519 = arith.mulf %get3A_503, %add3A_518 : vector<16xf32>
        %mul3A_520 = arith.mulf %get3A_47, %get3A_515 : vector<16xf32>
        %mul3A_521 = arith.mulf %get3A_55, %get3A_511 : vector<16xf32>
        %sub3A_522 = arith.subf %mul3A_520, %mul3A_521 : vector<16xf32>
        %mul3A_523 = arith.mulf %get3A_507, %sub3A_522 : vector<16xf32>
        %add3A_524 = arith.addf %add3A_498, %mul3A_519 : vector<16xf32>
        %add3A_525 = arith.addf %add3A_499, %mul3A_523 : vector<16xf32>
        %add3A_526 = arith.addf %add3A_524, %add3A_525 : vector<16xf32>
        %mul3A_527 = arith.constant 16 : i32
        %mul3A_528 = arith.muli %scan3A_98, %mul3A_527 : i32
        %add3A_529 = arith.constant 4 : i32
        %add3A_530 = arith.addi %mul3A_528, %add3A_529 : i32
        %get3A_531 = arith.index_cast %rem3A_64 : i32 to index
        %get3A_532 = arith.index_cast %add3A_530 : i32 to index
        %get3A_533 = arith.constant 0 : index
        %get3A_534 = tpu.vector_load %arg8[%get3A_531, %get3A_532, %get3A_533] {strides = array<i32>} : memref<2x128x128xf32, #tpu.memory_space<vmem>>, vector<16xf32>,
        %get3A_535 = arith.index_cast %rem3A_64 : i32 to index
        %get3A_536 = arith.index_cast %add3A_530 : i32 to index
        %get3A_537 = arith.constant 64 : index
        %get3A_538 = tpu.vector_load %arg8[%get3A_535, %get3A_536, %get3A_537] {strides = array<i32>} : memref<2x128x128xf32, #tpu.memory_space<vmem>>, vector<16xf32>,
        %get3A_539 = arith.index_cast %rem3A_64 : i32 to index
        %get3A_540 = arith.index_cast %add3A_530 : i32 to index
        %get3A_541 = arith.constant 0 : index
        %get3A_542 = tpu.vector_load %arg9[%get3A_539, %get3A_540, %get3A_541] {strides = array<i32>} : memref<2x128x128xf32, #tpu.memory_space<vmem>>, vector<16xf32>,
        %get3A_543 = arith.index_cast %rem3A_64 : i32 to index
        %get3A_544 = arith.index_cast %add3A_530 : i32 to index
        %get3A_545 = arith.constant 64 : index
        %get3A_546 = tpu.vector_load %arg9[%get3A_543, %get3A_544, %get3A_545] {strides = array<i32>} : memref<2x128x128xf32, #tpu.memory_space<vmem>>, vector<16xf32>,
        %mul3A_547 = arith.mulf %get3A_41, %get3A_542 : vector<16xf32>
        %mul3A_548 = arith.mulf %get3A_49, %get3A_546 : vector<16xf32>
        %add3A_549 = arith.addf %mul3A_547, %mul3A_548 : vector<16xf32>
        %mul3A_550 = arith.mulf %get3A_534, %add3A_549 : vector<16xf32>
        %mul3A_551 = arith.mulf %get3A_41, %get3A_546 : vector<16xf32>
        %mul3A_552 = arith.mulf %get3A_49, %get3A_542 : vector<16xf32>
        %sub3A_553 = arith.subf %mul3A_551, %mul3A_552 : vector<16xf32>
        %mul3A_554 = arith.mulf %get3A_538, %sub3A_553 : vector<16xf32>
        %get3A_555 = arith.index_cast %rem3A_64 : i32 to index
        %get3A_556 = arith.index_cast %add3A_530 : i32 to index
        %get3A_557 = arith.constant 16 : index
        %get3A_558 = tpu.vector_load %arg8[%get3A_555, %get3A_556, %get3A_557] {strides = array<i32>} : memref<2x128x128xf32, #tpu.memory_space<vmem>>, vector<16xf32>,
        %get3A_559 = arith.index_cast %rem3A_64 : i32 to index
        %get3A_560 = arith.index_cast %add3A_530 : i32 to index
        %get3A_561 = arith.constant 80 : index
        %get3A_562 = tpu.vector_load %arg8[%get3A_559, %get3A_560, %get3A_561] {strides = array<i32>} : memref<2x128x128xf32, #tpu.memory_space<vmem>>, vector<16xf32>,
        %get3A_563 = arith.index_cast %rem3A_64 : i32 to index
        %get3A_564 = arith.index_cast %add3A_530 : i32 to index
        %get3A_565 = arith.constant 16 : index
        %get3A_566 = tpu.vector_load %arg9[%get3A_563, %get3A_564, %get3A_565] {strides = array<i32>} : memref<2x128x128xf32, #tpu.memory_space<vmem>>, vector<16xf32>,
        %get3A_567 = arith.index_cast %rem3A_64 : i32 to index
        %get3A_568 = arith.index_cast %add3A_530 : i32 to index
        %get3A_569 = arith.constant 80 : index
        %get3A_570 = tpu.vector_load %arg9[%get3A_567, %get3A_568, %get3A_569] {strides = array<i32>} : memref<2x128x128xf32, #tpu.memory_space<vmem>>, vector<16xf32>,
        %mul3A_571 = arith.mulf %get3A_43, %get3A_566 : vector<16xf32>
        %mul3A_572 = arith.mulf %get3A_51, %get3A_570 : vector<16xf32>
        %add3A_573 = arith.addf %mul3A_571, %mul3A_572 : vector<16xf32>
        %mul3A_574 = arith.mulf %get3A_558, %add3A_573 : vector<16xf32>
        %mul3A_575 = arith.mulf %get3A_43, %get3A_570 : vector<16xf32>
        %mul3A_576 = arith.mulf %get3A_51, %get3A_566 : vector<16xf32>
        %sub3A_577 = arith.subf %mul3A_575, %mul3A_576 : vector<16xf32>
        %mul3A_578 = arith.mulf %get3A_562, %sub3A_577 : vector<16xf32>
        %add3A_579 = arith.addf %mul3A_550, %mul3A_574 : vector<16xf32>
        %add3A_580 = arith.addf %mul3A_554, %mul3A_578 : vector<16xf32>
        %get3A_581 = arith.index_cast %rem3A_64 : i32 to index
        %get3A_582 = arith.index_cast %add3A_530 : i32 to index
        %get3A_583 = arith.constant 32 : index
        %get3A_584 = tpu.vector_load %arg8[%get3A_581, %get3A_582, %get3A_583] {strides = array<i32>} : memref<2x128x128xf32, #tpu.memory_space<vmem>>, vector<16xf32>,
        %get3A_585 = arith.index_cast %rem3A_64 : i32 to index
        %get3A_586 = arith.index_cast %add3A_530 : i32 to index
        %get3A_587 = arith.constant 96 : index
        %get3A_588 = tpu.vector_load %arg8[%get3A_585, %get3A_586, %get3A_587] {strides = array<i32>} : memref<2x128x128xf32, #tpu.memory_space<vmem>>, vector<16xf32>,
        %get3A_589 = arith.index_cast %rem3A_64 : i32 to index
        %get3A_590 = arith.index_cast %add3A_530 : i32 to index
        %get3A_591 = arith.constant 32 : index
        %get3A_592 = tpu.vector_load %arg9[%get3A_589, %get3A_590, %get3A_591] {strides = array<i32>} : memref<2x128x128xf32, #tpu.memory_space<vmem>>, vector<16xf32>,
        %get3A_593 = arith.index_cast %rem3A_64 : i32 to index
        %get3A_594 = arith.index_cast %add3A_530 : i32 to index
        %get3A_595 = arith.constant 96 : index
        %get3A_596 = tpu.vector_load %arg9[%get3A_593, %get3A_594, %get3A_595] {strides = array<i32>} : memref<2x128x128xf32, #tpu.memory_space<vmem>>, vector<16xf32>,
        %mul3A_597 = arith.mulf %get3A_45, %get3A_592 : vector<16xf32>
        %mul3A_598 = arith.mulf %get3A_53, %get3A_596 : vector<16xf32>
        %add3A_599 = arith.addf %mul3A_597, %mul3A_598 : vector<16xf32>
        %mul3A_600 = arith.mulf %get3A_584, %add3A_599 : vector<16xf32>
        %mul3A_601 = arith.mulf %get3A_45, %get3A_596 : vector<16xf32>
        %mul3A_602 = arith.mulf %get3A_53, %get3A_592 : vector<16xf32>
        %sub3A_603 = arith.subf %mul3A_601, %mul3A_602 : vector<16xf32>
        %mul3A_604 = arith.mulf %get3A_588, %sub3A_603 : vector<16xf32>
        %add3A_605 = arith.addf %add3A_579, %mul3A_600 : vector<16xf32>
        %add3A_606 = arith.addf %add3A_580, %mul3A_604 : vector<16xf32>
        %get3A_607 = arith.index_cast %rem3A_64 : i32 to index
        %get3A_608 = arith.index_cast %add3A_530 : i32 to index
        %get3A_609 = arith.constant 48 : index
        %get3A_610 = tpu.vector_load %arg8[%get3A_607, %get3A_608, %get3A_609] {strides = array<i32>} : memref<2x128x128xf32, #tpu.memory_space<vmem>>, vector<16xf32>,
        %get3A_611 = arith.index_cast %rem3A_64 : i32 to index
        %get3A_612 = arith.index_cast %add3A_530 : i32 to index
        %get3A_613 = arith.constant 112 : index
        %get3A_614 = tpu.vector_load %arg8[%get3A_611, %get3A_612, %get3A_613] {strides = array<i32>} : memref<2x128x128xf32, #tpu.memory_space<vmem>>, vector<16xf32>,
        %get3A_615 = arith.index_cast %rem3A_64 : i32 to index
        %get3A_616 = arith.index_cast %add3A_530 : i32 to index
        %get3A_617 = arith.constant 48 : index
        %get3A_618 = tpu.vector_load %arg9[%get3A_615, %get3A_616, %get3A_617] {strides = array<i32>} : memref<2x128x128xf32, #tpu.memory_space<vmem>>, vector<16xf32>,
        %get3A_619 = arith.index_cast %rem3A_64 : i32 to index
        %get3A_620 = arith.index_cast %add3A_530 : i32 to index
        %get3A_621 = arith.constant 112 : index
        %get3A_622 = tpu.vector_load %arg9[%get3A_619, %get3A_620, %get3A_621] {strides = array<i32>} : memref<2x128x128xf32, #tpu.memory_space<vmem>>, vector<16xf32>,
        %mul3A_623 = arith.mulf %get3A_47, %get3A_618 : vector<16xf32>
        %mul3A_624 = arith.mulf %get3A_55, %get3A_622 : vector<16xf32>
        %add3A_625 = arith.addf %mul3A_623, %mul3A_624 : vector<16xf32>
        %mul3A_626 = arith.mulf %get3A_610, %add3A_625 : vector<16xf32>
        %mul3A_627 = arith.mulf %get3A_47, %get3A_622 : vector<16xf32>
        %mul3A_628 = arith.mulf %get3A_55, %get3A_618 : vector<16xf32>
        %sub3A_629 = arith.subf %mul3A_627, %mul3A_628 : vector<16xf32>
        %mul3A_630 = arith.mulf %get3A_614, %sub3A_629 : vector<16xf32>
        %add3A_631 = arith.addf %add3A_605, %mul3A_626 : vector<16xf32>
        %add3A_632 = arith.addf %add3A_606, %mul3A_630 : vector<16xf32>
        %add3A_633 = arith.addf %add3A_631, %add3A_632 : vector<16xf32>
        %mul3A_634 = arith.constant 16 : i32
        %mul3A_635 = arith.muli %scan3A_98, %mul3A_634 : i32
        %add3A_636 = arith.constant 5 : i32
        %add3A_637 = arith.addi %mul3A_635, %add3A_636 : i32
        %get3A_638 = arith.index_cast %rem3A_64 : i32 to index
        %get3A_639 = arith.index_cast %add3A_637 : i32 to index
        %get3A_640 = arith.constant 0 : index
        %get3A_641 = tpu.vector_load %arg8[%get3A_638, %get3A_639, %get3A_640] {strides = array<i32>} : memref<2x128x128xf32, #tpu.memory_space<vmem>>, vector<16xf32>,
        %get3A_642 = arith.index_cast %rem3A_64 : i32 to index
        %get3A_643 = arith.index_cast %add3A_637 : i32 to index
        %get3A_644 = arith.constant 64 : index
        %get3A_645 = tpu.vector_load %arg8[%get3A_642, %get3A_643, %get3A_644] {strides = array<i32>} : memref<2x128x128xf32, #tpu.memory_space<vmem>>, vector<16xf32>,
        %get3A_646 = arith.index_cast %rem3A_64 : i32 to index
        %get3A_647 = arith.index_cast %add3A_637 : i32 to index
        %get3A_648 = arith.constant 0 : index
        %get3A_649 = tpu.vector_load %arg9[%get3A_646, %get3A_647, %get3A_648] {strides = array<i32>} : memref<2x128x128xf32, #tpu.memory_space<vmem>>, vector<16xf32>,
        %get3A_650 = arith.index_cast %rem3A_64 : i32 to index
        %get3A_651 = arith.index_cast %add3A_637 : i32 to index
        %get3A_652 = arith.constant 64 : index
        %get3A_653 = tpu.vector_load %arg9[%get3A_650, %get3A_651, %get3A_652] {strides = array<i32>} : memref<2x128x128xf32, #tpu.memory_space<vmem>>, vector<16xf32>,
        %mul3A_654 = arith.mulf %get3A_41, %get3A_649 : vector<16xf32>
        %mul3A_655 = arith.mulf %get3A_49, %get3A_653 : vector<16xf32>
        %add3A_656 = arith.addf %mul3A_654, %mul3A_655 : vector<16xf32>
        %mul3A_657 = arith.mulf %get3A_641, %add3A_656 : vector<16xf32>
        %mul3A_658 = arith.mulf %get3A_41, %get3A_653 : vector<16xf32>
        %mul3A_659 = arith.mulf %get3A_49, %get3A_649 : vector<16xf32>
        %sub3A_660 = arith.subf %mul3A_658, %mul3A_659 : vector<16xf32>
        %mul3A_661 = arith.mulf %get3A_645, %sub3A_660 : vector<16xf32>
        %get3A_662 = arith.index_cast %rem3A_64 : i32 to index
        %get3A_663 = arith.index_cast %add3A_637 : i32 to index
        %get3A_664 = arith.constant 16 : index
        %get3A_665 = tpu.vector_load %arg8[%get3A_662, %get3A_663, %get3A_664] {strides = array<i32>} : memref<2x128x128xf32, #tpu.memory_space<vmem>>, vector<16xf32>,
        %get3A_666 = arith.index_cast %rem3A_64 : i32 to index
        %get3A_667 = arith.index_cast %add3A_637 : i32 to index
        %get3A_668 = arith.constant 80 : index
        %get3A_669 = tpu.vector_load %arg8[%get3A_666, %get3A_667, %get3A_668] {strides = array<i32>} : memref<2x128x128xf32, #tpu.memory_space<vmem>>, vector<16xf32>,
        %get3A_670 = arith.index_cast %rem3A_64 : i32 to index
        %get3A_671 = arith.index_cast %add3A_637 : i32 to index
        %get3A_672 = arith.constant 16 : index
        %get3A_673 = tpu.vector_load %arg9[%get3A_670, %get3A_671, %get3A_672] {strides = array<i32>} : memref<2x128x128xf32, #tpu.memory_space<vmem>>, vector<16xf32>,
        %get3A_674 = arith.index_cast %rem3A_64 : i32 to index
        %get3A_675 = arith.index_cast %add3A_637 : i32 to index
        %get3A_676 = arith.constant 80 : index
        %get3A_677 = tpu.vector_load %arg9[%get3A_674, %get3A_675, %get3A_676] {strides = array<i32>} : memref<2x128x128xf32, #tpu.memory_space<vmem>>, vector<16xf32>,
        %mul3A_678 = arith.mulf %get3A_43, %get3A_673 : vector<16xf32>
        %mul3A_679 = arith.mulf %get3A_51, %get3A_677 : vector<16xf32>
        %add3A_680 = arith.addf %mul3A_678, %mul3A_679 : vector<16xf32>
        %mul3A_681 = arith.mulf %get3A_665, %add3A_680 : vector<16xf32>
        %mul3A_682 = arith.mulf %get3A_43, %get3A_677 : vector<16xf32>
        %mul3A_683 = arith.mulf %get3A_51, %get3A_673 : vector<16xf32>
        %sub3A_684 = arith.subf %mul3A_682, %mul3A_683 : vector<16xf32>
        %mul3A_685 = arith.mulf %get3A_669, %sub3A_684 : vector<16xf32>
        %add3A_686 = arith.addf %mul3A_657, %mul3A_681 : vector<16xf32>
        %add3A_687 = arith.addf %mul3A_661, %mul3A_685 : vector<16xf32>
        %get3A_688 = arith.index_cast %rem3A_64 : i32 to index
        %get3A_689 = arith.index_cast %add3A_637 : i32 to index
        %get3A_690 = arith.constant 32 : index
        %get3A_691 = tpu.vector_load %arg8[%get3A_688, %get3A_689, %get3A_690] {strides = array<i32>} : memref<2x128x128xf32, #tpu.memory_space<vmem>>, vector<16xf32>,
        %get3A_692 = arith.index_cast %rem3A_64 : i32 to index
        %get3A_693 = arith.index_cast %add3A_637 : i32 to index
        %get3A_694 = arith.constant 96 : index
        %get3A_695 = tpu.vector_load %arg8[%get3A_692, %get3A_693, %get3A_694] {strides = array<i32>} : memref<2x128x128xf32, #tpu.memory_space<vmem>>, vector<16xf32>,
        %get3A_696 = arith.index_cast %rem3A_64 : i32 to index
        %get3A_697 = arith.index_cast %add3A_637 : i32 to index
        %get3A_698 = arith.constant 32 : index
        %get3A_699 = tpu.vector_load %arg9[%get3A_696, %get3A_697, %get3A_698] {strides = array<i32>} : memref<2x128x128xf32, #tpu.memory_space<vmem>>, vector<16xf32>,
        %get3A_700 = arith.index_cast %rem3A_64 : i32 to index
        %get3A_701 = arith.index_cast %add3A_637 : i32 to index
        %get3A_702 = arith.constant 96 : index
        %get3A_703 = tpu.vector_load %arg9[%get3A_700, %get3A_701, %get3A_702] {strides = array<i32>} : memref<2x128x128xf32, #tpu.memory_space<vmem>>, vector<16xf32>,
        %mul3A_704 = arith.mulf %get3A_45, %get3A_699 : vector<16xf32>
        %mul3A_705 = arith.mulf %get3A_53, %get3A_703 : vector<16xf32>
        %add3A_706 = arith.addf %mul3A_704, %mul3A_705 : vector<16xf32>
        %mul3A_707 = arith.mulf %get3A_691, %add3A_706 : vector<16xf32>
        %mul3A_708 = arith.mulf %get3A_45, %get3A_703 : vector<16xf32>
        %mul3A_709 = arith.mulf %get3A_53, %get3A_699 : vector<16xf32>
        %sub3A_710 = arith.subf %mul3A_708, %mul3A_709 : vector<16xf32>
        %mul3A_711 = arith.mulf %get3A_695, %sub3A_710 : vector<16xf32>
        %add3A_712 = arith.addf %add3A_686, %mul3A_707 : vector<16xf32>
        %add3A_713 = arith.addf %add3A_687, %mul3A_711 : vector<16xf32>
        %get3A_714 = arith.index_cast %rem3A_64 : i32 to index
        %get3A_715 = arith.index_cast %add3A_637 : i32 to index
        %get3A_716 = arith.constant 48 : index
        %get3A_717 = tpu.vector_load %arg8[%get3A_714, %get3A_715, %get3A_716] {strides = array<i32>} : memref<2x128x128xf32, #tpu.memory_space<vmem>>, vector<16xf32>,
        %get3A_718 = arith.index_cast %rem3A_64 : i32 to index
        %get3A_719 = arith.index_cast %add3A_637 : i32 to index
        %get3A_720 = arith.constant 112 : index
        %get3A_721 = tpu.vector_load %arg8[%get3A_718, %get3A_719, %get3A_720] {strides = array<i32>} : memref<2x128x128xf32, #tpu.memory_space<vmem>>, vector<16xf32>,
        %get3A_722 = arith.index_cast %rem3A_64 : i32 to index
        %get3A_723 = arith.index_cast %add3A_637 : i32 to index
        %get3A_724 = arith.constant 48 : index
        %get3A_725 = tpu.vector_load %arg9[%get3A_722, %get3A_723, %get3A_724] {strides = array<i32>} : memref<2x128x128xf32, #tpu.memory_space<vmem>>, vector<16xf32>,
        %get3A_726 = arith.index_cast %rem3A_64 : i32 to index
        %get3A_727 = arith.index_cast %add3A_637 : i32 to index
        %get3A_728 = arith.constant 112 : index
        %get3A_729 = tpu.vector_load %arg9[%get3A_726, %get3A_727, %get3A_728] {strides = array<i32>} : memref<2x128x128xf32, #tpu.memory_space<vmem>>, vector<16xf32>,
        %mul3A_730 = arith.mulf %get3A_47, %get3A_725 : vector<16xf32>
        %mul3A_731 = arith.mulf %get3A_55, %get3A_729 : vector<16xf32>
        %add3A_732 = arith.addf %mul3A_730, %mul3A_731 : vector<16xf32>
        %mul3A_733 = arith.mulf %get3A_717, %add3A_732 : vector<16xf32>
        %mul3A_734 = arith.mulf %get3A_47, %get3A_729 : vector<16xf32>
        %mul3A_735 = arith.mulf %get3A_55, %get3A_725 : vector<16xf32>
        %sub3A_736 = arith.subf %mul3A_734, %mul3A_735 : vector<16xf32>
        %mul3A_737 = arith.mulf %get3A_721, %sub3A_736 : vector<16xf32>
        %add3A_738 = arith.addf %add3A_712, %mul3A_733 : vector<16xf32>
        %add3A_739 = arith.addf %add3A_713, %mul3A_737 : vector<16xf32>
        %add3A_740 = arith.addf %add3A_738, %add3A_739 : vector<16xf32>
        %mul3A_741 = arith.constant 16 : i32
        %mul3A_742 = arith.muli %scan3A_98, %mul3A_741 : i32
        %add3A_743 = arith.constant 6 : i32
        %add3A_744 = arith.addi %mul3A_742, %add3A_743 : i32
        %get3A_745 = arith.index_cast %rem3A_64 : i32 to index
        %get3A_746 = arith.index_cast %add3A_744 : i32 to index
        %get3A_747 = arith.constant 0 : index
        %get3A_748 = tpu.vector_load %arg8[%get3A_745, %get3A_746, %get3A_747] {strides = array<i32>} : memref<2x128x128xf32, #tpu.memory_space<vmem>>, vector<16xf32>,
        %get3A_749 = arith.index_cast %rem3A_64 : i32 to index
        %get3A_750 = arith.index_cast %add3A_744 : i32 to index
        %get3A_751 = arith.constant 64 : index
        %get3A_752 = tpu.vector_load %arg8[%get3A_749, %get3A_750, %get3A_751] {strides = array<i32>} : memref<2x128x128xf32, #tpu.memory_space<vmem>>, vector<16xf32>,
        %get3A_753 = arith.index_cast %rem3A_64 : i32 to index
        %get3A_754 = arith.index_cast %add3A_744 : i32 to index
        %get3A_755 = arith.constant 0 : index
        %get3A_756 = tpu.vector_load %arg9[%get3A_753, %get3A_754, %get3A_755] {strides = array<i32>} : memref<2x128x128xf32, #tpu.memory_space<vmem>>, vector<16xf32>,
        %get3A_757 = arith.index_cast %rem3A_64 : i32 to index
        %get3A_758 = arith.index_cast %add3A_744 : i32 to index
        %get3A_759 = arith.constant 64 : index
        %get3A_760 = tpu.vector_load %arg9[%get3A_757, %get3A_758, %get3A_759] {strides = array<i32>} : memref<2x128x128xf32, #tpu.memory_space<vmem>>, vector<16xf32>,
        %mul3A_761 = arith.mulf %get3A_41, %get3A_756 : vector<16xf32>
        %mul3A_762 = arith.mulf %get3A_49, %get3A_760 : vector<16xf32>
        %add3A_763 = arith.addf %mul3A_761, %mul3A_762 : vector<16xf32>
        %mul3A_764 = arith.mulf %get3A_748, %add3A_763 : vector<16xf32>
        %mul3A_765 = arith.mulf %get3A_41, %get3A_760 : vector<16xf32>
        %mul3A_766 = arith.mulf %get3A_49, %get3A_756 : vector<16xf32>
        %sub3A_767 = arith.subf %mul3A_765, %mul3A_766 : vector<16xf32>
        %mul3A_768 = arith.mulf %get3A_752, %sub3A_767 : vector<16xf32>
        %get3A_769 = arith.index_cast %rem3A_64 : i32 to index
        %get3A_770 = arith.index_cast %add3A_744 : i32 to index
        %get3A_771 = arith.constant 16 : index
        %get3A_772 = tpu.vector_load %arg8[%get3A_769, %get3A_770, %get3A_771] {strides = array<i32>} : memref<2x128x128xf32, #tpu.memory_space<vmem>>, vector<16xf32>,
        %get3A_773 = arith.index_cast %rem3A_64 : i32 to index
        %get3A_774 = arith.index_cast %add3A_744 : i32 to index
        %get3A_775 = arith.constant 80 : index
        %get3A_776 = tpu.vector_load %arg8[%get3A_773, %get3A_774, %get3A_775] {strides = array<i32>} : memref<2x128x128xf32, #tpu.memory_space<vmem>>, vector<16xf32>,
        %get3A_777 = arith.index_cast %rem3A_64 : i32 to index
        %get3A_778 = arith.index_cast %add3A_744 : i32 to index
        %get3A_779 = arith.constant 16 : index
        %get3A_780 = tpu.vector_load %arg9[%get3A_777, %get3A_778, %get3A_779] {strides = array<i32>} : memref<2x128x128xf32, #tpu.memory_space<vmem>>, vector<16xf32>,
        %get3A_781 = arith.index_cast %rem3A_64 : i32 to index
        %get3A_782 = arith.index_cast %add3A_744 : i32 to index
        %get3A_783 = arith.constant 80 : index
        %get3A_784 = tpu.vector_load %arg9[%get3A_781, %get3A_782, %get3A_783] {strides = array<i32>} : memref<2x128x128xf32, #tpu.memory_space<vmem>>, vector<16xf32>,
        %mul3A_785 = arith.mulf %get3A_43, %get3A_780 : vector<16xf32>
        %mul3A_786 = arith.mulf %get3A_51, %get3A_784 : vector<16xf32>
        %add3A_787 = arith.addf %mul3A_785, %mul3A_786 : vector<16xf32>
        %mul3A_788 = arith.mulf %get3A_772, %add3A_787 : vector<16xf32>
        %mul3A_789 = arith.mulf %get3A_43, %get3A_784 : vector<16xf32>
        %mul3A_790 = arith.mulf %get3A_51, %get3A_780 : vector<16xf32>
        %sub3A_791 = arith.subf %mul3A_789, %mul3A_790 : vector<16xf32>
        %mul3A_792 = arith.mulf %get3A_776, %sub3A_791 : vector<16xf32>
        %add3A_793 = arith.addf %mul3A_764, %mul3A_788 : vector<16xf32>
        %add3A_794 = arith.addf %mul3A_768, %mul3A_792 : vector<16xf32>
        %get3A_795 = arith.index_cast %rem3A_64 : i32 to index
        %get3A_796 = arith.index_cast %add3A_744 : i32 to index
        %get3A_797 = arith.constant 32 : index
        %get3A_798 = tpu.vector_load %arg8[%get3A_795, %get3A_796, %get3A_797] {strides = array<i32>} : memref<2x128x128xf32, #tpu.memory_space<vmem>>, vector<16xf32>,
        %get3A_799 = arith.index_cast %rem3A_64 : i32 to index
        %get3A_800 = arith.index_cast %add3A_744 : i32 to index
        %get3A_801 = arith.constant 96 : index
        %get3A_802 = tpu.vector_load %arg8[%get3A_799, %get3A_800, %get3A_801] {strides = array<i32>} : memref<2x128x128xf32, #tpu.memory_space<vmem>>, vector<16xf32>,
        %get3A_803 = arith.index_cast %rem3A_64 : i32 to index
        %get3A_804 = arith.index_cast %add3A_744 : i32 to index
        %get3A_805 = arith.constant 32 : index
        %get3A_806 = tpu.vector_load %arg9[%get3A_803, %get3A_804, %get3A_805] {strides = array<i32>} : memref<2x128x128xf32, #tpu.memory_space<vmem>>, vector<16xf32>,
        %get3A_807 = arith.index_cast %rem3A_64 : i32 to index
        %get3A_808 = arith.index_cast %add3A_744 : i32 to index
        %get3A_809 = arith.constant 96 : index
        %get3A_810 = tpu.vector_load %arg9[%get3A_807, %get3A_808, %get3A_809] {strides = array<i32>} : memref<2x128x128xf32, #tpu.memory_space<vmem>>, vector<16xf32>,
        %mul3A_811 = arith.mulf %get3A_45, %get3A_806 : vector<16xf32>
        %mul3A_812 = arith.mulf %get3A_53, %get3A_810 : vector<16xf32>
        %add3A_813 = arith.addf %mul3A_811, %mul3A_812 : vector<16xf32>
        %mul3A_814 = arith.mulf %get3A_798, %add3A_813 : vector<16xf32>
        %mul3A_815 = arith.mulf %get3A_45, %get3A_810 : vector<16xf32>
        %mul3A_816 = arith.mulf %get3A_53, %get3A_806 : vector<16xf32>
        %sub3A_817 = arith.subf %mul3A_815, %mul3A_816 : vector<16xf32>
        %mul3A_818 = arith.mulf %get3A_802, %sub3A_817 : vector<16xf32>
        %add3A_819 = arith.addf %add3A_793, %mul3A_814 : vector<16xf32>
        %add3A_820 = arith.addf %add3A_794, %mul3A_818 : vector<16xf32>
        %get3A_821 = arith.index_cast %rem3A_64 : i32 to index
        %get3A_822 = arith.index_cast %add3A_744 : i32 to index
        %get3A_823 = arith.constant 48 : index
        %get3A_824 = tpu.vector_load %arg8[%get3A_821, %get3A_822, %get3A_823] {strides = array<i32>} : memref<2x128x128xf32, #tpu.memory_space<vmem>>, vector<16xf32>,
        %get3A_825 = arith.index_cast %rem3A_64 : i32 to index
        %get3A_826 = arith.index_cast %add3A_744 : i32 to index
        %get3A_827 = arith.constant 112 : index
        %get3A_828 = tpu.vector_load %arg8[%get3A_825, %get3A_826, %get3A_827] {strides = array<i32>} : memref<2x128x128xf32, #tpu.memory_space<vmem>>, vector<16xf32>,
        %get3A_829 = arith.index_cast %rem3A_64 : i32 to index
        %get3A_830 = arith.index_cast %add3A_744 : i32 to index
        %get3A_831 = arith.constant 48 : index
        %get3A_832 = tpu.vector_load %arg9[%get3A_829, %get3A_830, %get3A_831] {strides = array<i32>} : memref<2x128x128xf32, #tpu.memory_space<vmem>>, vector<16xf32>,
        %get3A_833 = arith.index_cast %rem3A_64 : i32 to index
        %get3A_834 = arith.index_cast %add3A_744 : i32 to index
        %get3A_835 = arith.constant 112 : index
        %get3A_836 = tpu.vector_load %arg9[%get3A_833, %get3A_834, %get3A_835] {strides = array<i32>} : memref<2x128x128xf32, #tpu.memory_space<vmem>>, vector<16xf32>,
        %mul3A_837 = arith.mulf %get3A_47, %get3A_832 : vector<16xf32>
        %mul3A_838 = arith.mulf %get3A_55, %get3A_836 : vector<16xf32>
        %add3A_839 = arith.addf %mul3A_837, %mul3A_838 : vector<16xf32>
        %mul3A_840 = arith.mulf %get3A_824, %add3A_839 : vector<16xf32>
        %mul3A_841 = arith.mulf %get3A_47, %get3A_836 : vector<16xf32>
        %mul3A_842 = arith.mulf %get3A_55, %get3A_832 : vector<16xf32>
        %sub3A_843 = arith.subf %mul3A_841, %mul3A_842 : vector<16xf32>
        %mul3A_844 = arith.mulf %get3A_828, %sub3A_843 : vector<16xf32>
        %add3A_845 = arith.addf %add3A_819, %mul3A_840 : vector<16xf32>
        %add3A_846 = arith.addf %add3A_820, %mul3A_844 : vector<16xf32>
        %add3A_847 = arith.addf %add3A_845, %add3A_846 : vector<16xf32>
        %mul3A_848 = arith.constant 16 : i32
        %mul3A_849 = arith.muli %scan3A_98, %mul3A_848 : i32
        %add3A_850 = arith.constant 7 : i32
        %add3A_851 = arith.addi %mul3A_849, %add3A_850 : i32
        %get3A_852 = arith.index_cast %rem3A_64 : i32 to index
        %get3A_853 = arith.index_cast %add3A_851 : i32 to index
        %get3A_854 = arith.constant 0 : index
        %get3A_855 = tpu.vector_load %arg8[%get3A_852, %get3A_853, %get3A_854] {strides = array<i32>} : memref<2x128x128xf32, #tpu.memory_space<vmem>>, vector<16xf32>,
        %get3A_856 = arith.index_cast %rem3A_64 : i32 to index
        %get3A_857 = arith.index_cast %add3A_851 : i32 to index
        %get3A_858 = arith.constant 64 : index
        %get3A_859 = tpu.vector_load %arg8[%get3A_856, %get3A_857, %get3A_858] {strides = array<i32>} : memref<2x128x128xf32, #tpu.memory_space<vmem>>, vector<16xf32>,
        %get3A_860 = arith.index_cast %rem3A_64 : i32 to index
        %get3A_861 = arith.index_cast %add3A_851 : i32 to index
        %get3A_862 = arith.constant 0 : index
        %get3A_863 = tpu.vector_load %arg9[%get3A_860, %get3A_861, %get3A_862] {strides = array<i32>} : memref<2x128x128xf32, #tpu.memory_space<vmem>>, vector<16xf32>,
        %get3A_864 = arith.index_cast %rem3A_64 : i32 to index
        %get3A_865 = arith.index_cast %add3A_851 : i32 to index
        %get3A_866 = arith.constant 64 : index
        %get3A_867 = tpu.vector_load %arg9[%get3A_864, %get3A_865, %get3A_866] {strides = array<i32>} : memref<2x128x128xf32, #tpu.memory_space<vmem>>, vector<16xf32>,
        %mul3A_868 = arith.mulf %get3A_41, %get3A_863 : vector<16xf32>
        %mul3A_869 = arith.mulf %get3A_49, %get3A_867 : vector<16xf32>
        %add3A_870 = arith.addf %mul3A_868, %mul3A_869 : vector<16xf32>
        %mul3A_871 = arith.mulf %get3A_855, %add3A_870 : vector<16xf32>
        %mul3A_872 = arith.mulf %get3A_41, %get3A_867 : vector<16xf32>
        %mul3A_873 = arith.mulf %get3A_49, %get3A_863 : vector<16xf32>
        %sub3A_874 = arith.subf %mul3A_872, %mul3A_873 : vector<16xf32>
        %mul3A_875 = arith.mulf %get3A_859, %sub3A_874 : vector<16xf32>
        %get3A_876 = arith.index_cast %rem3A_64 : i32 to index
        %get3A_877 = arith.index_cast %add3A_851 : i32 to index
        %get3A_878 = arith.constant 16 : index
        %get3A_879 = tpu.vector_load %arg8[%get3A_876, %get3A_877, %get3A_878] {strides = array<i32>} : memref<2x128x128xf32, #tpu.memory_space<vmem>>, vector<16xf32>,
        %get3A_880 = arith.index_cast %rem3A_64 : i32 to index
        %get3A_881 = arith.index_cast %add3A_851 : i32 to index
        %get3A_882 = arith.constant 80 : index
        %get3A_883 = tpu.vector_load %arg8[%get3A_880, %get3A_881, %get3A_882] {strides = array<i32>} : memref<2x128x128xf32, #tpu.memory_space<vmem>>, vector<16xf32>,
        %get3A_884 = arith.index_cast %rem3A_64 : i32 to index
        %get3A_885 = arith.index_cast %add3A_851 : i32 to index
        %get3A_886 = arith.constant 16 : index
        %get3A_887 = tpu.vector_load %arg9[%get3A_884, %get3A_885, %get3A_886] {strides = array<i32>} : memref<2x128x128xf32, #tpu.memory_space<vmem>>, vector<16xf32>,
        %get3A_888 = arith.index_cast %rem3A_64 : i32 to index
        %get3A_889 = arith.index_cast %add3A_851 : i32 to index
        %get3A_890 = arith.constant 80 : index
        %get3A_891 = tpu.vector_load %arg9[%get3A_888, %get3A_889, %get3A_890] {strides = array<i32>} : memref<2x128x128xf32, #tpu.memory_space<vmem>>, vector<16xf32>,
        %mul3A_892 = arith.mulf %get3A_43, %get3A_887 : vector<16xf32>
        %mul3A_893 = arith.mulf %get3A_51, %get3A_891 : vector<16xf32>
        %add3A_894 = arith.addf %mul3A_892, %mul3A_893 : vector<16xf32>
        %mul3A_895 = arith.mulf %get3A_879, %add3A_894 : vector<16xf32>
        %mul3A_896 = arith.mulf %get3A_43, %get3A_891 : vector<16xf32>
        %mul3A_897 = arith.mulf %get3A_51, %get3A_887 : vector<16xf32>
        %sub3A_898 = arith.subf %mul3A_896, %mul3A_897 : vector<16xf32>
        %mul3A_899 = arith.mulf %get3A_883, %sub3A_898 : vector<16xf32>
        %add3A_900 = arith.addf %mul3A_871, %mul3A_895 : vector<16xf32>
        %add3A_901 = arith.addf %mul3A_875, %mul3A_899 : vector<16xf32>
        %get3A_902 = arith.index_cast %rem3A_64 : i32 to index
        %get3A_903 = arith.index_cast %add3A_851 : i32 to index
        %get3A_904 = arith.constant 32 : index
        %get3A_905 = tpu.vector_load %arg8[%get3A_902, %get3A_903, %get3A_904] {strides = array<i32>} : memref<2x128x128xf32, #tpu.memory_space<vmem>>, vector<16xf32>,
        %get3A_906 = arith.index_cast %rem3A_64 : i32 to index
        %get3A_907 = arith.index_cast %add3A_851 : i32 to index
        %get3A_908 = arith.constant 96 : index
        %get3A_909 = tpu.vector_load %arg8[%get3A_906, %get3A_907, %get3A_908] {strides = array<i32>} : memref<2x128x128xf32, #tpu.memory_space<vmem>>, vector<16xf32>,
        %get3A_910 = arith.index_cast %rem3A_64 : i32 to index
        %get3A_911 = arith.index_cast %add3A_851 : i32 to index
        %get3A_912 = arith.constant 32 : index
        %get3A_913 = tpu.vector_load %arg9[%get3A_910, %get3A_911, %get3A_912] {strides = array<i32>} : memref<2x128x128xf32, #tpu.memory_space<vmem>>, vector<16xf32>,
        %get3A_914 = arith.index_cast %rem3A_64 : i32 to index
        %get3A_915 = arith.index_cast %add3A_851 : i32 to index
        %get3A_916 = arith.constant 96 : index
        %get3A_917 = tpu.vector_load %arg9[%get3A_914, %get3A_915, %get3A_916] {strides = array<i32>} : memref<2x128x128xf32, #tpu.memory_space<vmem>>, vector<16xf32>,
        %mul3A_918 = arith.mulf %get3A_45, %get3A_913 : vector<16xf32>
        %mul3A_919 = arith.mulf %get3A_53, %get3A_917 : vector<16xf32>
        %add3A_920 = arith.addf %mul3A_918, %mul3A_919 : vector<16xf32>
        %mul3A_921 = arith.mulf %get3A_905, %add3A_920 : vector<16xf32>
        %mul3A_922 = arith.mulf %get3A_45, %get3A_917 : vector<16xf32>
        %mul3A_923 = arith.mulf %get3A_53, %get3A_913 : vector<16xf32>
        %sub3A_924 = arith.subf %mul3A_922, %mul3A_923 : vector<16xf32>
        %mul3A_925 = arith.mulf %get3A_909, %sub3A_924 : vector<16xf32>
        %add3A_926 = arith.addf %add3A_900, %mul3A_921 : vector<16xf32>
        %add3A_927 = arith.addf %add3A_901, %mul3A_925 : vector<16xf32>
        %get3A_928 = arith.index_cast %rem3A_64 : i32 to index
        %get3A_929 = arith.index_cast %add3A_851 : i32 to index
        %get3A_930 = arith.constant 48 : index
        %get3A_931 = tpu.vector_load %arg8[%get3A_928, %get3A_929, %get3A_930] {strides = array<i32>} : memref<2x128x128xf32, #tpu.memory_space<vmem>>, vector<16xf32>,
        %get3A_932 = arith.index_cast %rem3A_64 : i32 to index
        %get3A_933 = arith.index_cast %add3A_851 : i32 to index
        %get3A_934 = arith.constant 112 : index
        %get3A_935 = tpu.vector_load %arg8[%get3A_932, %get3A_933, %get3A_934] {strides = array<i32>} : memref<2x128x128xf32, #tpu.memory_space<vmem>>, vector<16xf32>,
        %get3A_936 = arith.index_cast %rem3A_64 : i32 to index
        %get3A_937 = arith.index_cast %add3A_851 : i32 to index
        %get3A_938 = arith.constant 48 : index
        %get3A_939 = tpu.vector_load %arg9[%get3A_936, %get3A_937, %get3A_938] {strides = array<i32>} : memref<2x128x128xf32, #tpu.memory_space<vmem>>, vector<16xf32>,
        %get3A_940 = arith.index_cast %rem3A_64 : i32 to index
        %get3A_941 = arith.index_cast %add3A_851 : i32 to index
        %get3A_942 = arith.constant 112 : index
        %get3A_943 = tpu.vector_load %arg9[%get3A_940, %get3A_941, %get3A_942] {strides = array<i32>} : memref<2x128x128xf32, #tpu.memory_space<vmem>>, vector<16xf32>,
        %mul3A_944 = arith.mulf %get3A_47, %get3A_939 : vector<16xf32>
        %mul3A_945 = arith.mulf %get3A_55, %get3A_943 : vector<16xf32>
        %add3A_946 = arith.addf %mul3A_944, %mul3A_945 : vector<16xf32>
        %mul3A_947 = arith.mulf %get3A_931, %add3A_946 : vector<16xf32>
        %mul3A_948 = arith.mulf %get3A_47, %get3A_943 : vector<16xf32>
        %mul3A_949 = arith.mulf %get3A_55, %get3A_939 : vector<16xf32>
        %sub3A_950 = arith.subf %mul3A_948, %mul3A_949 : vector<16xf32>
        %mul3A_951 = arith.mulf %get3A_935, %sub3A_950 : vector<16xf32>
        %add3A_952 = arith.addf %add3A_926, %mul3A_947 : vector<16xf32>
        %add3A_953 = arith.addf %add3A_927, %mul3A_951 : vector<16xf32>
        %add3A_954 = arith.addf %add3A_952, %add3A_953 : vector<16xf32>
        %swap3A = arith.constant 0 : index
        %swap3A_955 = tpu.vector_load %arg12[%swap3A] {strides = array<i32>} : memref<256xf32, #tpu.memory_space<vmem>>, vector<16xf32>,
        tpu.vector_store %arg12[%swap3A], %add3A_205 {strides = array<i32>} : memref<256xf32, #tpu.memory_space<vmem>>, vector<16xf32>,
        %swap3A_956 = arith.constant 16 : index
        %swap3A_957 = tpu.vector_load %arg12[%swap3A_956] {strides = array<i32>} : memref<256xf32, #tpu.memory_space<vmem>>, vector<16xf32>,
        tpu.vector_store %arg12[%swap3A_956], %add3A_312 {strides = array<i32>} : memref<256xf32, #tpu.memory_space<vmem>>, vector<16xf32>,
        %swap3A_958 = arith.constant 32 : index
        %swap3A_959 = tpu.vector_load %arg12[%swap3A_958] {strides = array<i32>} : memref<256xf32, #tpu.memory_space<vmem>>, vector<16xf32>,
        tpu.vector_store %arg12[%swap3A_958], %add3A_419 {strides = array<i32>} : memref<256xf32, #tpu.memory_space<vmem>>, vector<16xf32>,
        %swap3A_960 = arith.constant 48 : index
        %swap3A_961 = tpu.vector_load %arg12[%swap3A_960] {strides = array<i32>} : memref<256xf32, #tpu.memory_space<vmem>>, vector<16xf32>,
        tpu.vector_store %arg12[%swap3A_960], %add3A_526 {strides = array<i32>} : memref<256xf32, #tpu.memory_space<vmem>>, vector<16xf32>,
        %swap3A_962 = arith.constant 64 : index
        %swap3A_963 = tpu.vector_load %arg12[%swap3A_962] {strides = array<i32>} : memref<256xf32, #tpu.memory_space<vmem>>, vector<16xf32>,
        tpu.vector_store %arg12[%swap3A_962], %add3A_633 {strides = array<i32>} : memref<256xf32, #tpu.memory_space<vmem>>, vector<16xf32>,
        %swap3A_964 = arith.constant 80 : index
        %swap3A_965 = tpu.vector_load %arg12[%swap3A_964] {strides = array<i32>} : memref<256xf32, #tpu.memory_space<vmem>>, vector<16xf32>,
        tpu.vector_store %arg12[%swap3A_964], %add3A_740 {strides = array<i32>} : memref<256xf32, #tpu.memory_space<vmem>>, vector<16xf32>,
        %swap3A_966 = arith.constant 96 : index
        %swap3A_967 = tpu.vector_load %arg12[%swap3A_966] {strides = array<i32>} : memref<256xf32, #tpu.memory_space<vmem>>, vector<16xf32>,
        tpu.vector_store %arg12[%swap3A_966], %add3A_847 {strides = array<i32>} : memref<256xf32, #tpu.memory_space<vmem>>, vector<16xf32>,
        %swap3A_968 = arith.constant 112 : index
        %swap3A_969 = tpu.vector_load %arg12[%swap3A_968] {strides = array<i32>} : memref<256xf32, #tpu.memory_space<vmem>>, vector<16xf32>,
        tpu.vector_store %arg12[%swap3A_968], %add3A_954 {strides = array<i32>} : memref<256xf32, #tpu.memory_space<vmem>>, vector<16xf32>,
        %mul3A_970 = arith.constant 16 : i32
        %mul3A_971 = arith.muli %scan3A_98, %mul3A_970 : i32
        %add3A_972 = arith.constant 8 : i32
        %add3A_973 = arith.addi %mul3A_971, %add3A_972 : i32
        %get3A_974 = arith.index_cast %rem3A_64 : i32 to index
        %get3A_975 = arith.index_cast %add3A_973 : i32 to index
        %get3A_976 = arith.constant 0 : index
        %get3A_977 = tpu.vector_load %arg8[%get3A_974, %get3A_975, %get3A_976] {strides = array<i32>} : memref<2x128x128xf32, #tpu.memory_space<vmem>>, vector<16xf32>,
        %get3A_978 = arith.index_cast %rem3A_64 : i32 to index
        %get3A_979 = arith.index_cast %add3A_973 : i32 to index
        %get3A_980 = arith.constant 64 : index
        %get3A_981 = tpu.vector_load %arg8[%get3A_978, %get3A_979, %get3A_980] {strides = array<i32>} : memref<2x128x128xf32, #tpu.memory_space<vmem>>, vector<16xf32>,
        %get3A_982 = arith.index_cast %rem3A_64 : i32 to index
        %get3A_983 = arith.index_cast %add3A_973 : i32 to index
        %get3A_984 = arith.constant 0 : index
        %get3A_985 = tpu.vector_load %arg9[%get3A_982, %get3A_983, %get3A_984] {strides = array<i32>} : memref<2x128x128xf32, #tpu.memory_space<vmem>>, vector<16xf32>,
        %get3A_986 = arith.index_cast %rem3A_64 : i32 to index
        %get3A_987 = arith.index_cast %add3A_973 : i32 to index
        %get3A_988 = arith.constant 64 : index
        %get3A_989 = tpu.vector_load %arg9[%get3A_986, %get3A_987, %get3A_988] {strides = array<i32>} : memref<2x128x128xf32, #tpu.memory_space<vmem>>, vector<16xf32>,
        %mul3A_990 = arith.mulf %get3A_41, %get3A_985 : vector<16xf32>
        %mul3A_991 = arith.mulf %get3A_49, %get3A_989 : vector<16xf32>
        %add3A_992 = arith.addf %mul3A_990, %mul3A_991 : vector<16xf32>
        %mul3A_993 = arith.mulf %get3A_977, %add3A_992 : vector<16xf32>
        %mul3A_994 = arith.mulf %get3A_41, %get3A_989 : vector<16xf32>
        %mul3A_995 = arith.mulf %get3A_49, %get3A_985 : vector<16xf32>
        %sub3A_996 = arith.subf %mul3A_994, %mul3A_995 : vector<16xf32>
        %mul3A_997 = arith.mulf %get3A_981, %sub3A_996 : vector<16xf32>
        %get3A_998 = arith.index_cast %rem3A_64 : i32 to index
        %get3A_999 = arith.index_cast %add3A_973 : i32 to index
        %get3A_1000 = arith.constant 16 : index
        %get3A_1001 = tpu.vector_load %arg8[%get3A_998, %get3A_999, %get3A_1000] {strides = array<i32>} : memref<2x128x128xf32, #tpu.memory_space<vmem>>, vector<16xf32>,
        %get3A_1002 = arith.index_cast %rem3A_64 : i32 to index
        %get3A_1003 = arith.index_cast %add3A_973 : i32 to index
        %get3A_1004 = arith.constant 80 : index
        %get3A_1005 = tpu.vector_load %arg8[%get3A_1002, %get3A_1003, %get3A_1004] {strides = array<i32>} : memref<2x128x128xf32, #tpu.memory_space<vmem>>, vector<16xf32>,
        %get3A_1006 = arith.index_cast %rem3A_64 : i32 to index
        %get3A_1007 = arith.index_cast %add3A_973 : i32 to index
        %get3A_1008 = arith.constant 16 : index
        %get3A_1009 = tpu.vector_load %arg9[%get3A_1006, %get3A_1007, %get3A_1008] {strides = array<i32>} : memref<2x128x128xf32, #tpu.memory_space<vmem>>, vector<16xf32>,
        %get3A_1010 = arith.index_cast %rem3A_64 : i32 to index
        %get3A_1011 = arith.index_cast %add3A_973 : i32 to index
        %get3A_1012 = arith.constant 80 : index
        %get3A_1013 = tpu.vector_load %arg9[%get3A_1010, %get3A_1011, %get3A_1012] {strides = array<i32>} : memref<2x128x128xf32, #tpu.memory_space<vmem>>, vector<16xf32>,
        %mul3A_1014 = arith.mulf %get3A_43, %get3A_1009 : vector<16xf32>
        %mul3A_1015 = arith.mulf %get3A_51, %get3A_1013 : vector<16xf32>
        %add3A_1016 = arith.addf %mul3A_1014, %mul3A_1015 : vector<16xf32>
        %mul3A_1017 = arith.mulf %get3A_1001, %add3A_1016 : vector<16xf32>
        %mul3A_1018 = arith.mulf %get3A_43, %get3A_1013 : vector<16xf32>
        %mul3A_1019 = arith.mulf %get3A_51, %get3A_1009 : vector<16xf32>
        %sub3A_1020 = arith.subf %mul3A_1018, %mul3A_1019 : vector<16xf32>
        %mul3A_1021 = arith.mulf %get3A_1005, %sub3A_1020 : vector<16xf32>
        %add3A_1022 = arith.addf %mul3A_993, %mul3A_1017 : vector<16xf32>
        %add3A_1023 = arith.addf %mul3A_997, %mul3A_1021 : vector<16xf32>
        %get3A_1024 = arith.index_cast %rem3A_64 : i32 to index
        %get3A_1025 = arith.index_cast %add3A_973 : i32 to index
        %get3A_1026 = arith.constant 32 : index
        %get3A_1027 = tpu.vector_load %arg8[%get3A_1024, %get3A_1025, %get3A_1026] {strides = array<i32>} : memref<2x128x128xf32, #tpu.memory_space<vmem>>, vector<16xf32>,
        %get3A_1028 = arith.index_cast %rem3A_64 : i32 to index
        %get3A_1029 = arith.index_cast %add3A_973 : i32 to index
        %get3A_1030 = arith.constant 96 : index
        %get3A_1031 = tpu.vector_load %arg8[%get3A_1028, %get3A_1029, %get3A_1030] {strides = array<i32>} : memref<2x128x128xf32, #tpu.memory_space<vmem>>, vector<16xf32>,
        %get3A_1032 = arith.index_cast %rem3A_64 : i32 to index
        %get3A_1033 = arith.index_cast %add3A_973 : i32 to index
        %get3A_1034 = arith.constant 32 : index
        %get3A_1035 = tpu.vector_load %arg9[%get3A_1032, %get3A_1033, %get3A_1034] {strides = array<i32>} : memref<2x128x128xf32, #tpu.memory_space<vmem>>, vector<16xf32>,
        %get3A_1036 = arith.index_cast %rem3A_64 : i32 to index
        %get3A_1037 = arith.index_cast %add3A_973 : i32 to index
        %get3A_1038 = arith.constant 96 : index
        %get3A_1039 = tpu.vector_load %arg9[%get3A_1036, %get3A_1037, %get3A_1038] {strides = array<i32>} : memref<2x128x128xf32, #tpu.memory_space<vmem>>, vector<16xf32>,
        %mul3A_1040 = arith.mulf %get3A_45, %get3A_1035 : vector<16xf32>
        %mul3A_1041 = arith.mulf %get3A_53, %get3A_1039 : vector<16xf32>
        %add3A_1042 = arith.addf %mul3A_1040, %mul3A_1041 : vector<16xf32>
        %mul3A_1043 = arith.mulf %get3A_1027, %add3A_1042 : vector<16xf32>
        %mul3A_1044 = arith.mulf %get3A_45, %get3A_1039 : vector<16xf32>
        %mul3A_1045 = arith.mulf %get3A_53, %get3A_1035 : vector<16xf32>
        %sub3A_1046 = arith.subf %mul3A_1044, %mul3A_1045 : vector<16xf32>
        %mul3A_1047 = arith.mulf %get3A_1031, %sub3A_1046 : vector<16xf32>
        %add3A_1048 = arith.addf %add3A_1022, %mul3A_1043 : vector<16xf32>
        %add3A_1049 = arith.addf %add3A_1023, %mul3A_1047 : vector<16xf32>
        %get3A_1050 = arith.index_cast %rem3A_64 : i32 to index
        %get3A_1051 = arith.index_cast %add3A_973 : i32 to index
        %get3A_1052 = arith.constant 48 : index
        %get3A_1053 = tpu.vector_load %arg8[%get3A_1050, %get3A_1051, %get3A_1052] {strides = array<i32>} : memref<2x128x128xf32, #tpu.memory_space<vmem>>, vector<16xf32>,
        %get3A_1054 = arith.index_cast %rem3A_64 : i32 to index
        %get3A_1055 = arith.index_cast %add3A_973 : i32 to index
        %get3A_1056 = arith.constant 112 : index
        %get3A_1057 = tpu.vector_load %arg8[%get3A_1054, %get3A_1055, %get3A_1056] {strides = array<i32>} : memref<2x128x128xf32, #tpu.memory_space<vmem>>, vector<16xf32>,
        %get3A_1058 = arith.index_cast %rem3A_64 : i32 to index
        %get3A_1059 = arith.index_cast %add3A_973 : i32 to index
        %get3A_1060 = arith.constant 48 : index
        %get3A_1061 = tpu.vector_load %arg9[%get3A_1058, %get3A_1059, %get3A_1060] {strides = array<i32>} : memref<2x128x128xf32, #tpu.memory_space<vmem>>, vector<16xf32>,
        %get3A_1062 = arith.index_cast %rem3A_64 : i32 to index
        %get3A_1063 = arith.index_cast %add3A_973 : i32 to index
        %get3A_1064 = arith.constant 112 : index
        %get3A_1065 = tpu.vector_load %arg9[%get3A_1062, %get3A_1063, %get3A_1064] {strides = array<i32>} : memref<2x128x128xf32, #tpu.memory_space<vmem>>, vector<16xf32>,
        %mul3A_1066 = arith.mulf %get3A_47, %get3A_1061 : vector<16xf32>
        %mul3A_1067 = arith.mulf %get3A_55, %get3A_1065 : vector<16xf32>
        %add3A_1068 = arith.addf %mul3A_1066, %mul3A_1067 : vector<16xf32>
        %mul3A_1069 = arith.mulf %get3A_1053, %add3A_1068 : vector<16xf32>
        %mul3A_1070 = arith.mulf %get3A_47, %get3A_1065 : vector<16xf32>
        %mul3A_1071 = arith.mulf %get3A_55, %get3A_1061 : vector<16xf32>
        %sub3A_1072 = arith.subf %mul3A_1070, %mul3A_1071 : vector<16xf32>
        %mul3A_1073 = arith.mulf %get3A_1057, %sub3A_1072 : vector<16xf32>
        %add3A_1074 = arith.addf %add3A_1048, %mul3A_1069 : vector<16xf32>
        %add3A_1075 = arith.addf %add3A_1049, %mul3A_1073 : vector<16xf32>
        %add3A_1076 = arith.addf %add3A_1074, %add3A_1075 : vector<16xf32>
        %mul3A_1077 = arith.constant 16 : i32
        %mul3A_1078 = arith.muli %scan3A_98, %mul3A_1077 : i32
        %add3A_1079 = arith.constant 9 : i32
        %add3A_1080 = arith.addi %mul3A_1078, %add3A_1079 : i32
        %get3A_1081 = arith.index_cast %rem3A_64 : i32 to index
        %get3A_1082 = arith.index_cast %add3A_1080 : i32 to index
        %get3A_1083 = arith.constant 0 : index
        %get3A_1084 = tpu.vector_load %arg8[%get3A_1081, %get3A_1082, %get3A_1083] {strides = array<i32>} : memref<2x128x128xf32, #tpu.memory_space<vmem>>, vector<16xf32>,
        %get3A_1085 = arith.index_cast %rem3A_64 : i32 to index
        %get3A_1086 = arith.index_cast %add3A_1080 : i32 to index
        %get3A_1087 = arith.constant 64 : index
        %get3A_1088 = tpu.vector_load %arg8[%get3A_1085, %get3A_1086, %get3A_1087] {strides = array<i32>} : memref<2x128x128xf32, #tpu.memory_space<vmem>>, vector<16xf32>,
        %get3A_1089 = arith.index_cast %rem3A_64 : i32 to index
        %get3A_1090 = arith.index_cast %add3A_1080 : i32 to index
        %get3A_1091 = arith.constant 0 : index
        %get3A_1092 = tpu.vector_load %arg9[%get3A_1089, %get3A_1090, %get3A_1091] {strides = array<i32>} : memref<2x128x128xf32, #tpu.memory_space<vmem>>, vector<16xf32>,
        %get3A_1093 = arith.index_cast %rem3A_64 : i32 to index
        %get3A_1094 = arith.index_cast %add3A_1080 : i32 to index
        %get3A_1095 = arith.constant 64 : index
        %get3A_1096 = tpu.vector_load %arg9[%get3A_1093, %get3A_1094, %get3A_1095] {strides = array<i32>} : memref<2x128x128xf32, #tpu.memory_space<vmem>>, vector<16xf32>,
        %mul3A_1097 = arith.mulf %get3A_41, %get3A_1092 : vector<16xf32>
        %mul3A_1098 = arith.mulf %get3A_49, %get3A_1096 : vector<16xf32>
        %add3A_1099 = arith.addf %mul3A_1097, %mul3A_1098 : vector<16xf32>
        %mul3A_1100 = arith.mulf %get3A_1084, %add3A_1099 : vector<16xf32>
        %mul3A_1101 = arith.mulf %get3A_41, %get3A_1096 : vector<16xf32>
        %mul3A_1102 = arith.mulf %get3A_49, %get3A_1092 : vector<16xf32>
        %sub3A_1103 = arith.subf %mul3A_1101, %mul3A_1102 : vector<16xf32>
        %mul3A_1104 = arith.mulf %get3A_1088, %sub3A_1103 : vector<16xf32>
        %get3A_1105 = arith.index_cast %rem3A_64 : i32 to index
        %get3A_1106 = arith.index_cast %add3A_1080 : i32 to index
        %get3A_1107 = arith.constant 16 : index
        %get3A_1108 = tpu.vector_load %arg8[%get3A_1105, %get3A_1106, %get3A_1107] {strides = array<i32>} : memref<2x128x128xf32, #tpu.memory_space<vmem>>, vector<16xf32>,
        %get3A_1109 = arith.index_cast %rem3A_64 : i32 to index
        %get3A_1110 = arith.index_cast %add3A_1080 : i32 to index
        %get3A_1111 = arith.constant 80 : index
        %get3A_1112 = tpu.vector_load %arg8[%get3A_1109, %get3A_1110, %get3A_1111] {strides = array<i32>} : memref<2x128x128xf32, #tpu.memory_space<vmem>>, vector<16xf32>,
        %get3A_1113 = arith.index_cast %rem3A_64 : i32 to index
        %get3A_1114 = arith.index_cast %add3A_1080 : i32 to index
        %get3A_1115 = arith.constant 16 : index
        %get3A_1116 = tpu.vector_load %arg9[%get3A_1113, %get3A_1114, %get3A_1115] {strides = array<i32>} : memref<2x128x128xf32, #tpu.memory_space<vmem>>, vector<16xf32>,
        %get3A_1117 = arith.index_cast %rem3A_64 : i32 to index
        %get3A_1118 = arith.index_cast %add3A_1080 : i32 to index
        %get3A_1119 = arith.constant 80 : index
        %get3A_1120 = tpu.vector_load %arg9[%get3A_1117, %get3A_1118, %get3A_1119] {strides = array<i32>} : memref<2x128x128xf32, #tpu.memory_space<vmem>>, vector<16xf32>,
        %mul3A_1121 = arith.mulf %get3A_43, %get3A_1116 : vector<16xf32>
        %mul3A_1122 = arith.mulf %get3A_51, %get3A_1120 : vector<16xf32>
        %add3A_1123 = arith.addf %mul3A_1121, %mul3A_1122 : vector<16xf32>
        %mul3A_1124 = arith.mulf %get3A_1108, %add3A_1123 : vector<16xf32>
        %mul3A_1125 = arith.mulf %get3A_43, %get3A_1120 : vector<16xf32>
        %mul3A_1126 = arith.mulf %get3A_51, %get3A_1116 : vector<16xf32>
        %sub3A_1127 = arith.subf %mul3A_1125, %mul3A_1126 : vector<16xf32>
        %mul3A_1128 = arith.mulf %get3A_1112, %sub3A_1127 : vector<16xf32>
        %add3A_1129 = arith.addf %mul3A_1100, %mul3A_1124 : vector<16xf32>
        %add3A_1130 = arith.addf %mul3A_1104, %mul3A_1128 : vector<16xf32>
        %get3A_1131 = arith.index_cast %rem3A_64 : i32 to index
        %get3A_1132 = arith.index_cast %add3A_1080 : i32 to index
        %get3A_1133 = arith.constant 32 : index
        %get3A_1134 = tpu.vector_load %arg8[%get3A_1131, %get3A_1132, %get3A_1133] {strides = array<i32>} : memref<2x128x128xf32, #tpu.memory_space<vmem>>, vector<16xf32>,
        %get3A_1135 = arith.index_cast %rem3A_64 : i32 to index
        %get3A_1136 = arith.index_cast %add3A_1080 : i32 to index
        %get3A_1137 = arith.constant 96 : index
        %get3A_1138 = tpu.vector_load %arg8[%get3A_1135, %get3A_1136, %get3A_1137] {strides = array<i32>} : memref<2x128x128xf32, #tpu.memory_space<vmem>>, vector<16xf32>,
        %get3A_1139 = arith.index_cast %rem3A_64 : i32 to index
        %get3A_1140 = arith.index_cast %add3A_1080 : i32 to index
        %get3A_1141 = arith.constant 32 : index
        %get3A_1142 = tpu.vector_load %arg9[%get3A_1139, %get3A_1140, %get3A_1141] {strides = array<i32>} : memref<2x128x128xf32, #tpu.memory_space<vmem>>, vector<16xf32>,
        %get3A_1143 = arith.index_cast %rem3A_64 : i32 to index
        %get3A_1144 = arith.index_cast %add3A_1080 : i32 to index
        %get3A_1145 = arith.constant 96 : index
        %get3A_1146 = tpu.vector_load %arg9[%get3A_1143, %get3A_1144, %get3A_1145] {strides = array<i32>} : memref<2x128x128xf32, #tpu.memory_space<vmem>>, vector<16xf32>,
        %mul3A_1147 = arith.mulf %get3A_45, %get3A_1142 : vector<16xf32>
        %mul3A_1148 = arith.mulf %get3A_53, %get3A_1146 : vector<16xf32>
        %add3A_1149 = arith.addf %mul3A_1147, %mul3A_1148 : vector<16xf32>
        %mul3A_1150 = arith.mulf %get3A_1134, %add3A_1149 : vector<16xf32>
        %mul3A_1151 = arith.mulf %get3A_45, %get3A_1146 : vector<16xf32>
        %mul3A_1152 = arith.mulf %get3A_53, %get3A_1142 : vector<16xf32>
        %sub3A_1153 = arith.subf %mul3A_1151, %mul3A_1152 : vector<16xf32>
        %mul3A_1154 = arith.mulf %get3A_1138, %sub3A_1153 : vector<16xf32>
        %add3A_1155 = arith.addf %add3A_1129, %mul3A_1150 : vector<16xf32>
        %add3A_1156 = arith.addf %add3A_1130, %mul3A_1154 : vector<16xf32>
        %get3A_1157 = arith.index_cast %rem3A_64 : i32 to index
        %get3A_1158 = arith.index_cast %add3A_1080 : i32 to index
        %get3A_1159 = arith.constant 48 : index
        %get3A_1160 = tpu.vector_load %arg8[%get3A_1157, %get3A_1158, %get3A_1159] {strides = array<i32>} : memref<2x128x128xf32, #tpu.memory_space<vmem>>, vector<16xf32>,
        %get3A_1161 = arith.index_cast %rem3A_64 : i32 to index
        %get3A_1162 = arith.index_cast %add3A_1080 : i32 to index
        %get3A_1163 = arith.constant 112 : index
        %get3A_1164 = tpu.vector_load %arg8[%get3A_1161, %get3A_1162, %get3A_1163] {strides = array<i32>} : memref<2x128x128xf32, #tpu.memory_space<vmem>>, vector<16xf32>,
        %get3A_1165 = arith.index_cast %rem3A_64 : i32 to index
        %get3A_1166 = arith.index_cast %add3A_1080 : i32 to index
        %get3A_1167 = arith.constant 48 : index
        %get3A_1168 = tpu.vector_load %arg9[%get3A_1165, %get3A_1166, %get3A_1167] {strides = array<i32>} : memref<2x128x128xf32, #tpu.memory_space<vmem>>, vector<16xf32>,
        %get3A_1169 = arith.index_cast %rem3A_64 : i32 to index
        %get3A_1170 = arith.index_cast %add3A_1080 : i32 to index
        %get3A_1171 = arith.constant 112 : index
        %get3A_1172 = tpu.vector_load %arg9[%get3A_1169, %get3A_1170, %get3A_1171] {strides = array<i32>} : memref<2x128x128xf32, #tpu.memory_space<vmem>>, vector<16xf32>,
        %mul3A_1173 = arith.mulf %get3A_47, %get3A_1168 : vector<16xf32>
        %mul3A_1174 = arith.mulf %get3A_55, %get3A_1172 : vector<16xf32>
        %add3A_1175 = arith.addf %mul3A_1173, %mul3A_1174 : vector<16xf32>
        %mul3A_1176 = arith.mulf %get3A_1160, %add3A_1175 : vector<16xf32>
        %mul3A_1177 = arith.mulf %get3A_47, %get3A_1172 : vector<16xf32>
        %mul3A_1178 = arith.mulf %get3A_55, %get3A_1168 : vector<16xf32>
        %sub3A_1179 = arith.subf %mul3A_1177, %mul3A_1178 : vector<16xf32>
        %mul3A_1180 = arith.mulf %get3A_1164, %sub3A_1179 : vector<16xf32>
        %add3A_1181 = arith.addf %add3A_1155, %mul3A_1176 : vector<16xf32>
        %add3A_1182 = arith.addf %add3A_1156, %mul3A_1180 : vector<16xf32>
        %add3A_1183 = arith.addf %add3A_1181, %add3A_1182 : vector<16xf32>
        %mul3A_1184 = arith.constant 16 : i32
        %mul3A_1185 = arith.muli %scan3A_98, %mul3A_1184 : i32
        %add3A_1186 = arith.constant 10 : i32
        %add3A_1187 = arith.addi %mul3A_1185, %add3A_1186 : i32
        %get3A_1188 = arith.index_cast %rem3A_64 : i32 to index
        %get3A_1189 = arith.index_cast %add3A_1187 : i32 to index
        %get3A_1190 = arith.constant 0 : index
        %get3A_1191 = tpu.vector_load %arg8[%get3A_1188, %get3A_1189, %get3A_1190] {strides = array<i32>} : memref<2x128x128xf32, #tpu.memory_space<vmem>>, vector<16xf32>,
        %get3A_1192 = arith.index_cast %rem3A_64 : i32 to index
        %get3A_1193 = arith.index_cast %add3A_1187 : i32 to index
        %get3A_1194 = arith.constant 64 : index
        %get3A_1195 = tpu.vector_load %arg8[%get3A_1192, %get3A_1193, %get3A_1194] {strides = array<i32>} : memref<2x128x128xf32, #tpu.memory_space<vmem>>, vector<16xf32>,
        %get3A_1196 = arith.index_cast %rem3A_64 : i32 to index
        %get3A_1197 = arith.index_cast %add3A_1187 : i32 to index
        %get3A_1198 = arith.constant 0 : index
        %get3A_1199 = tpu.vector_load %arg9[%get3A_1196, %get3A_1197, %get3A_1198] {strides = array<i32>} : memref<2x128x128xf32, #tpu.memory_space<vmem>>, vector<16xf32>,
        %get3A_1200 = arith.index_cast %rem3A_64 : i32 to index
        %get3A_1201 = arith.index_cast %add3A_1187 : i32 to index
        %get3A_1202 = arith.constant 64 : index
        %get3A_1203 = tpu.vector_load %arg9[%get3A_1200, %get3A_1201, %get3A_1202] {strides = array<i32>} : memref<2x128x128xf32, #tpu.memory_space<vmem>>, vector<16xf32>,
        %mul3A_1204 = arith.mulf %get3A_41, %get3A_1199 : vector<16xf32>
        %mul3A_1205 = arith.mulf %get3A_49, %get3A_1203 : vector<16xf32>
        %add3A_1206 = arith.addf %mul3A_1204, %mul3A_1205 : vector<16xf32>
        %mul3A_1207 = arith.mulf %get3A_1191, %add3A_1206 : vector<16xf32>
        %mul3A_1208 = arith.mulf %get3A_41, %get3A_1203 : vector<16xf32>
        %mul3A_1209 = arith.mulf %get3A_49, %get3A_1199 : vector<16xf32>
        %sub3A_1210 = arith.subf %mul3A_1208, %mul3A_1209 : vector<16xf32>
        %mul3A_1211 = arith.mulf %get3A_1195, %sub3A_1210 : vector<16xf32>
        %get3A_1212 = arith.index_cast %rem3A_64 : i32 to index
        %get3A_1213 = arith.index_cast %add3A_1187 : i32 to index
        %get3A_1214 = arith.constant 16 : index
        %get3A_1215 = tpu.vector_load %arg8[%get3A_1212, %get3A_1213, %get3A_1214] {strides = array<i32>} : memref<2x128x128xf32, #tpu.memory_space<vmem>>, vector<16xf32>,
        %get3A_1216 = arith.index_cast %rem3A_64 : i32 to index
        %get3A_1217 = arith.index_cast %add3A_1187 : i32 to index
        %get3A_1218 = arith.constant 80 : index
        %get3A_1219 = tpu.vector_load %arg8[%get3A_1216, %get3A_1217, %get3A_1218] {strides = array<i32>} : memref<2x128x128xf32, #tpu.memory_space<vmem>>, vector<16xf32>,
        %get3A_1220 = arith.index_cast %rem3A_64 : i32 to index
        %get3A_1221 = arith.index_cast %add3A_1187 : i32 to index
        %get3A_1222 = arith.constant 16 : index
        %get3A_1223 = tpu.vector_load %arg9[%get3A_1220, %get3A_1221, %get3A_1222] {strides = array<i32>} : memref<2x128x128xf32, #tpu.memory_space<vmem>>, vector<16xf32>,
        %get3A_1224 = arith.index_cast %rem3A_64 : i32 to index
        %get3A_1225 = arith.index_cast %add3A_1187 : i32 to index
        %get3A_1226 = arith.constant 80 : index
        %get3A_1227 = tpu.vector_load %arg9[%get3A_1224, %get3A_1225, %get3A_1226] {strides = array<i32>} : memref<2x128x128xf32, #tpu.memory_space<vmem>>, vector<16xf32>,
        %mul3A_1228 = arith.mulf %get3A_43, %get3A_1223 : vector<16xf32>
        %mul3A_1229 = arith.mulf %get3A_51, %get3A_1227 : vector<16xf32>
        %add3A_1230 = arith.addf %mul3A_1228, %mul3A_1229 : vector<16xf32>
        %mul3A_1231 = arith.mulf %get3A_1215, %add3A_1230 : vector<16xf32>
        %mul3A_1232 = arith.mulf %get3A_43, %get3A_1227 : vector<16xf32>
        %mul3A_1233 = arith.mulf %get3A_51, %get3A_1223 : vector<16xf32>
        %sub3A_1234 = arith.subf %mul3A_1232, %mul3A_1233 : vector<16xf32>
        %mul3A_1235 = arith.mulf %get3A_1219, %sub3A_1234 : vector<16xf32>
        %add3A_1236 = arith.addf %mul3A_1207, %mul3A_1231 : vector<16xf32>
        %add3A_1237 = arith.addf %mul3A_1211, %mul3A_1235 : vector<16xf32>
        %get3A_1238 = arith.index_cast %rem3A_64 : i32 to index
        %get3A_1239 = arith.index_cast %add3A_1187 : i32 to index
        %get3A_1240 = arith.constant 32 : index
        %get3A_1241 = tpu.vector_load %arg8[%get3A_1238, %get3A_1239, %get3A_1240] {strides = array<i32>} : memref<2x128x128xf32, #tpu.memory_space<vmem>>, vector<16xf32>,
        %get3A_1242 = arith.index_cast %rem3A_64 : i32 to index
        %get3A_1243 = arith.index_cast %add3A_1187 : i32 to index
        %get3A_1244 = arith.constant 96 : index
        %get3A_1245 = tpu.vector_load %arg8[%get3A_1242, %get3A_1243, %get3A_1244] {strides = array<i32>} : memref<2x128x128xf32, #tpu.memory_space<vmem>>, vector<16xf32>,
        %get3A_1246 = arith.index_cast %rem3A_64 : i32 to index
        %get3A_1247 = arith.index_cast %add3A_1187 : i32 to index
        %get3A_1248 = arith.constant 32 : index
        %get3A_1249 = tpu.vector_load %arg9[%get3A_1246, %get3A_1247, %get3A_1248] {strides = array<i32>} : memref<2x128x128xf32, #tpu.memory_space<vmem>>, vector<16xf32>,
        %get3A_1250 = arith.index_cast %rem3A_64 : i32 to index
        %get3A_1251 = arith.index_cast %add3A_1187 : i32 to index
        %get3A_1252 = arith.constant 96 : index
        %get3A_1253 = tpu.vector_load %arg9[%get3A_1250, %get3A_1251, %get3A_1252] {strides = array<i32>} : memref<2x128x128xf32, #tpu.memory_space<vmem>>, vector<16xf32>,
        %mul3A_1254 = arith.mulf %get3A_45, %get3A_1249 : vector<16xf32>
        %mul3A_1255 = arith.mulf %get3A_53, %get3A_1253 : vector<16xf32>
        %add3A_1256 = arith.addf %mul3A_1254, %mul3A_1255 : vector<16xf32>
        %mul3A_1257 = arith.mulf %get3A_1241, %add3A_1256 : vector<16xf32>
        %mul3A_1258 = arith.mulf %get3A_45, %get3A_1253 : vector<16xf32>
        %mul3A_1259 = arith.mulf %get3A_53, %get3A_1249 : vector<16xf32>
        %sub3A_1260 = arith.subf %mul3A_1258, %mul3A_1259 : vector<16xf32>
        %mul3A_1261 = arith.mulf %get3A_1245, %sub3A_1260 : vector<16xf32>
        %add3A_1262 = arith.addf %add3A_1236, %mul3A_1257 : vector<16xf32>
        %add3A_1263 = arith.addf %add3A_1237, %mul3A_1261 : vector<16xf32>
        %get3A_1264 = arith.index_cast %rem3A_64 : i32 to index
        %get3A_1265 = arith.index_cast %add3A_1187 : i32 to index
        %get3A_1266 = arith.constant 48 : index
        %get3A_1267 = tpu.vector_load %arg8[%get3A_1264, %get3A_1265, %get3A_1266] {strides = array<i32>} : memref<2x128x128xf32, #tpu.memory_space<vmem>>, vector<16xf32>,
        %get3A_1268 = arith.index_cast %rem3A_64 : i32 to index
        %get3A_1269 = arith.index_cast %add3A_1187 : i32 to index
        %get3A_1270 = arith.constant 112 : index
        %get3A_1271 = tpu.vector_load %arg8[%get3A_1268, %get3A_1269, %get3A_1270] {strides = array<i32>} : memref<2x128x128xf32, #tpu.memory_space<vmem>>, vector<16xf32>,
        %get3A_1272 = arith.index_cast %rem3A_64 : i32 to index
        %get3A_1273 = arith.index_cast %add3A_1187 : i32 to index
        %get3A_1274 = arith.constant 48 : index
        %get3A_1275 = tpu.vector_load %arg9[%get3A_1272, %get3A_1273, %get3A_1274] {strides = array<i32>} : memref<2x128x128xf32, #tpu.memory_space<vmem>>, vector<16xf32>,
        %get3A_1276 = arith.index_cast %rem3A_64 : i32 to index
        %get3A_1277 = arith.index_cast %add3A_1187 : i32 to index
        %get3A_1278 = arith.constant 112 : index
        %get3A_1279 = tpu.vector_load %arg9[%get3A_1276, %get3A_1277, %get3A_1278] {strides = array<i32>} : memref<2x128x128xf32, #tpu.memory_space<vmem>>, vector<16xf32>,
        %mul3A_1280 = arith.mulf %get3A_47, %get3A_1275 : vector<16xf32>
        %mul3A_1281 = arith.mulf %get3A_55, %get3A_1279 : vector<16xf32>
        %add3A_1282 = arith.addf %mul3A_1280, %mul3A_1281 : vector<16xf32>
        %mul3A_1283 = arith.mulf %get3A_1267, %add3A_1282 : vector<16xf32>
        %mul3A_1284 = arith.mulf %get3A_47, %get3A_1279 : vector<16xf32>
        %mul3A_1285 = arith.mulf %get3A_55, %get3A_1275 : vector<16xf32>
        %sub3A_1286 = arith.subf %mul3A_1284, %mul3A_1285 : vector<16xf32>
        %mul3A_1287 = arith.mulf %get3A_1271, %sub3A_1286 : vector<16xf32>
        %add3A_1288 = arith.addf %add3A_1262, %mul3A_1283 : vector<16xf32>
        %add3A_1289 = arith.addf %add3A_1263, %mul3A_1287 : vector<16xf32>
        %add3A_1290 = arith.addf %add3A_1288, %add3A_1289 : vector<16xf32>
        %mul3A_1291 = arith.constant 16 : i32
        %mul3A_1292 = arith.muli %scan3A_98, %mul3A_1291 : i32
        %add3A_1293 = arith.constant 11 : i32
        %add3A_1294 = arith.addi %mul3A_1292, %add3A_1293 : i32
        %get3A_1295 = arith.index_cast %rem3A_64 : i32 to index
        %get3A_1296 = arith.index_cast %add3A_1294 : i32 to index
        %get3A_1297 = arith.constant 0 : index
        %get3A_1298 = tpu.vector_load %arg8[%get3A_1295, %get3A_1296, %get3A_1297] {strides = array<i32>} : memref<2x128x128xf32, #tpu.memory_space<vmem>>, vector<16xf32>,
        %get3A_1299 = arith.index_cast %rem3A_64 : i32 to index
        %get3A_1300 = arith.index_cast %add3A_1294 : i32 to index
        %get3A_1301 = arith.constant 64 : index
        %get3A_1302 = tpu.vector_load %arg8[%get3A_1299, %get3A_1300, %get3A_1301] {strides = array<i32>} : memref<2x128x128xf32, #tpu.memory_space<vmem>>, vector<16xf32>,
        %get3A_1303 = arith.index_cast %rem3A_64 : i32 to index
        %get3A_1304 = arith.index_cast %add3A_1294 : i32 to index
        %get3A_1305 = arith.constant 0 : index
        %get3A_1306 = tpu.vector_load %arg9[%get3A_1303, %get3A_1304, %get3A_1305] {strides = array<i32>} : memref<2x128x128xf32, #tpu.memory_space<vmem>>, vector<16xf32>,
        %get3A_1307 = arith.index_cast %rem3A_64 : i32 to index
        %get3A_1308 = arith.index_cast %add3A_1294 : i32 to index
        %get3A_1309 = arith.constant 64 : index
        %get3A_1310 = tpu.vector_load %arg9[%get3A_1307, %get3A_1308, %get3A_1309] {strides = array<i32>} : memref<2x128x128xf32, #tpu.memory_space<vmem>>, vector<16xf32>,
        %mul3A_1311 = arith.mulf %get3A_41, %get3A_1306 : vector<16xf32>
        %mul3A_1312 = arith.mulf %get3A_49, %get3A_1310 : vector<16xf32>
        %add3A_1313 = arith.addf %mul3A_1311, %mul3A_1312 : vector<16xf32>
        %mul3A_1314 = arith.mulf %get3A_1298, %add3A_1313 : vector<16xf32>
        %mul3A_1315 = arith.mulf %get3A_41, %get3A_1310 : vector<16xf32>
        %mul3A_1316 = arith.mulf %get3A_49, %get3A_1306 : vector<16xf32>
        %sub3A_1317 = arith.subf %mul3A_1315, %mul3A_1316 : vector<16xf32>
        %mul3A_1318 = arith.mulf %get3A_1302, %sub3A_1317 : vector<16xf32>
        %get3A_1319 = arith.index_cast %rem3A_64 : i32 to index
        %get3A_1320 = arith.index_cast %add3A_1294 : i32 to index
        %get3A_1321 = arith.constant 16 : index
        %get3A_1322 = tpu.vector_load %arg8[%get3A_1319, %get3A_1320, %get3A_1321] {strides = array<i32>} : memref<2x128x128xf32, #tpu.memory_space<vmem>>, vector<16xf32>,
        %get3A_1323 = arith.index_cast %rem3A_64 : i32 to index
        %get3A_1324 = arith.index_cast %add3A_1294 : i32 to index
        %get3A_1325 = arith.constant 80 : index
        %get3A_1326 = tpu.vector_load %arg8[%get3A_1323, %get3A_1324, %get3A_1325] {strides = array<i32>} : memref<2x128x128xf32, #tpu.memory_space<vmem>>, vector<16xf32>,
        %get3A_1327 = arith.index_cast %rem3A_64 : i32 to index
        %get3A_1328 = arith.index_cast %add3A_1294 : i32 to index
        %get3A_1329 = arith.constant 16 : index
        %get3A_1330 = tpu.vector_load %arg9[%get3A_1327, %get3A_1328, %get3A_1329] {strides = array<i32>} : memref<2x128x128xf32, #tpu.memory_space<vmem>>, vector<16xf32>,
        %get3A_1331 = arith.index_cast %rem3A_64 : i32 to index
        %get3A_1332 = arith.index_cast %add3A_1294 : i32 to index
        %get3A_1333 = arith.constant 80 : index
        %get3A_1334 = tpu.vector_load %arg9[%get3A_1331, %get3A_1332, %get3A_1333] {strides = array<i32>} : memref<2x128x128xf32, #tpu.memory_space<vmem>>, vector<16xf32>,
        %mul3A_1335 = arith.mulf %get3A_43, %get3A_1330 : vector<16xf32>
        %mul3A_1336 = arith.mulf %get3A_51, %get3A_1334 : vector<16xf32>
        %add3A_1337 = arith.addf %mul3A_1335, %mul3A_1336 : vector<16xf32>
        %mul3A_1338 = arith.mulf %get3A_1322, %add3A_1337 : vector<16xf32>
        %mul3A_1339 = arith.mulf %get3A_43, %get3A_1334 : vector<16xf32>
        %mul3A_1340 = arith.mulf %get3A_51, %get3A_1330 : vector<16xf32>
        %sub3A_1341 = arith.subf %mul3A_1339, %mul3A_1340 : vector<16xf32>
        %mul3A_1342 = arith.mulf %get3A_1326, %sub3A_1341 : vector<16xf32>
        %add3A_1343 = arith.addf %mul3A_1314, %mul3A_1338 : vector<16xf32>
        %add3A_1344 = arith.addf %mul3A_1318, %mul3A_1342 : vector<16xf32>
        %get3A_1345 = arith.index_cast %rem3A_64 : i32 to index
        %get3A_1346 = arith.index_cast %add3A_1294 : i32 to index
        %get3A_1347 = arith.constant 32 : index
        %get3A_1348 = tpu.vector_load %arg8[%get3A_1345, %get3A_1346, %get3A_1347] {strides = array<i32>} : memref<2x128x128xf32, #tpu.memory_space<vmem>>, vector<16xf32>,
        %get3A_1349 = arith.index_cast %rem3A_64 : i32 to index
        %get3A_1350 = arith.index_cast %add3A_1294 : i32 to index
        %get3A_1351 = arith.constant 96 : index
        %get3A_1352 = tpu.vector_load %arg8[%get3A_1349, %get3A_1350, %get3A_1351] {strides = array<i32>} : memref<2x128x128xf32, #tpu.memory_space<vmem>>, vector<16xf32>,
        %get3A_1353 = arith.index_cast %rem3A_64 : i32 to index
        %get3A_1354 = arith.index_cast %add3A_1294 : i32 to index
        %get3A_1355 = arith.constant 32 : index
        %get3A_1356 = tpu.vector_load %arg9[%get3A_1353, %get3A_1354, %get3A_1355] {strides = array<i32>} : memref<2x128x128xf32, #tpu.memory_space<vmem>>, vector<16xf32>,
        %get3A_1357 = arith.index_cast %rem3A_64 : i32 to index
        %get3A_1358 = arith.index_cast %add3A_1294 : i32 to index
        %get3A_1359 = arith.constant 96 : index
        %get3A_1360 = tpu.vector_load %arg9[%get3A_1357, %get3A_1358, %get3A_1359] {strides = array<i32>} : memref<2x128x128xf32, #tpu.memory_space<vmem>>, vector<16xf32>,
        %mul3A_1361 = arith.mulf %get3A_45, %get3A_1356 : vector<16xf32>
        %mul3A_1362 = arith.mulf %get3A_53, %get3A_1360 : vector<16xf32>
        %add3A_1363 = arith.addf %mul3A_1361, %mul3A_1362 : vector<16xf32>
        %mul3A_1364 = arith.mulf %get3A_1348, %add3A_1363 : vector<16xf32>
        %mul3A_1365 = arith.mulf %get3A_45, %get3A_1360 : vector<16xf32>
        %mul3A_1366 = arith.mulf %get3A_53, %get3A_1356 : vector<16xf32>
        %sub3A_1367 = arith.subf %mul3A_1365, %mul3A_1366 : vector<16xf32>
        %mul3A_1368 = arith.mulf %get3A_1352, %sub3A_1367 : vector<16xf32>
        %add3A_1369 = arith.addf %add3A_1343, %mul3A_1364 : vector<16xf32>
        %add3A_1370 = arith.addf %add3A_1344, %mul3A_1368 : vector<16xf32>
        %get3A_1371 = arith.index_cast %rem3A_64 : i32 to index
        %get3A_1372 = arith.index_cast %add3A_1294 : i32 to index
        %get3A_1373 = arith.constant 48 : index
        %get3A_1374 = tpu.vector_load %arg8[%get3A_1371, %get3A_1372, %get3A_1373] {strides = array<i32>} : memref<2x128x128xf32, #tpu.memory_space<vmem>>, vector<16xf32>,
        %get3A_1375 = arith.index_cast %rem3A_64 : i32 to index
        %get3A_1376 = arith.index_cast %add3A_1294 : i32 to index
        %get3A_1377 = arith.constant 112 : index
        %get3A_1378 = tpu.vector_load %arg8[%get3A_1375, %get3A_1376, %get3A_1377] {strides = array<i32>} : memref<2x128x128xf32, #tpu.memory_space<vmem>>, vector<16xf32>,
        %get3A_1379 = arith.index_cast %rem3A_64 : i32 to index
        %get3A_1380 = arith.index_cast %add3A_1294 : i32 to index
        %get3A_1381 = arith.constant 48 : index
        %get3A_1382 = tpu.vector_load %arg9[%get3A_1379, %get3A_1380, %get3A_1381] {strides = array<i32>} : memref<2x128x128xf32, #tpu.memory_space<vmem>>, vector<16xf32>,
        %get3A_1383 = arith.index_cast %rem3A_64 : i32 to index
        %get3A_1384 = arith.index_cast %add3A_1294 : i32 to index
        %get3A_1385 = arith.constant 112 : index
        %get3A_1386 = tpu.vector_load %arg9[%get3A_1383, %get3A_1384, %get3A_1385] {strides = array<i32>} : memref<2x128x128xf32, #tpu.memory_space<vmem>>, vector<16xf32>,
        %mul3A_1387 = arith.mulf %get3A_47, %get3A_1382 : vector<16xf32>
        %mul3A_1388 = arith.mulf %get3A_55, %get3A_1386 : vector<16xf32>
        %add3A_1389 = arith.addf %mul3A_1387, %mul3A_1388 : vector<16xf32>
        %mul3A_1390 = arith.mulf %get3A_1374, %add3A_1389 : vector<16xf32>
        %mul3A_1391 = arith.mulf %get3A_47, %get3A_1386 : vector<16xf32>
        %mul3A_1392 = arith.mulf %get3A_55, %get3A_1382 : vector<16xf32>
        %sub3A_1393 = arith.subf %mul3A_1391, %mul3A_1392 : vector<16xf32>
        %mul3A_1394 = arith.mulf %get3A_1378, %sub3A_1393 : vector<16xf32>
        %add3A_1395 = arith.addf %add3A_1369, %mul3A_1390 : vector<16xf32>
        %add3A_1396 = arith.addf %add3A_1370, %mul3A_1394 : vector<16xf32>
        %add3A_1397 = arith.addf %add3A_1395, %add3A_1396 : vector<16xf32>
        %mul3A_1398 = arith.constant 16 : i32
        %mul3A_1399 = arith.muli %scan3A_98, %mul3A_1398 : i32
        %add3A_1400 = arith.constant 12 : i32
        %add3A_1401 = arith.addi %mul3A_1399, %add3A_1400 : i32
        %get3A_1402 = arith.index_cast %rem3A_64 : i32 to index
        %get3A_1403 = arith.index_cast %add3A_1401 : i32 to index
        %get3A_1404 = arith.constant 0 : index
        %get3A_1405 = tpu.vector_load %arg8[%get3A_1402, %get3A_1403, %get3A_1404] {strides = array<i32>} : memref<2x128x128xf32, #tpu.memory_space<vmem>>, vector<16xf32>,
        %get3A_1406 = arith.index_cast %rem3A_64 : i32 to index
        %get3A_1407 = arith.index_cast %add3A_1401 : i32 to index
        %get3A_1408 = arith.constant 64 : index
        %get3A_1409 = tpu.vector_load %arg8[%get3A_1406, %get3A_1407, %get3A_1408] {strides = array<i32>} : memref<2x128x128xf32, #tpu.memory_space<vmem>>, vector<16xf32>,
        %get3A_1410 = arith.index_cast %rem3A_64 : i32 to index
        %get3A_1411 = arith.index_cast %add3A_1401 : i32 to index
        %get3A_1412 = arith.constant 0 : index
        %get3A_1413 = tpu.vector_load %arg9[%get3A_1410, %get3A_1411, %get3A_1412] {strides = array<i32>} : memref<2x128x128xf32, #tpu.memory_space<vmem>>, vector<16xf32>,
        %get3A_1414 = arith.index_cast %rem3A_64 : i32 to index
        %get3A_1415 = arith.index_cast %add3A_1401 : i32 to index
        %get3A_1416 = arith.constant 64 : index
        %get3A_1417 = tpu.vector_load %arg9[%get3A_1414, %get3A_1415, %get3A_1416] {strides = array<i32>} : memref<2x128x128xf32, #tpu.memory_space<vmem>>, vector<16xf32>,
        %mul3A_1418 = arith.mulf %get3A_41, %get3A_1413 : vector<16xf32>
        %mul3A_1419 = arith.mulf %get3A_49, %get3A_1417 : vector<16xf32>
        %add3A_1420 = arith.addf %mul3A_1418, %mul3A_1419 : vector<16xf32>
        %mul3A_1421 = arith.mulf %get3A_1405, %add3A_1420 : vector<16xf32>
        %mul3A_1422 = arith.mulf %get3A_41, %get3A_1417 : vector<16xf32>
        %mul3A_1423 = arith.mulf %get3A_49, %get3A_1413 : vector<16xf32>
        %sub3A_1424 = arith.subf %mul3A_1422, %mul3A_1423 : vector<16xf32>
        %mul3A_1425 = arith.mulf %get3A_1409, %sub3A_1424 : vector<16xf32>
        %get3A_1426 = arith.index_cast %rem3A_64 : i32 to index
        %get3A_1427 = arith.index_cast %add3A_1401 : i32 to index
        %get3A_1428 = arith.constant 16 : index
        %get3A_1429 = tpu.vector_load %arg8[%get3A_1426, %get3A_1427, %get3A_1428] {strides = array<i32>} : memref<2x128x128xf32, #tpu.memory_space<vmem>>, vector<16xf32>,
        %get3A_1430 = arith.index_cast %rem3A_64 : i32 to index
        %get3A_1431 = arith.index_cast %add3A_1401 : i32 to index
        %get3A_1432 = arith.constant 80 : index
        %get3A_1433 = tpu.vector_load %arg8[%get3A_1430, %get3A_1431, %get3A_1432] {strides = array<i32>} : memref<2x128x128xf32, #tpu.memory_space<vmem>>, vector<16xf32>,
        %get3A_1434 = arith.index_cast %rem3A_64 : i32 to index
        %get3A_1435 = arith.index_cast %add3A_1401 : i32 to index
        %get3A_1436 = arith.constant 16 : index
        %get3A_1437 = tpu.vector_load %arg9[%get3A_1434, %get3A_1435, %get3A_1436] {strides = array<i32>} : memref<2x128x128xf32, #tpu.memory_space<vmem>>, vector<16xf32>,
        %get3A_1438 = arith.index_cast %rem3A_64 : i32 to index
        %get3A_1439 = arith.index_cast %add3A_1401 : i32 to index
        %get3A_1440 = arith.constant 80 : index
        %get3A_1441 = tpu.vector_load %arg9[%get3A_1438, %get3A_1439, %get3A_1440] {strides = array<i32>} : memref<2x128x128xf32, #tpu.memory_space<vmem>>, vector<16xf32>,
        %mul3A_1442 = arith.mulf %get3A_43, %get3A_1437 : vector<16xf32>
        %mul3A_1443 = arith.mulf %get3A_51, %get3A_1441 : vector<16xf32>
        %add3A_1444 = arith.addf %mul3A_1442, %mul3A_1443 : vector<16xf32>
        %mul3A_1445 = arith.mulf %get3A_1429, %add3A_1444 : vector<16xf32>
        %mul3A_1446 = arith.mulf %get3A_43, %get3A_1441 : vector<16xf32>
        %mul3A_1447 = arith.mulf %get3A_51, %get3A_1437 : vector<16xf32>
        %sub3A_1448 = arith.subf %mul3A_1446, %mul3A_1447 : vector<16xf32>
        %mul3A_1449 = arith.mulf %get3A_1433, %sub3A_1448 : vector<16xf32>
        %add3A_1450 = arith.addf %mul3A_1421, %mul3A_1445 : vector<16xf32>
        %add3A_1451 = arith.addf %mul3A_1425, %mul3A_1449 : vector<16xf32>
        %get3A_1452 = arith.index_cast %rem3A_64 : i32 to index
        %get3A_1453 = arith.index_cast %add3A_1401 : i32 to index
        %get3A_1454 = arith.constant 32 : index
        %get3A_1455 = tpu.vector_load %arg8[%get3A_1452, %get3A_1453, %get3A_1454] {strides = array<i32>} : memref<2x128x128xf32, #tpu.memory_space<vmem>>, vector<16xf32>,
        %get3A_1456 = arith.index_cast %rem3A_64 : i32 to index
        %get3A_1457 = arith.index_cast %add3A_1401 : i32 to index
        %get3A_1458 = arith.constant 96 : index
        %get3A_1459 = tpu.vector_load %arg8[%get3A_1456, %get3A_1457, %get3A_1458] {strides = array<i32>} : memref<2x128x128xf32, #tpu.memory_space<vmem>>, vector<16xf32>,
        %get3A_1460 = arith.index_cast %rem3A_64 : i32 to index
        %get3A_1461 = arith.index_cast %add3A_1401 : i32 to index
        %get3A_1462 = arith.constant 32 : index
        %get3A_1463 = tpu.vector_load %arg9[%get3A_1460, %get3A_1461, %get3A_1462] {strides = array<i32>} : memref<2x128x128xf32, #tpu.memory_space<vmem>>, vector<16xf32>,
        %get3A_1464 = arith.index_cast %rem3A_64 : i32 to index
        %get3A_1465 = arith.index_cast %add3A_1401 : i32 to index
        %get3A_1466 = arith.constant 96 : index
        %get3A_1467 = tpu.vector_load %arg9[%get3A_1464, %get3A_1465, %get3A_1466] {strides = array<i32>} : memref<2x128x128xf32, #tpu.memory_space<vmem>>, vector<16xf32>,
        %mul3A_1468 = arith.mulf %get3A_45, %get3A_1463 : vector<16xf32>
        %mul3A_1469 = arith.mulf %get3A_53, %get3A_1467 : vector<16xf32>
        %add3A_1470 = arith.addf %mul3A_1468, %mul3A_1469 : vector<16xf32>
        %mul3A_1471 = arith.mulf %get3A_1455, %add3A_1470 : vector<16xf32>
        %mul3A_1472 = arith.mulf %get3A_45, %get3A_1467 : vector<16xf32>
        %mul3A_1473 = arith.mulf %get3A_53, %get3A_1463 : vector<16xf32>
        %sub3A_1474 = arith.subf %mul3A_1472, %mul3A_1473 : vector<16xf32>
        %mul3A_1475 = arith.mulf %get3A_1459, %sub3A_1474 : vector<16xf32>
        %add3A_1476 = arith.addf %add3A_1450, %mul3A_1471 : vector<16xf32>
        %add3A_1477 = arith.addf %add3A_1451, %mul3A_1475 : vector<16xf32>
        %get3A_1478 = arith.index_cast %rem3A_64 : i32 to index
        %get3A_1479 = arith.index_cast %add3A_1401 : i32 to index
        %get3A_1480 = arith.constant 48 : index
        %get3A_1481 = tpu.vector_load %arg8[%get3A_1478, %get3A_1479, %get3A_1480] {strides = array<i32>} : memref<2x128x128xf32, #tpu.memory_space<vmem>>, vector<16xf32>,
        %get3A_1482 = arith.index_cast %rem3A_64 : i32 to index
        %get3A_1483 = arith.index_cast %add3A_1401 : i32 to index
        %get3A_1484 = arith.constant 112 : index
        %get3A_1485 = tpu.vector_load %arg8[%get3A_1482, %get3A_1483, %get3A_1484] {strides = array<i32>} : memref<2x128x128xf32, #tpu.memory_space<vmem>>, vector<16xf32>,
        %get3A_1486 = arith.index_cast %rem3A_64 : i32 to index
        %get3A_1487 = arith.index_cast %add3A_1401 : i32 to index
        %get3A_1488 = arith.constant 48 : index
        %get3A_1489 = tpu.vector_load %arg9[%get3A_1486, %get3A_1487, %get3A_1488] {strides = array<i32>} : memref<2x128x128xf32, #tpu.memory_space<vmem>>, vector<16xf32>,
        %get3A_1490 = arith.index_cast %rem3A_64 : i32 to index
        %get3A_1491 = arith.index_cast %add3A_1401 : i32 to index
        %get3A_1492 = arith.constant 112 : index
        %get3A_1493 = tpu.vector_load %arg9[%get3A_1490, %get3A_1491, %get3A_1492] {strides = array<i32>} : memref<2x128x128xf32, #tpu.memory_space<vmem>>, vector<16xf32>,
        %mul3A_1494 = arith.mulf %get3A_47, %get3A_1489 : vector<16xf32>
        %mul3A_1495 = arith.mulf %get3A_55, %get3A_1493 : vector<16xf32>
        %add3A_1496 = arith.addf %mul3A_1494, %mul3A_1495 : vector<16xf32>
        %mul3A_1497 = arith.mulf %get3A_1481, %add3A_1496 : vector<16xf32>
        %mul3A_1498 = arith.mulf %get3A_47, %get3A_1493 : vector<16xf32>
        %mul3A_1499 = arith.mulf %get3A_55, %get3A_1489 : vector<16xf32>
        %sub3A_1500 = arith.subf %mul3A_1498, %mul3A_1499 : vector<16xf32>
        %mul3A_1501 = arith.mulf %get3A_1485, %sub3A_1500 : vector<16xf32>
        %add3A_1502 = arith.addf %add3A_1476, %mul3A_1497 : vector<16xf32>
        %add3A_1503 = arith.addf %add3A_1477, %mul3A_1501 : vector<16xf32>
        %add3A_1504 = arith.addf %add3A_1502, %add3A_1503 : vector<16xf32>
        %mul3A_1505 = arith.constant 16 : i32
        %mul3A_1506 = arith.muli %scan3A_98, %mul3A_1505 : i32
        %add3A_1507 = arith.constant 13 : i32
        %add3A_1508 = arith.addi %mul3A_1506, %add3A_1507 : i32
        %get3A_1509 = arith.index_cast %rem3A_64 : i32 to index
        %get3A_1510 = arith.index_cast %add3A_1508 : i32 to index
        %get3A_1511 = arith.constant 0 : index
        %get3A_1512 = tpu.vector_load %arg8[%get3A_1509, %get3A_1510, %get3A_1511] {strides = array<i32>} : memref<2x128x128xf32, #tpu.memory_space<vmem>>, vector<16xf32>,
        %get3A_1513 = arith.index_cast %rem3A_64 : i32 to index
        %get3A_1514 = arith.index_cast %add3A_1508 : i32 to index
        %get3A_1515 = arith.constant 64 : index
        %get3A_1516 = tpu.vector_load %arg8[%get3A_1513, %get3A_1514, %get3A_1515] {strides = array<i32>} : memref<2x128x128xf32, #tpu.memory_space<vmem>>, vector<16xf32>,
        %get3A_1517 = arith.index_cast %rem3A_64 : i32 to index
        %get3A_1518 = arith.index_cast %add3A_1508 : i32 to index
        %get3A_1519 = arith.constant 0 : index
        %get3A_1520 = tpu.vector_load %arg9[%get3A_1517, %get3A_1518, %get3A_1519] {strides = array<i32>} : memref<2x128x128xf32, #tpu.memory_space<vmem>>, vector<16xf32>,
        %get3A_1521 = arith.index_cast %rem3A_64 : i32 to index
        %get3A_1522 = arith.index_cast %add3A_1508 : i32 to index
        %get3A_1523 = arith.constant 64 : index
        %get3A_1524 = tpu.vector_load %arg9[%get3A_1521, %get3A_1522, %get3A_1523] {strides = array<i32>} : memref<2x128x128xf32, #tpu.memory_space<vmem>>, vector<16xf32>,
        %mul3A_1525 = arith.mulf %get3A_41, %get3A_1520 : vector<16xf32>
        %mul3A_1526 = arith.mulf %get3A_49, %get3A_1524 : vector<16xf32>
        %add3A_1527 = arith.addf %mul3A_1525, %mul3A_1526 : vector<16xf32>
        %mul3A_1528 = arith.mulf %get3A_1512, %add3A_1527 : vector<16xf32>
        %mul3A_1529 = arith.mulf %get3A_41, %get3A_1524 : vector<16xf32>
        %mul3A_1530 = arith.mulf %get3A_49, %get3A_1520 : vector<16xf32>
        %sub3A_1531 = arith.subf %mul3A_1529, %mul3A_1530 : vector<16xf32>
        %mul3A_1532 = arith.mulf %get3A_1516, %sub3A_1531 : vector<16xf32>
        %get3A_1533 = arith.index_cast %rem3A_64 : i32 to index
        %get3A_1534 = arith.index_cast %add3A_1508 : i32 to index
        %get3A_1535 = arith.constant 16 : index
        %get3A_1536 = tpu.vector_load %arg8[%get3A_1533, %get3A_1534, %get3A_1535] {strides = array<i32>} : memref<2x128x128xf32, #tpu.memory_space<vmem>>, vector<16xf32>,
        %get3A_1537 = arith.index_cast %rem3A_64 : i32 to index
        %get3A_1538 = arith.index_cast %add3A_1508 : i32 to index
        %get3A_1539 = arith.constant 80 : index
        %get3A_1540 = tpu.vector_load %arg8[%get3A_1537, %get3A_1538, %get3A_1539] {strides = array<i32>} : memref<2x128x128xf32, #tpu.memory_space<vmem>>, vector<16xf32>,
        %get3A_1541 = arith.index_cast %rem3A_64 : i32 to index
        %get3A_1542 = arith.index_cast %add3A_1508 : i32 to index
        %get3A_1543 = arith.constant 16 : index
        %get3A_1544 = tpu.vector_load %arg9[%get3A_1541, %get3A_1542, %get3A_1543] {strides = array<i32>} : memref<2x128x128xf32, #tpu.memory_space<vmem>>, vector<16xf32>,
        %get3A_1545 = arith.index_cast %rem3A_64 : i32 to index
        %get3A_1546 = arith.index_cast %add3A_1508 : i32 to index
        %get3A_1547 = arith.constant 80 : index
        %get3A_1548 = tpu.vector_load %arg9[%get3A_1545, %get3A_1546, %get3A_1547] {strides = array<i32>} : memref<2x128x128xf32, #tpu.memory_space<vmem>>, vector<16xf32>,
        %mul3A_1549 = arith.mulf %get3A_43, %get3A_1544 : vector<16xf32>
        %mul3A_1550 = arith.mulf %get3A_51, %get3A_1548 : vector<16xf32>
        %add3A_1551 = arith.addf %mul3A_1549, %mul3A_1550 : vector<16xf32>
        %mul3A_1552 = arith.mulf %get3A_1536, %add3A_1551 : vector<16xf32>
        %mul3A_1553 = arith.mulf %get3A_43, %get3A_1548 : vector<16xf32>
        %mul3A_1554 = arith.mulf %get3A_51, %get3A_1544 : vector<16xf32>
        %sub3A_1555 = arith.subf %mul3A_1553, %mul3A_1554 : vector<16xf32>
        %mul3A_1556 = arith.mulf %get3A_1540, %sub3A_1555 : vector<16xf32>
        %add3A_1557 = arith.addf %mul3A_1528, %mul3A_1552 : vector<16xf32>
        %add3A_1558 = arith.addf %mul3A_1532, %mul3A_1556 : vector<16xf32>
        %get3A_1559 = arith.index_cast %rem3A_64 : i32 to index
        %get3A_1560 = arith.index_cast %add3A_1508 : i32 to index
        %get3A_1561 = arith.constant 32 : index
        %get3A_1562 = tpu.vector_load %arg8[%get3A_1559, %get3A_1560, %get3A_1561] {strides = array<i32>} : memref<2x128x128xf32, #tpu.memory_space<vmem>>, vector<16xf32>,
        %get3A_1563 = arith.index_cast %rem3A_64 : i32 to index
        %get3A_1564 = arith.index_cast %add3A_1508 : i32 to index
        %get3A_1565 = arith.constant 96 : index
        %get3A_1566 = tpu.vector_load %arg8[%get3A_1563, %get3A_1564, %get3A_1565] {strides = array<i32>} : memref<2x128x128xf32, #tpu.memory_space<vmem>>, vector<16xf32>,
        %get3A_1567 = arith.index_cast %rem3A_64 : i32 to index
        %get3A_1568 = arith.index_cast %add3A_1508 : i32 to index
        %get3A_1569 = arith.constant 32 : index
        %get3A_1570 = tpu.vector_load %arg9[%get3A_1567, %get3A_1568, %get3A_1569] {strides = array<i32>} : memref<2x128x128xf32, #tpu.memory_space<vmem>>, vector<16xf32>,
        %get3A_1571 = arith.index_cast %rem3A_64 : i32 to index
        %get3A_1572 = arith.index_cast %add3A_1508 : i32 to index
        %get3A_1573 = arith.constant 96 : index
        %get3A_1574 = tpu.vector_load %arg9[%get3A_1571, %get3A_1572, %get3A_1573] {strides = array<i32>} : memref<2x128x128xf32, #tpu.memory_space<vmem>>, vector<16xf32>,
        %mul3A_1575 = arith.mulf %get3A_45, %get3A_1570 : vector<16xf32>
        %mul3A_1576 = arith.mulf %get3A_53, %get3A_1574 : vector<16xf32>
        %add3A_1577 = arith.addf %mul3A_1575, %mul3A_1576 : vector<16xf32>
        %mul3A_1578 = arith.mulf %get3A_1562, %add3A_1577 : vector<16xf32>
        %mul3A_1579 = arith.mulf %get3A_45, %get3A_1574 : vector<16xf32>
        %mul3A_1580 = arith.mulf %get3A_53, %get3A_1570 : vector<16xf32>
        %sub3A_1581 = arith.subf %mul3A_1579, %mul3A_1580 : vector<16xf32>
        %mul3A_1582 = arith.mulf %get3A_1566, %sub3A_1581 : vector<16xf32>
        %add3A_1583 = arith.addf %add3A_1557, %mul3A_1578 : vector<16xf32>
        %add3A_1584 = arith.addf %add3A_1558, %mul3A_1582 : vector<16xf32>
        %get3A_1585 = arith.index_cast %rem3A_64 : i32 to index
        %get3A_1586 = arith.index_cast %add3A_1508 : i32 to index
        %get3A_1587 = arith.constant 48 : index
        %get3A_1588 = tpu.vector_load %arg8[%get3A_1585, %get3A_1586, %get3A_1587] {strides = array<i32>} : memref<2x128x128xf32, #tpu.memory_space<vmem>>, vector<16xf32>,
        %get3A_1589 = arith.index_cast %rem3A_64 : i32 to index
        %get3A_1590 = arith.index_cast %add3A_1508 : i32 to index
        %get3A_1591 = arith.constant 112 : index
        %get3A_1592 = tpu.vector_load %arg8[%get3A_1589, %get3A_1590, %get3A_1591] {strides = array<i32>} : memref<2x128x128xf32, #tpu.memory_space<vmem>>, vector<16xf32>,
        %get3A_1593 = arith.index_cast %rem3A_64 : i32 to index
        %get3A_1594 = arith.index_cast %add3A_1508 : i32 to index
        %get3A_1595 = arith.constant 48 : index
        %get3A_1596 = tpu.vector_load %arg9[%get3A_1593, %get3A_1594, %get3A_1595] {strides = array<i32>} : memref<2x128x128xf32, #tpu.memory_space<vmem>>, vector<16xf32>,
        %get3A_1597 = arith.index_cast %rem3A_64 : i32 to index
        %get3A_1598 = arith.index_cast %add3A_1508 : i32 to index
        %get3A_1599 = arith.constant 112 : index
        %get3A_1600 = tpu.vector_load %arg9[%get3A_1597, %get3A_1598, %get3A_1599] {strides = array<i32>} : memref<2x128x128xf32, #tpu.memory_space<vmem>>, vector<16xf32>,
        %mul3A_1601 = arith.mulf %get3A_47, %get3A_1596 : vector<16xf32>
        %mul3A_1602 = arith.mulf %get3A_55, %get3A_1600 : vector<16xf32>
        %add3A_1603 = arith.addf %mul3A_1601, %mul3A_1602 : vector<16xf32>
        %mul3A_1604 = arith.mulf %get3A_1588, %add3A_1603 : vector<16xf32>
        %mul3A_1605 = arith.mulf %get3A_47, %get3A_1600 : vector<16xf32>
        %mul3A_1606 = arith.mulf %get3A_55, %get3A_1596 : vector<16xf32>
        %sub3A_1607 = arith.subf %mul3A_1605, %mul3A_1606 : vector<16xf32>
        %mul3A_1608 = arith.mulf %get3A_1592, %sub3A_1607 : vector<16xf32>
        %add3A_1609 = arith.addf %add3A_1583, %mul3A_1604 : vector<16xf32>
        %add3A_1610 = arith.addf %add3A_1584, %mul3A_1608 : vector<16xf32>
        %add3A_1611 = arith.addf %add3A_1609, %add3A_1610 : vector<16xf32>
        %mul3A_1612 = arith.constant 16 : i32
        %mul3A_1613 = arith.muli %scan3A_98, %mul3A_1612 : i32
        %add3A_1614 = arith.constant 14 : i32
        %add3A_1615 = arith.addi %mul3A_1613, %add3A_1614 : i32
        %get3A_1616 = arith.index_cast %rem3A_64 : i32 to index
        %get3A_1617 = arith.index_cast %add3A_1615 : i32 to index
        %get3A_1618 = arith.constant 0 : index
        %get3A_1619 = tpu.vector_load %arg8[%get3A_1616, %get3A_1617, %get3A_1618] {strides = array<i32>} : memref<2x128x128xf32, #tpu.memory_space<vmem>>, vector<16xf32>,
        %get3A_1620 = arith.index_cast %rem3A_64 : i32 to index
        %get3A_1621 = arith.index_cast %add3A_1615 : i32 to index
        %get3A_1622 = arith.constant 64 : index
        %get3A_1623 = tpu.vector_load %arg8[%get3A_1620, %get3A_1621, %get3A_1622] {strides = array<i32>} : memref<2x128x128xf32, #tpu.memory_space<vmem>>, vector<16xf32>,
        %get3A_1624 = arith.index_cast %rem3A_64 : i32 to index
        %get3A_1625 = arith.index_cast %add3A_1615 : i32 to index
        %get3A_1626 = arith.constant 0 : index
        %get3A_1627 = tpu.vector_load %arg9[%get3A_1624, %get3A_1625, %get3A_1626] {strides = array<i32>} : memref<2x128x128xf32, #tpu.memory_space<vmem>>, vector<16xf32>,
        %get3A_1628 = arith.index_cast %rem3A_64 : i32 to index
        %get3A_1629 = arith.index_cast %add3A_1615 : i32 to index
        %get3A_1630 = arith.constant 64 : index
        %get3A_1631 = tpu.vector_load %arg9[%get3A_1628, %get3A_1629, %get3A_1630] {strides = array<i32>} : memref<2x128x128xf32, #tpu.memory_space<vmem>>, vector<16xf32>,
        %mul3A_1632 = arith.mulf %get3A_41, %get3A_1627 : vector<16xf32>
        %mul3A_1633 = arith.mulf %get3A_49, %get3A_1631 : vector<16xf32>
        %add3A_1634 = arith.addf %mul3A_1632, %mul3A_1633 : vector<16xf32>
        %mul3A_1635 = arith.mulf %get3A_1619, %add3A_1634 : vector<16xf32>
        %mul3A_1636 = arith.mulf %get3A_41, %get3A_1631 : vector<16xf32>
        %mul3A_1637 = arith.mulf %get3A_49, %get3A_1627 : vector<16xf32>
        %sub3A_1638 = arith.subf %mul3A_1636, %mul3A_1637 : vector<16xf32>
        %mul3A_1639 = arith.mulf %get3A_1623, %sub3A_1638 : vector<16xf32>
        %get3A_1640 = arith.index_cast %rem3A_64 : i32 to index
        %get3A_1641 = arith.index_cast %add3A_1615 : i32 to index
        %get3A_1642 = arith.constant 16 : index
        %get3A_1643 = tpu.vector_load %arg8[%get3A_1640, %get3A_1641, %get3A_1642] {strides = array<i32>} : memref<2x128x128xf32, #tpu.memory_space<vmem>>, vector<16xf32>,
        %get3A_1644 = arith.index_cast %rem3A_64 : i32 to index
        %get3A_1645 = arith.index_cast %add3A_1615 : i32 to index
        %get3A_1646 = arith.constant 80 : index
        %get3A_1647 = tpu.vector_load %arg8[%get3A_1644, %get3A_1645, %get3A_1646] {strides = array<i32>} : memref<2x128x128xf32, #tpu.memory_space<vmem>>, vector<16xf32>,
        %get3A_1648 = arith.index_cast %rem3A_64 : i32 to index
        %get3A_1649 = arith.index_cast %add3A_1615 : i32 to index
        %get3A_1650 = arith.constant 16 : index
        %get3A_1651 = tpu.vector_load %arg9[%get3A_1648, %get3A_1649, %get3A_1650] {strides = array<i32>} : memref<2x128x128xf32, #tpu.memory_space<vmem>>, vector<16xf32>,
        %get3A_1652 = arith.index_cast %rem3A_64 : i32 to index
        %get3A_1653 = arith.index_cast %add3A_1615 : i32 to index
        %get3A_1654 = arith.constant 80 : index
        %get3A_1655 = tpu.vector_load %arg9[%get3A_1652, %get3A_1653, %get3A_1654] {strides = array<i32>} : memref<2x128x128xf32, #tpu.memory_space<vmem>>, vector<16xf32>,
        %mul3A_1656 = arith.mulf %get3A_43, %get3A_1651 : vector<16xf32>
        %mul3A_1657 = arith.mulf %get3A_51, %get3A_1655 : vector<16xf32>
        %add3A_1658 = arith.addf %mul3A_1656, %mul3A_1657 : vector<16xf32>
        %mul3A_1659 = arith.mulf %get3A_1643, %add3A_1658 : vector<16xf32>
        %mul3A_1660 = arith.mulf %get3A_43, %get3A_1655 : vector<16xf32>
        %mul3A_1661 = arith.mulf %get3A_51, %get3A_1651 : vector<16xf32>
        %sub3A_1662 = arith.subf %mul3A_1660, %mul3A_1661 : vector<16xf32>
        %mul3A_1663 = arith.mulf %get3A_1647, %sub3A_1662 : vector<16xf32>
        %add3A_1664 = arith.addf %mul3A_1635, %mul3A_1659 : vector<16xf32>
        %add3A_1665 = arith.addf %mul3A_1639, %mul3A_1663 : vector<16xf32>
        %get3A_1666 = arith.index_cast %rem3A_64 : i32 to index
        %get3A_1667 = arith.index_cast %add3A_1615 : i32 to index
        %get3A_1668 = arith.constant 32 : index
        %get3A_1669 = tpu.vector_load %arg8[%get3A_1666, %get3A_1667, %get3A_1668] {strides = array<i32>} : memref<2x128x128xf32, #tpu.memory_space<vmem>>, vector<16xf32>,
        %get3A_1670 = arith.index_cast %rem3A_64 : i32 to index
        %get3A_1671 = arith.index_cast %add3A_1615 : i32 to index
        %get3A_1672 = arith.constant 96 : index
        %get3A_1673 = tpu.vector_load %arg8[%get3A_1670, %get3A_1671, %get3A_1672] {strides = array<i32>} : memref<2x128x128xf32, #tpu.memory_space<vmem>>, vector<16xf32>,
        %get3A_1674 = arith.index_cast %rem3A_64 : i32 to index
        %get3A_1675 = arith.index_cast %add3A_1615 : i32 to index
        %get3A_1676 = arith.constant 32 : index
        %get3A_1677 = tpu.vector_load %arg9[%get3A_1674, %get3A_1675, %get3A_1676] {strides = array<i32>} : memref<2x128x128xf32, #tpu.memory_space<vmem>>, vector<16xf32>,
        %get3A_1678 = arith.index_cast %rem3A_64 : i32 to index
        %get3A_1679 = arith.index_cast %add3A_1615 : i32 to index
        %get3A_1680 = arith.constant 96 : index
        %get3A_1681 = tpu.vector_load %arg9[%get3A_1678, %get3A_1679, %get3A_1680] {strides = array<i32>} : memref<2x128x128xf32, #tpu.memory_space<vmem>>, vector<16xf32>,
        %mul3A_1682 = arith.mulf %get3A_45, %get3A_1677 : vector<16xf32>
        %mul3A_1683 = arith.mulf %get3A_53, %get3A_1681 : vector<16xf32>
        %add3A_1684 = arith.addf %mul3A_1682, %mul3A_1683 : vector<16xf32>
        %mul3A_1685 = arith.mulf %get3A_1669, %add3A_1684 : vector<16xf32>
        %mul3A_1686 = arith.mulf %get3A_45, %get3A_1681 : vector<16xf32>
        %mul3A_1687 = arith.mulf %get3A_53, %get3A_1677 : vector<16xf32>
        %sub3A_1688 = arith.subf %mul3A_1686, %mul3A_1687 : vector<16xf32>
        %mul3A_1689 = arith.mulf %get3A_1673, %sub3A_1688 : vector<16xf32>
        %add3A_1690 = arith.addf %add3A_1664, %mul3A_1685 : vector<16xf32>
        %add3A_1691 = arith.addf %add3A_1665, %mul3A_1689 : vector<16xf32>
        %get3A_1692 = arith.index_cast %rem3A_64 : i32 to index
        %get3A_1693 = arith.index_cast %add3A_1615 : i32 to index
        %get3A_1694 = arith.constant 48 : index
        %get3A_1695 = tpu.vector_load %arg8[%get3A_1692, %get3A_1693, %get3A_1694] {strides = array<i32>} : memref<2x128x128xf32, #tpu.memory_space<vmem>>, vector<16xf32>,
        %get3A_1696 = arith.index_cast %rem3A_64 : i32 to index
        %get3A_1697 = arith.index_cast %add3A_1615 : i32 to index
        %get3A_1698 = arith.constant 112 : index
        %get3A_1699 = tpu.vector_load %arg8[%get3A_1696, %get3A_1697, %get3A_1698] {strides = array<i32>} : memref<2x128x128xf32, #tpu.memory_space<vmem>>, vector<16xf32>,
        %get3A_1700 = arith.index_cast %rem3A_64 : i32 to index
        %get3A_1701 = arith.index_cast %add3A_1615 : i32 to index
        %get3A_1702 = arith.constant 48 : index
        %get3A_1703 = tpu.vector_load %arg9[%get3A_1700, %get3A_1701, %get3A_1702] {strides = array<i32>} : memref<2x128x128xf32, #tpu.memory_space<vmem>>, vector<16xf32>,
        %get3A_1704 = arith.index_cast %rem3A_64 : i32 to index
        %get3A_1705 = arith.index_cast %add3A_1615 : i32 to index
        %get3A_1706 = arith.constant 112 : index
        %get3A_1707 = tpu.vector_load %arg9[%get3A_1704, %get3A_1705, %get3A_1706] {strides = array<i32>} : memref<2x128x128xf32, #tpu.memory_space<vmem>>, vector<16xf32>,
        %mul3A_1708 = arith.mulf %get3A_47, %get3A_1703 : vector<16xf32>
        %mul3A_1709 = arith.mulf %get3A_55, %get3A_1707 : vector<16xf32>
        %add3A_1710 = arith.addf %mul3A_1708, %mul3A_1709 : vector<16xf32>
        %mul3A_1711 = arith.mulf %get3A_1695, %add3A_1710 : vector<16xf32>
        %mul3A_1712 = arith.mulf %get3A_47, %get3A_1707 : vector<16xf32>
        %mul3A_1713 = arith.mulf %get3A_55, %get3A_1703 : vector<16xf32>
        %sub3A_1714 = arith.subf %mul3A_1712, %mul3A_1713 : vector<16xf32>
        %mul3A_1715 = arith.mulf %get3A_1699, %sub3A_1714 : vector<16xf32>
        %add3A_1716 = arith.addf %add3A_1690, %mul3A_1711 : vector<16xf32>
        %add3A_1717 = arith.addf %add3A_1691, %mul3A_1715 : vector<16xf32>
        %add3A_1718 = arith.addf %add3A_1716, %add3A_1717 : vector<16xf32>
        %mul3A_1719 = arith.constant 16 : i32
        %mul3A_1720 = arith.muli %scan3A_98, %mul3A_1719 : i32
        %add3A_1721 = arith.constant 15 : i32
        %add3A_1722 = arith.addi %mul3A_1720, %add3A_1721 : i32
        %get3A_1723 = arith.index_cast %rem3A_64 : i32 to index
        %get3A_1724 = arith.index_cast %add3A_1722 : i32 to index
        %get3A_1725 = arith.constant 0 : index
        %get3A_1726 = tpu.vector_load %arg8[%get3A_1723, %get3A_1724, %get3A_1725] {strides = array<i32>} : memref<2x128x128xf32, #tpu.memory_space<vmem>>, vector<16xf32>,
        %get3A_1727 = arith.index_cast %rem3A_64 : i32 to index
        %get3A_1728 = arith.index_cast %add3A_1722 : i32 to index
        %get3A_1729 = arith.constant 64 : index
        %get3A_1730 = tpu.vector_load %arg8[%get3A_1727, %get3A_1728, %get3A_1729] {strides = array<i32>} : memref<2x128x128xf32, #tpu.memory_space<vmem>>, vector<16xf32>,
        %get3A_1731 = arith.index_cast %rem3A_64 : i32 to index
        %get3A_1732 = arith.index_cast %add3A_1722 : i32 to index
        %get3A_1733 = arith.constant 0 : index
        %get3A_1734 = tpu.vector_load %arg9[%get3A_1731, %get3A_1732, %get3A_1733] {strides = array<i32>} : memref<2x128x128xf32, #tpu.memory_space<vmem>>, vector<16xf32>,
        %get3A_1735 = arith.index_cast %rem3A_64 : i32 to index
        %get3A_1736 = arith.index_cast %add3A_1722 : i32 to index
        %get3A_1737 = arith.constant 64 : index
        %get3A_1738 = tpu.vector_load %arg9[%get3A_1735, %get3A_1736, %get3A_1737] {strides = array<i32>} : memref<2x128x128xf32, #tpu.memory_space<vmem>>, vector<16xf32>,
        %mul3A_1739 = arith.mulf %get3A_41, %get3A_1734 : vector<16xf32>
        %mul3A_1740 = arith.mulf %get3A_49, %get3A_1738 : vector<16xf32>
        %add3A_1741 = arith.addf %mul3A_1739, %mul3A_1740 : vector<16xf32>
        %mul3A_1742 = arith.mulf %get3A_1726, %add3A_1741 : vector<16xf32>
        %mul3A_1743 = arith.mulf %get3A_41, %get3A_1738 : vector<16xf32>
        %mul3A_1744 = arith.mulf %get3A_49, %get3A_1734 : vector<16xf32>
        %sub3A_1745 = arith.subf %mul3A_1743, %mul3A_1744 : vector<16xf32>
        %mul3A_1746 = arith.mulf %get3A_1730, %sub3A_1745 : vector<16xf32>
        %get3A_1747 = arith.index_cast %rem3A_64 : i32 to index
        %get3A_1748 = arith.index_cast %add3A_1722 : i32 to index
        %get3A_1749 = arith.constant 16 : index
        %get3A_1750 = tpu.vector_load %arg8[%get3A_1747, %get3A_1748, %get3A_1749] {strides = array<i32>} : memref<2x128x128xf32, #tpu.memory_space<vmem>>, vector<16xf32>,
        %get3A_1751 = arith.index_cast %rem3A_64 : i32 to index
        %get3A_1752 = arith.index_cast %add3A_1722 : i32 to index
        %get3A_1753 = arith.constant 80 : index
        %get3A_1754 = tpu.vector_load %arg8[%get3A_1751, %get3A_1752, %get3A_1753] {strides = array<i32>} : memref<2x128x128xf32, #tpu.memory_space<vmem>>, vector<16xf32>,
        %get3A_1755 = arith.index_cast %rem3A_64 : i32 to index
        %get3A_1756 = arith.index_cast %add3A_1722 : i32 to index
        %get3A_1757 = arith.constant 16 : index
        %get3A_1758 = tpu.vector_load %arg9[%get3A_1755, %get3A_1756, %get3A_1757] {strides = array<i32>} : memref<2x128x128xf32, #tpu.memory_space<vmem>>, vector<16xf32>,
        %get3A_1759 = arith.index_cast %rem3A_64 : i32 to index
        %get3A_1760 = arith.index_cast %add3A_1722 : i32 to index
        %get3A_1761 = arith.constant 80 : index
        %get3A_1762 = tpu.vector_load %arg9[%get3A_1759, %get3A_1760, %get3A_1761] {strides = array<i32>} : memref<2x128x128xf32, #tpu.memory_space<vmem>>, vector<16xf32>,
        %mul3A_1763 = arith.mulf %get3A_43, %get3A_1758 : vector<16xf32>
        %mul3A_1764 = arith.mulf %get3A_51, %get3A_1762 : vector<16xf32>
        %add3A_1765 = arith.addf %mul3A_1763, %mul3A_1764 : vector<16xf32>
        %mul3A_1766 = arith.mulf %get3A_1750, %add3A_1765 : vector<16xf32>
        %mul3A_1767 = arith.mulf %get3A_43, %get3A_1762 : vector<16xf32>
        %mul3A_1768 = arith.mulf %get3A_51, %get3A_1758 : vector<16xf32>
        %sub3A_1769 = arith.subf %mul3A_1767, %mul3A_1768 : vector<16xf32>
        %mul3A_1770 = arith.mulf %get3A_1754, %sub3A_1769 : vector<16xf32>
        %add3A_1771 = arith.addf %mul3A_1742, %mul3A_1766 : vector<16xf32>
        %add3A_1772 = arith.addf %mul3A_1746, %mul3A_1770 : vector<16xf32>
        %get3A_1773 = arith.index_cast %rem3A_64 : i32 to index
        %get3A_1774 = arith.index_cast %add3A_1722 : i32 to index
        %get3A_1775 = arith.constant 32 : index
        %get3A_1776 = tpu.vector_load %arg8[%get3A_1773, %get3A_1774, %get3A_1775] {strides = array<i32>} : memref<2x128x128xf32, #tpu.memory_space<vmem>>, vector<16xf32>,
        %get3A_1777 = arith.index_cast %rem3A_64 : i32 to index
        %get3A_1778 = arith.index_cast %add3A_1722 : i32 to index
        %get3A_1779 = arith.constant 96 : index
        %get3A_1780 = tpu.vector_load %arg8[%get3A_1777, %get3A_1778, %get3A_1779] {strides = array<i32>} : memref<2x128x128xf32, #tpu.memory_space<vmem>>, vector<16xf32>,
        %get3A_1781 = arith.index_cast %rem3A_64 : i32 to index
        %get3A_1782 = arith.index_cast %add3A_1722 : i32 to index
        %get3A_1783 = arith.constant 32 : index
        %get3A_1784 = tpu.vector_load %arg9[%get3A_1781, %get3A_1782, %get3A_1783] {strides = array<i32>} : memref<2x128x128xf32, #tpu.memory_space<vmem>>, vector<16xf32>,
        %get3A_1785 = arith.index_cast %rem3A_64 : i32 to index
        %get3A_1786 = arith.index_cast %add3A_1722 : i32 to index
        %get3A_1787 = arith.constant 96 : index
        %get3A_1788 = tpu.vector_load %arg9[%get3A_1785, %get3A_1786, %get3A_1787] {strides = array<i32>} : memref<2x128x128xf32, #tpu.memory_space<vmem>>, vector<16xf32>,
        %mul3A_1789 = arith.mulf %get3A_45, %get3A_1784 : vector<16xf32>
        %mul3A_1790 = arith.mulf %get3A_53, %get3A_1788 : vector<16xf32>
        %add3A_1791 = arith.addf %mul3A_1789, %mul3A_1790 : vector<16xf32>
        %mul3A_1792 = arith.mulf %get3A_1776, %add3A_1791 : vector<16xf32>
        %mul3A_1793 = arith.mulf %get3A_45, %get3A_1788 : vector<16xf32>
        %mul3A_1794 = arith.mulf %get3A_53, %get3A_1784 : vector<16xf32>
        %sub3A_1795 = arith.subf %mul3A_1793, %mul3A_1794 : vector<16xf32>
        %mul3A_1796 = arith.mulf %get3A_1780, %sub3A_1795 : vector<16xf32>
        %add3A_1797 = arith.addf %add3A_1771, %mul3A_1792 : vector<16xf32>
        %add3A_1798 = arith.addf %add3A_1772, %mul3A_1796 : vector<16xf32>
        %get3A_1799 = arith.index_cast %rem3A_64 : i32 to index
        %get3A_1800 = arith.index_cast %add3A_1722 : i32 to index
        %get3A_1801 = arith.constant 48 : index
        %get3A_1802 = tpu.vector_load %arg8[%get3A_1799, %get3A_1800, %get3A_1801] {strides = array<i32>} : memref<2x128x128xf32, #tpu.memory_space<vmem>>, vector<16xf32>,
        %get3A_1803 = arith.index_cast %rem3A_64 : i32 to index
        %get3A_1804 = arith.index_cast %add3A_1722 : i32 to index
        %get3A_1805 = arith.constant 112 : index
        %get3A_1806 = tpu.vector_load %arg8[%get3A_1803, %get3A_1804, %get3A_1805] {strides = array<i32>} : memref<2x128x128xf32, #tpu.memory_space<vmem>>, vector<16xf32>,
        %get3A_1807 = arith.index_cast %rem3A_64 : i32 to index
        %get3A_1808 = arith.index_cast %add3A_1722 : i32 to index
        %get3A_1809 = arith.constant 48 : index
        %get3A_1810 = tpu.vector_load %arg9[%get3A_1807, %get3A_1808, %get3A_1809] {strides = array<i32>} : memref<2x128x128xf32, #tpu.memory_space<vmem>>, vector<16xf32>,
        %get3A_1811 = arith.index_cast %rem3A_64 : i32 to index
        %get3A_1812 = arith.index_cast %add3A_1722 : i32 to index
        %get3A_1813 = arith.constant 112 : index
        %get3A_1814 = tpu.vector_load %arg9[%get3A_1811, %get3A_1812, %get3A_1813] {strides = array<i32>} : memref<2x128x128xf32, #tpu.memory_space<vmem>>, vector<16xf32>,
        %mul3A_1815 = arith.mulf %get3A_47, %get3A_1810 : vector<16xf32>
        %mul3A_1816 = arith.mulf %get3A_55, %get3A_1814 : vector<16xf32>
        %add3A_1817 = arith.addf %mul3A_1815, %mul3A_1816 : vector<16xf32>
        %mul3A_1818 = arith.mulf %get3A_1802, %add3A_1817 : vector<16xf32>
        %mul3A_1819 = arith.mulf %get3A_47, %get3A_1814 : vector<16xf32>
        %mul3A_1820 = arith.mulf %get3A_55, %get3A_1810 : vector<16xf32>
        %sub3A_1821 = arith.subf %mul3A_1819, %mul3A_1820 : vector<16xf32>
        %mul3A_1822 = arith.mulf %get3A_1806, %sub3A_1821 : vector<16xf32>
        %add3A_1823 = arith.addf %add3A_1797, %mul3A_1818 : vector<16xf32>
        %add3A_1824 = arith.addf %add3A_1798, %mul3A_1822 : vector<16xf32>
        %add3A_1825 = arith.addf %add3A_1823, %add3A_1824 : vector<16xf32>
        %swap3A_1826 = arith.constant 128 : index
        %swap3A_1827 = tpu.vector_load %arg12[%swap3A_1826] {strides = array<i32>} : memref<256xf32, #tpu.memory_space<vmem>>, vector<16xf32>,
        tpu.vector_store %arg12[%swap3A_1826], %add3A_1076 {strides = array<i32>} : memref<256xf32, #tpu.memory_space<vmem>>, vector<16xf32>,
        %swap3A_1828 = arith.constant 144 : index
        %swap3A_1829 = tpu.vector_load %arg12[%swap3A_1828] {strides = array<i32>} : memref<256xf32, #tpu.memory_space<vmem>>, vector<16xf32>,
        tpu.vector_store %arg12[%swap3A_1828], %add3A_1183 {strides = array<i32>} : memref<256xf32, #tpu.memory_space<vmem>>, vector<16xf32>,
        %swap3A_1830 = arith.constant 160 : index
        %swap3A_1831 = tpu.vector_load %arg12[%swap3A_1830] {strides = array<i32>} : memref<256xf32, #tpu.memory_space<vmem>>, vector<16xf32>,
        tpu.vector_store %arg12[%swap3A_1830], %add3A_1290 {strides = array<i32>} : memref<256xf32, #tpu.memory_space<vmem>>, vector<16xf32>,
        %swap3A_1832 = arith.constant 176 : index
        %swap3A_1833 = tpu.vector_load %arg12[%swap3A_1832] {strides = array<i32>} : memref<256xf32, #tpu.memory_space<vmem>>, vector<16xf32>,
        tpu.vector_store %arg12[%swap3A_1832], %add3A_1397 {strides = array<i32>} : memref<256xf32, #tpu.memory_space<vmem>>, vector<16xf32>,
        %swap3A_1834 = arith.constant 192 : index
        %swap3A_1835 = tpu.vector_load %arg12[%swap3A_1834] {strides = array<i32>} : memref<256xf32, #tpu.memory_space<vmem>>, vector<16xf32>,
        tpu.vector_store %arg12[%swap3A_1834], %add3A_1504 {strides = array<i32>} : memref<256xf32, #tpu.memory_space<vmem>>, vector<16xf32>,
        %swap3A_1836 = arith.constant 208 : index
        %swap3A_1837 = tpu.vector_load %arg12[%swap3A_1836] {strides = array<i32>} : memref<256xf32, #tpu.memory_space<vmem>>, vector<16xf32>,
        tpu.vector_store %arg12[%swap3A_1836], %add3A_1611 {strides = array<i32>} : memref<256xf32, #tpu.memory_space<vmem>>, vector<16xf32>,
        %swap3A_1838 = arith.constant 224 : index
        %swap3A_1839 = tpu.vector_load %arg12[%swap3A_1838] {strides = array<i32>} : memref<256xf32, #tpu.memory_space<vmem>>, vector<16xf32>,
        tpu.vector_store %arg12[%swap3A_1838], %add3A_1718 {strides = array<i32>} : memref<256xf32, #tpu.memory_space<vmem>>, vector<16xf32>,
        %swap3A_1840 = arith.constant 240 : index
        %swap3A_1841 = tpu.vector_load %arg12[%swap3A_1840] {strides = array<i32>} : memref<256xf32, #tpu.memory_space<vmem>>, vector<16xf32>,
        tpu.vector_store %arg12[%swap3A_1840], %add3A_1825 {strides = array<i32>} : memref<256xf32, #tpu.memory_space<vmem>>, vector<16xf32>,
        %mul3A_1842 = arith.constant 16 : i32
        %mul3A_1843 = vector.broadcast %mul3A_1842 : i32 to vector<16xi32>
        %mul3A_1844 = arith.muli %iota3A, %mul3A_1843 : vector<16xi32>
        %add3A_1845 = arith.constant 0 : i32
        %add3A_1846 = vector.broadcast %add3A_1845 : i32 to vector<16xi32>
        %add3A_1847 = arith.addi %mul3A_1844, %add3A_1846 : vector<16xi32>
        %gather3A = tpu.vector_load_idx %arg12[%add3A_1847] : memref<256xf32, #tpu.memory_space<vmem>>[vector<16xi32>], vector<16xf32>,
        %add3A_1848 = arith.constant 1 : i32
        %add3A_1849 = vector.broadcast %add3A_1848 : i32 to vector<16xi32>
        %add3A_1850 = arith.addi %mul3A_1844, %add3A_1849 : vector<16xi32>
        %gather3A_1851 = tpu.vector_load_idx %arg12[%add3A_1850] : memref<256xf32, #tpu.memory_space<vmem>>[vector<16xi32>], vector<16xf32>,
        %add3A_1852 = arith.constant 2 : i32
        %add3A_1853 = vector.broadcast %add3A_1852 : i32 to vector<16xi32>
        %add3A_1854 = arith.addi %mul3A_1844, %add3A_1853 : vector<16xi32>
        %gather3A_1855 = tpu.vector_load_idx %arg12[%add3A_1854] : memref<256xf32, #tpu.memory_space<vmem>>[vector<16xi32>], vector<16xf32>,
        %add3A_1856 = arith.constant 3 : i32
        %add3A_1857 = vector.broadcast %add3A_1856 : i32 to vector<16xi32>
        %add3A_1858 = arith.addi %mul3A_1844, %add3A_1857 : vector<16xi32>
        %gather3A_1859 = tpu.vector_load_idx %arg12[%add3A_1858] : memref<256xf32, #tpu.memory_space<vmem>>[vector<16xi32>], vector<16xf32>,
        %add3A_1860 = arith.constant 4 : i32
        %add3A_1861 = vector.broadcast %add3A_1860 : i32 to vector<16xi32>
        %add3A_1862 = arith.addi %mul3A_1844, %add3A_1861 : vector<16xi32>
        %gather3A_1863 = tpu.vector_load_idx %arg12[%add3A_1862] : memref<256xf32, #tpu.memory_space<vmem>>[vector<16xi32>], vector<16xf32>,
        %add3A_1864 = arith.constant 5 : i32
        %add3A_1865 = vector.broadcast %add3A_1864 : i32 to vector<16xi32>
        %add3A_1866 = arith.addi %mul3A_1844, %add3A_1865 : vector<16xi32>
        %gather3A_1867 = tpu.vector_load_idx %arg12[%add3A_1866] : memref<256xf32, #tpu.memory_space<vmem>>[vector<16xi32>], vector<16xf32>,
        %add3A_1868 = arith.constant 6 : i32
        %add3A_1869 = vector.broadcast %add3A_1868 : i32 to vector<16xi32>
        %add3A_1870 = arith.addi %mul3A_1844, %add3A_1869 : vector<16xi32>
        %gather3A_1871 = tpu.vector_load_idx %arg12[%add3A_1870] : memref<256xf32, #tpu.memory_space<vmem>>[vector<16xi32>], vector<16xf32>,
        %add3A_1872 = arith.constant 7 : i32
        %add3A_1873 = vector.broadcast %add3A_1872 : i32 to vector<16xi32>
        %add3A_1874 = arith.addi %mul3A_1844, %add3A_1873 : vector<16xi32>
        %gather3A_1875 = tpu.vector_load_idx %arg12[%add3A_1874] : memref<256xf32, #tpu.memory_space<vmem>>[vector<16xi32>], vector<16xf32>,
        %add3A_1876 = arith.constant 8 : i32
        %add3A_1877 = vector.broadcast %add3A_1876 : i32 to vector<16xi32>
        %add3A_1878 = arith.addi %mul3A_1844, %add3A_1877 : vector<16xi32>
        %gather3A_1879 = tpu.vector_load_idx %arg12[%add3A_1878] : memref<256xf32, #tpu.memory_space<vmem>>[vector<16xi32>], vector<16xf32>,
        %add3A_1880 = arith.constant 9 : i32
        %add3A_1881 = vector.broadcast %add3A_1880 : i32 to vector<16xi32>
        %add3A_1882 = arith.addi %mul3A_1844, %add3A_1881 : vector<16xi32>
        %gather3A_1883 = tpu.vector_load_idx %arg12[%add3A_1882] : memref<256xf32, #tpu.memory_space<vmem>>[vector<16xi32>], vector<16xf32>,
        %add3A_1884 = arith.constant 10 : i32
        %add3A_1885 = vector.broadcast %add3A_1884 : i32 to vector<16xi32>
        %add3A_1886 = arith.addi %mul3A_1844, %add3A_1885 : vector<16xi32>
        %gather3A_1887 = tpu.vector_load_idx %arg12[%add3A_1886] : memref<256xf32, #tpu.memory_space<vmem>>[vector<16xi32>], vector<16xf32>,
        %add3A_1888 = arith.constant 11 : i32
        %add3A_1889 = vector.broadcast %add3A_1888 : i32 to vector<16xi32>
        %add3A_1890 = arith.addi %mul3A_1844, %add3A_1889 : vector<16xi32>
        %gather3A_1891 = tpu.vector_load_idx %arg12[%add3A_1890] : memref<256xf32, #tpu.memory_space<vmem>>[vector<16xi32>], vector<16xf32>,
        %add3A_1892 = arith.constant 12 : i32
        %add3A_1893 = vector.broadcast %add3A_1892 : i32 to vector<16xi32>
        %add3A_1894 = arith.addi %mul3A_1844, %add3A_1893 : vector<16xi32>
        %gather3A_1895 = tpu.vector_load_idx %arg12[%add3A_1894] : memref<256xf32, #tpu.memory_space<vmem>>[vector<16xi32>], vector<16xf32>,
        %add3A_1896 = arith.constant 13 : i32
        %add3A_1897 = vector.broadcast %add3A_1896 : i32 to vector<16xi32>
        %add3A_1898 = arith.addi %mul3A_1844, %add3A_1897 : vector<16xi32>
        %gather3A_1899 = tpu.vector_load_idx %arg12[%add3A_1898] : memref<256xf32, #tpu.memory_space<vmem>>[vector<16xi32>], vector<16xf32>,
        %add3A_1900 = arith.constant 14 : i32
        %add3A_1901 = vector.broadcast %add3A_1900 : i32 to vector<16xi32>
        %add3A_1902 = arith.addi %mul3A_1844, %add3A_1901 : vector<16xi32>
        %gather3A_1903 = tpu.vector_load_idx %arg12[%add3A_1902] : memref<256xf32, #tpu.memory_space<vmem>>[vector<16xi32>], vector<16xf32>,
        %add3A_1904 = arith.constant 15 : i32
        %add3A_1905 = vector.broadcast %add3A_1904 : i32 to vector<16xi32>
        %add3A_1906 = arith.addi %mul3A_1844, %add3A_1905 : vector<16xi32>
        %gather3A_1907 = tpu.vector_load_idx %arg12[%add3A_1906] : memref<256xf32, #tpu.memory_space<vmem>>[vector<16xi32>], vector<16xf32>,
        %add3A_1908 = arith.addf %gather3A, %gather3A_1851 : vector<16xf32>
        %add3A_1909 = arith.addf %gather3A_1855, %gather3A_1859 : vector<16xf32>
        %add3A_1910 = arith.addf %gather3A_1863, %gather3A_1867 : vector<16xf32>
        %add3A_1911 = arith.addf %gather3A_1871, %gather3A_1875 : vector<16xf32>
        %add3A_1912 = arith.addf %gather3A_1879, %gather3A_1883 : vector<16xf32>
        %add3A_1913 = arith.addf %gather3A_1887, %gather3A_1891 : vector<16xf32>
        %add3A_1914 = arith.addf %gather3A_1895, %gather3A_1899 : vector<16xf32>
        %add3A_1915 = arith.addf %gather3A_1903, %gather3A_1907 : vector<16xf32>
        %add3A_1916 = arith.addf %add3A_1908, %add3A_1909 : vector<16xf32>
        %add3A_1917 = arith.addf %add3A_1910, %add3A_1911 : vector<16xf32>
        %add3A_1918 = arith.addf %add3A_1912, %add3A_1913 : vector<16xf32>
        %add3A_1919 = arith.addf %add3A_1914, %add3A_1915 : vector<16xf32>
        %add3A_1920 = arith.addf %add3A_1916, %add3A_1917 : vector<16xf32>
        %add3A_1921 = arith.addf %add3A_1918, %add3A_1919 : vector<16xf32>
        %add3A_1922 = arith.addf %add3A_1920, %add3A_1921 : vector<16xf32>
        %mul3A_1923 = arith.constant 128 : i32
        %mul3A_1924 = arith.muli %scan3A_62, %mul3A_1923 : i32
        %mul3A_1925 = arith.constant 16 : i32
        %mul3A_1926 = arith.muli %scan3A_98, %mul3A_1925 : i32
        %add3A_1927 = arith.addi %mul3A_1924, %mul3A_1926 : i32
        %swap3A_1928 = arith.index_cast %add3A_1927 : i32 to index
        %swap3A_1929 = tpu.vector_load %arg11[%swap3A_1928] {strides = array<i32>} : memref<512xf32, #tpu.memory_space<vmem>>, vector<16xf32>,
        tpu.vector_store %arg11[%swap3A_1928], %add3A_1922 {strides = array<i32>} : memref<512xf32, #tpu.memory_space<vmem>>, vector<16xf32>,
        %scan3A_1930 = arith.constant 0 : i32
        scf.yield %scan3A_1930 : i32
      }
      %scan3A_96 = arith.constant 8 : i32
      %scan3A_97 = arith.constant 0 : i32
      scf.yield %scan3A_97 : i32
    }
    %scan3A_61 = arith.constant 4 : i32
    "tpu.region"() ({
      %run_scoped3A_62 = tpu.sem_alloc : memref<!tpu.dma_semaphore, #tpu.memory_space<semaphore_mem>>
      %dma_start3A_63 = tpu.memref_slice %arg5[%mul3A_2] : memref<16384xf32, #tpu.memory_space<hbm>> -> memref<512xf32, #tpu.memory_space<hbm>>
      %dma_start3A_64 = tpu.memref_slice %arg5[%mul3A_2] : memref<16384xf32, #tpu.memory_space<hbm>> -> memref<512xf32, #tpu.memory_space<hbm>>
      tpu.enqueue_dma source(%arg11 : memref<512xf32, #tpu.memory_space<vmem>>) target(%dma_start3A_64 : memref<512xf32, #tpu.memory_space<hbm>>) target_semaphore(%run_scoped3A_62 : memref<!tpu.dma_semaphore, #tpu.memory_space<semaphore_mem>>)
      %dma_wait3A_65 = tpu.memref_slice %arg5[%mul3A_2] : memref<16384xf32, #tpu.memory_space<hbm>> -> memref<512xf32, #tpu.memory_space<hbm>>
      %dma_wait3A_66 = tpu.memref_slice %arg5[%mul3A_2] : memref<16384xf32, #tpu.memory_space<hbm>> -> memref<512xf32, #tpu.memory_space<hbm>>
      tpu.wait_dma2 semaphore(%run_scoped3A_62 : memref<!tpu.dma_semaphore, #tpu.memory_space<semaphore_mem>>) src(%arg11 : memref<512xf32, #tpu.memory_space<vmem>>) dst(%dma_wait3A_66 : memref<512xf32, #tpu.memory_space<hbm>>)
      tpu.yield
    }) : () -> ()
    return
  }
}

</mosaic_0001>

<sc_bundles>
// kernel: kernel.3.cloned.1.call-start
scs
__scs_entry_jumppad:
0x0: {  	(pc) =	sbr.rel $0x88, $3  }
0x1: {  	(tag) =	ssettag $0x0;
	lr =	simm.s32 $0x1  }
0x2: {  	[smem:$0x3F9E] =	sst lr;
	_ =	strace $0xD0000000  }
0x3: {  	_ = 	snop  }
0x4: {  	_ = 	snop  }
0x5: {  	_ = 	snop  }
0x6: {  	_ = 	snop  }
0x7: {  	_ = 	snop  }
__scs_overlays_trampoline_lowered:
0x8: {  	[smem:$0x3FAD] =	sst s0  }
0x9: {  	[smem:$0x3FAE] =	sst s1  }
0xa: {  	[smem:$0x3FAF] =	sst s2  }
0xb: {  	[smem:$0x3FB0] =	sst s3  }
0xc: {  	[smem:$0x3FB1] =	sst s4  }
0xd: {  	[smem:$0x3FB2] =	sst s5  }
0xe: {  	[smem:$0x3FB3] =	sst s6  }
0xf: {  	[smem:$0x3FB4] =	sst s7  }
0x10: {  	[smem:$0x3FB5] =	sst s8  }
0x11: {  	[smem:$0x3FB6] =	sst s9;
	s0 =	simm.s32 @!p0 $0x0  }
0x12: {  	s1 =	sld [smem:$0x3F9C];
	s0 =	simm.s32 @p0 $0x1  }
0x13: {  	[smem:$0x3FB7] =	sst s0;
	s0 =	simm.s32 @!p1 $0x0  }
0x14: {  	s2 =	sld [smem:$0x3F9B];
	s0 =	simm.s32 @p1 $0x1  }
0x15: {  	[smem:$0x3FB8] =	sst s0;
	s0 =	simm.s32 @!p2 $0x0  }
0x16: {  	s3 =	sld [smem:$0x3FDB];
	s0 =	simm.s32 @p2 $0x1  }
0x17: {  	s4 =	simm.s32 $0x1BF5;
	[smem:$0x3FBA] =	sst s0  }
0x18: {  	s0 =	sld [smem:$0x3F9D];
	_ =	swait.ge [sflag:s4], $0x0  }
0x19: {  	s7 =	sld [smem:$0x3F9E]  }
0x1a: {  	s8 =	sadd.s32 $0xFFFFE003, lr  }
0x1b: {  	s9 =	sadd.s32 $0xFFFFFEF7, lr;
	s5 =	simm.s32 $0xFFFFFFFF;
	p2 =	slt.u32 s8, $0xFFFFF086  }
0x1c: {  	p1 =	slt.u32 s9, $0xF7A;
	s5 =	simm.s32 @!p2 $0x0  }
0x1d: {  	s5 =	simm.s32 @p1 $0x1;
	p0 =	seq.s32 s7, s2  }
0x1e: {  	s7 =	smul.u32 @!p0 $0xF7A, s2;
	p2 =	seq.s32 @!p0 s5, $0x0  }
0x1f: {  	s9 =	smul.u32 $0xF7A, s1;
	s8 =	simm.s32 @!p0 $0x1BF5;
	p2 =	por !p2, p0  }
0x20: {  	[sflag:s8] =	ssyncset.s32 @!p0 $0xFFFFF086;
	s6 =	sadd.s32 @!p0 s3, s7;
	s7 =	simm.s32 @!p0 $0x108  }
0x21: {  	s3 =	sadd.s32 s3, s9;
	s6 =	sadd.s32 @!p0 $0x88, s6;
	s7 =	simm.s32 @p2 $0x1082  }
0x22: {  	[simem:s7], [sflag:s8] =	dma.local @!p0 [hbm:s6], $0xF7A  }
0x23: {  	s9 =	sor.u32 $0xD0000000, s2;
	s6 =	simm.s32 $0x108;
	_ =	swait.ge @!p0 [sflag:s8], $0x0  }
0x24: {  	s3 =	sadd.s32 $0x88, s3;
	s6 =	simm.s32 @!p1 $0x1082;
	[sflag:s4] =	ssyncset.s32 $0xFFFFF086  }
0x25: {  	[simem:s6], [sflag:s4] =	dma.local [hbm:s3], $0xF7A  }
0x26: {  	[smem:$0x3F9E] =	sst s1;
	(tag) =	ssettag s2;
	_ =	strace s9  }
0x27: {  	s1 =	sld [smem:$0x3FAE]  }
0x28: {  	s2 =	sld [smem:$0x3FAF]  }
0x29: {  	s4 =	sld [smem:$0x3FB1]  }
0x2a: {  	p0 =	seq.s32 s5, $0x0;
	s5 =	sld [smem:$0x3FB2]  }
0x2b: {  	s6 =	sld [smem:$0x3FB3]  }
0x2c: {  	s7 =	sld [smem:$0x3FB4]  }
0x2d: {  	s3 =	simm.s32 $0x108;
	s8 =	sld [smem:$0x3FB5]  }
0x2e: {  	s3 =	simm.s32 @!p0 $0x1082;
	s9 =	sld [smem:$0x3FB6]  }
0x2f: {  	lr =	sadd.s32 s0, s3;
	s0 =	sld [smem:$0x3FAD]  }
0x30: {  	s3 =	sld [smem:$0x3FB0]  }
0x31: {  	[smem:$0x3FB9] =	sst s10  }
0x32: {  	s10 =	sld [smem:$0x3FB7];
	_ =	sdelay $0x3  }
0x33: {  	p0 =	seq.s32 s10, $0x1;
	s10 =	sld [smem:$0x3FB9];
	_ =	sdelay $0x3  }
0x34: {  	[smem:$0x3FB9] =	sst s10  }
0x35: {  	s10 =	sld [smem:$0x3FB8];
	_ =	sdelay $0x3  }
0x36: {  	p1 =	seq.s32 s10, $0x1;
	s10 =	sld [smem:$0x3FB9];
	_ =	sdelay $0x3  }
0x37: {  	[smem:$0x3FB9] =	sst s10  }
0x38: {  	s10 =	sld [smem:$0x3FBA]  }
0x39: {  	_ = 	snop;
	(pc) =	sbr.ind lr, $3  }
0x3a: {  	_ = 	snop  }
0x3b: {  	_ = 	snop  }
0x3c: {  	p2 =	seq.s32 s10, $0x1;
	s10 =	sld [smem:$0x3FB9]  }
0x3d: {  	_ =	shalt  }
0x3e: {  	_ =	shalt  }
0x3f: {  	_ =	shalt  }
0x40: {  	_ =	shalt  }
0x41: {  	_ =	shalt  }
0x42: {  	_ =	shalt  }
0x43: {  	_ =	shalt  }
0x44: {  	_ =	shalt  }
0x45: {  	_ =	shalt  }
0x46: {  	_ =	shalt  }
0x47: {  	_ =	shalt  }
0x48: {  	_ =	shalt  }
0x49: {  	_ =	shalt  }
0x4a: {  	_ =	shalt  }
0x4b: {  	_ =	shalt  }
0x4c: {  	_ =	shalt  }
0x4d: {  	_ =	shalt  }
0x4e: {  	_ =	shalt  }
0x4f: {  	_ =	shalt  }
0x50: {  	_ =	shalt  }
0x51: {  	_ =	shalt  }
0x52: {  	_ =	shalt  }
0x53: {  	_ =	shalt  }
0x54: {  	_ =	shalt  }
0x55: {  	_ =	shalt  }
0x56: {  	_ =	shalt  }
0x57: {  	_ =	shalt  }
0x58: {  	_ =	shalt  }
0x59: {  	_ =	shalt  }
0x5a: {  	_ =	shalt  }
0x5b: {  	_ =	shalt  }
0x5c: {  	_ =	shalt  }
0x5d: {  	_ =	shalt  }
0x5e: {  	_ =	shalt  }
0x5f: {  	_ =	shalt  }
0x60: {  	_ =	shalt  }
0x61: {  	_ =	shalt  }
0x62: {  	_ =	shalt  }
0x63: {  	_ =	shalt  }
0x64: {  	_ =	shalt  }
0x65: {  	_ =	shalt  }
0x66: {  	_ =	shalt  }
0x67: {  	_ =	shalt  }
0x68: {  	_ =	shalt  }
0x69: {  	_ =	shalt  }
0x6a: {  	_ =	shalt  }
0x6b: {  	_ =	shalt  }
0x6c: {  	_ =	shalt  }
0x6d: {  	_ =	shalt  }
0x6e: {  	_ =	shalt  }
0x6f: {  	_ =	shalt  }
0x70: {  	_ =	shalt  }
0x71: {  	_ =	shalt  }
0x72: {  	_ =	shalt  }
0x73: {  	_ =	shalt  }
0x74: {  	_ =	shalt  }
0x75: {  	_ =	shalt  }
0x76: {  	_ =	shalt  }
0x77: {  	_ =	shalt  }
0x78: {  	_ =	shalt  }
0x79: {  	_ =	shalt  }
0x7a: {  	_ =	shalt  }
0x7b: {  	_ =	shalt  }
0x7c: {  	_ =	shalt  }
0x7d: {  	_ =	shalt  }
0x7e: {  	_ =	shalt  }
0x7f: {  	_ =	shalt  }
0x80: {  	_ =	shalt  }
0x81: {  	_ =	shalt  }
0x82: {  	_ =	shalt  }
0x83: {  	_ =	shalt  }
0x84: {  	_ =	shalt  }
0x85: {  	_ =	shalt  }
0x86: {  	_ =	shalt  }
0x87: {  	_ =	shalt  }
.Lfunc_end0:
.L_simem_size_0:
called_computation_lowered:
.L_overlay_start_0:
0x88: {  	s2 =	sld [smem:$0x3FD9]  }
0x89: {  	s3 =	sld [smem:$0x3FFE];
	_ =	sdelay $0x1  }
0x8a: {  	s1 =	srdreg.scid  }
0x8b: {  	s0 =	sand.u32 $0x1, s1  }
0x8c: {  	s18 =	sshll.u32 s0, $0xA;
	s2 =	sadd.s32 s3, s2  }
0x8d: {  	s2 =	sadd.s32 s2, s18  }
0x8e: {  	[smem:$0x3FC5] =	sst s2  }
0x8f: {  	_ = 	snop  }
0x90: {  	s2 =	sld [smem:$0x3FC9]  }
0x91: {  	s19 =	sld [smem:$0x3FC8]  }
0x92: {  	s4 =	sld [smem:$0x3FC7]  }
0x93: {  	s5 =	sld [smem:$0x3FD0];
	(tm) =	ssettm $0x1  }
0x94: {  	s6 =	sld [smem:$0x3FFB];
	_ =	sdelay $0x3  }
0x95: {  	_ =	strace s6  }
0x96: {  	s6 =	sld [smem:$0x3FFC];
	_ =	sdelay $0x3  }
0x97: {  	_ =	strace s6  }
0x98: {  	s6 =	sld [smem:$0x3FFD];
	_ =	sdelay $0x3  }
0x99: {  	_ =	strace s6  }
0x9a: {  	_ =	strace $0x8FFFFFFF  }
0x9b: {  	s20 =	sld [smem:$0x3FDB];
	_ =	sdelay $0x1  }
0x9c: {  	s7 =	simm.s32 $_scs_section_size  }
0x9d: {  	s8 =	simm.s32 $_size__tile_overlayer_lowered;
	s9 =	simm.s32 $_tile_overlayer_lowered  }
0x9e: {  	s23 =	simm.s32 $0x1BFF;
	s22 =	sshll.u32 s9, $0x1;
	s6 =	sadd.s32 s7, s20  }
0x9f: {  	s10 =	simm.s32 $0x0;
	s21 =	sshll.u32 s8, $0x1;
	s8 =	sadd.s32 s22, s6  }
0xa0: {  	[timem:s10], [sflag:s23] =	dma.local [hbm:s8], s21  }
0xa1: {  	_ =	swait.ge [sflag:s23], s21  }
0xa2: {  	s7 =	ssub.s32 $0x0, s21;
	[sflag:s23] =	ssyncset.done $0x0  }
0xa3: {  	[sflag:s23] =	ssyncadd.s32 s7;
	_ =	sdelay $0x1  }
0xa4: {  	s24 =	simm.s32 $0x1B8B  }
0xa5: {  	_ =	swait.ge [sflag:s24], $0x1  }
0xa6: {  	[sflag:s24] =	ssyncset.done $0x0  }
0xa7: {  	s25 =	simm.s32 $0x1B8E;
	[sflag:s24] =	ssyncadd.s32 $0xFFFFFFFF  }
0xa8: {  	s26 =	simm.s32 $execute0_lowered;
	[smem:$0x3FD2] =	sst s25  }
0xa9: {  	s7 =	sshll.u32 s26, $0x1;
	_ =	strace $0x80000046;
	[dreg:$0x1] =	wrdreg $0xFFFFFFFF  }
0xaa: {  	s28 =	simm.s32 $_size_execute0_lowered;
	s6 =	sadd.s32 s6, s7;
	[dreg:$0x0] =	wrdreg $0x0  }
0xab: {  	s7 =	sshll.u32 s28, $0x1;
	[dreg:$0x2] =	wrdreg s6  }
0xac: {  	[dreg:$0x3] =	wrdreg s7  }
0xad: {  	[dreg:$0x4] =	wrdreg $0xC0  }
0xae: {  	_ =	task [dreg:s10], $0x5FFFF  }
0xaf: {  	[dreg:$0x1] =	wrdreg $0xFFFFFFFF  }
0xb0: {  	[dreg:$0x0] =	wrdreg $0x60  }
0xb1: {  	[dreg:$0x2] =	wrdreg s2  }
0xb2: {  	[dreg:$0x3] =	wrdreg s19  }
0xb3: {  	[dreg:$0x4] =	wrdreg s4  }
0xb4: {  	[dreg:$0x5] =	wrdreg s5  }
0xb5: {  	[dreg:$0x6] =	wrdreg $0x9  }
0xb6: {  	_ =	task.clear_ibuf [dreg:s10], $0x7FFFF;
	_ =	strace $0x90000046  }
0xb7: {  	s29 =	simm.s32 $0x9;
	_ =	strace $0x80000048  }
0xb8: {  	_ =	swait.ge [sflag:s29], $0x1  }
0xb9: {  	[sflag:s29] =	ssyncadd.s32 $0xFFFFFFFF  }
0xba: {  	_ =	strace $0x90000048  }
0xbb: {  	_ =	sfence  }
0xbc: {  	s30 =	sld [smem:$0x0];
	_ =	sdelay $0x2  }
0xbd: {  	s31 =	sshll.u32 s1, $0xD;
	s1 =	sshrl.u32 s1, $0x2  }
0xbe: {  	s3 =	sand.u32 $0x4000, s31;
	s1 =	sadd.s32 s1, s30  }
0xbf: {  	s0 =	sor.u32 s3, s0;
	s1 =	sshll.u32 s1, $0x11  }
0xc0: {  	s0 =	sor.u32 s1, s0  }
0xc1: {  	s0 =	sadd.s32 $0x8F2B, s0  }
0xc2: {  	[sflag:s0] =	ssyncadd.remote.s32 $0x1  }
0xc3: {  	_ =	sfence.sel $0xFFFF  }
0xc4: {  	[dreg:$0x0] =	wrdreg $0xFFFFFFFF;
	(pc) =	sbr.abs _section_cstart, $3  }
0xc5: {  	[dreg:$0x1] =	wrdreg $0xFFFFFFFF  }
0xc6: {  	_ =	task.clear_ibuf [dreg:s10], $0x2FFFF;
	_ =	strace $0x9FFFFFFF  }
0xc7: {  	(tm) =	ssettm $0x7FFFFFFF  }
tec
execute0_lowered:
.L_overlay_start_1:
0x0: {  	(tag) =	ssettag $0x1  }
0x1: {  	s1 =	rddreg [dreg:$0x0]  }
0x2: {  	s0 =	rddreg [dreg:$0x2]  }
0x3: {  	s2 =	rddreg [dreg:$0x3]  }
0x4: {  	s3 =	srdreg.scid;
	s5 =	stileid.u32  }
0x5: {  	s4 =	simm.s32 $0x0;
	v0 =	vlaneseq.u32;
	s9 =	simm.s32 $0x80;
	s10 =	simm.s32 $0x100  }
0x6: {  	s11 =	simm.s32 $0x200;
	s12 =	simm.s32 $0x1;
	s13 =	simm.s32 $0x2;
	v3 =	vmul.u32 $0x10, v0  }
0x7: {  	s17 =	simm.s32 $0x5;
	s18 =	simm.s32 $0x10680;
	s3 =	sand.u32 $0x1, s3  }
0x8: {  	s20 =	simm.s32 $0x0;
	s5 =	sshll.u32 s5, $0xA;
	s6 =	sshll.u32 s3, $0x9;
	v4 =	vor.u32 $0x1, v3;
	v5 =	vor.u32 $0x2, v3;
	v6 =	vor.u32 $0x3, v3  }
0x9: {  	[smem:$0x7FF] =	sst s4;
	s3 =	ssub.s32 $0x2, s3;
	s6 =	sor.u32 s6, s5;
	v7 =	vor.u32 $0x4, v3;
	v8 =	vor.u32 $0x5, v3;
	v9 =	vor.u32 $0x6, v3  }
0xa: {  	_ =	strace $0x80000047;
	s30 =	sshrl.u32 s3, $0x1;
	v10 =	vor.u32 $0x7, v3;
	v11 =	vor.u32 $0x8, v3;
	v12 =	vor.u32 $0x9, v3;
	s7 =	sshrl.u32 s6, $0x2  }
0xb: {  	v13 =	vor.u32 $0xA, v3;
	v14 =	vor.u32 $0xB, v3;
	v15 =	vor.u32 $0xC, v3;
	[tilespmem:$0x1FFE0] =	vst v3;
	s3 =	ssub.s32 s3, s30;
	s31 =	sshrl.u32 s6, $0x3;
	s5 =	sadd.s32 s0, s7  }
0xc: {  	v24 =	vor.u32 $0xD, v3;
	v38 =	vor.u32 $0xE, v3;
	v39 =	vor.u32 $0xF, v3;
	[tilespmem:$0x1FFF0] =	vst v4;
	s7 =	sadd.s32 s2, s31;
	s8 =	smax.u32 s3, $0x1;
	s6 =	sadd.s32 $0x10, s5  }
.LBB2_1:
0xd: {  	[tilespmem:s4], [sflag:$0x1] =	stream.strided.gather [hbm4b:s5+s9], $0x200, s10, s9, $0x38;
	[tilespmem:$0x10780] =	vst v63  }
0xe: {  	_ = 	snop  }
0xf: {  	[tilespmem:s11], [sflag:$0x2] =	stream.strided.gather [hbm4b:s6+s9], $0x200, s10, s9, $0x38;
	[tilespmem:$0x10780] =	vst v63  }
0x10: {  	_ =	swait.ge [sflag:s12], $0x200  }
0x11: {  	[sflag:s12] =	ssyncset.done $0x0  }
0x12: {  	[sflag:s12] =	ssyncadd.s32 $0xFFFFFE00  }
0x13: {  	_ =	swait.ge [sflag:s13], $0x200  }
0x14: {  	[sflag:s13] =	ssyncset.done $0x0  }
0x15: {  	s0 =	simm.s32 $0x400;
	[sflag:s13] =	ssyncadd.s32 $0xFFFFFE00  }
0x16: {  	[tilespmem:s0], [sflag:$0x1] =	stream.indirect.gather [hbm4b:s1+s9], $0x80, s4, s9, $0xb8;
	[tilespmem:$0x10780] =	vst v63  }
0x17: {  	s30 =	simm.s32 $0x8400  }
0x18: {  	[tilespmem:s30], [sflag:$0x2] =	stream.indirect.gather [hbm4b:s1+s9], $0x80, s11, s9, $0xb8;
	[tilespmem:$0x10780] =	vst v63  }
0x19: {  	s2 =	simm.s32 $0x10400;
	s31 =	rddreg [dreg:$0x1]  }
0x1a: {  	[tilespmem:s2], [sflag:$0x5] =	stream.linear.gather [hbm4b:s31+s4], $0x80, $0x38;
	[tilespmem:$0x10780] =	vst v63  }
0x1b: {  	_ =	swait.ge [sflag:s17], $0x80  }
0x1c: {  	[sflag:s17] =	ssyncset.done $0x0  }
0x1d: {  	[sflag:s17] =	ssyncadd.s32 $0xFFFFFF80  }
0x1e: {  	v16 =	vld [tilespmem:$0x10400]  }
0x1f: {  	v17 =	vld [tilespmem:$0x10410]  }
0x20: {  	v18 =	vld [tilespmem:$0x10420]  }
0x21: {  	v19 =	vld [tilespmem:$0x10430]  }
0x22: {  	v20 =	vld [tilespmem:$0x10440]  }
0x23: {  	v21 =	vld [tilespmem:$0x10450]  }
0x24: {  	v22 =	vld [tilespmem:$0x10460]  }
0x25: {  	s21 =	simm.s32 $0x0;
	v23 =	vld [tilespmem:$0x10470]  }
.LBB2_3:
0x26: {  	s0 =	smov.u32 s21;
	s2 =	sand.u32 $0x1, s21  }
0x27: {  	s21 =	sadd.s32 $0x1, s21;
	p0 =	seq.s32 s2, $0x1;
	p1 =	seq.s32 s0, $0x3  }
0x28: {  	s3 =	sshll.u32 @!p0 s21, $0x7;
	s14 =	simm.s32 @!p0 $0x80;
	s15 =	simm.s32 @!p0 $0x4400  }
0x29: {  	[tilespmem:s15], [sflag:$0x3] =	stream.indirect.gather @!p0 [hbm4b:s1+s14], $0x80, s3, s14, $0xb8;
	[tilespmem:$0x10780] =	vst v63  }
0x2a: {  	p1 =	por !p0, p1;
	s3 =	sadd.s32 @!p0 $0x200, s3;
	s15 =	simm.s32 @!p0 $0xC400  }
0x2b: {  	[tilespmem:s15], [sflag:$0x4] =	stream.indirect.gather @!p0 [hbm4b:s1+s14], $0x80, s3, s14, $0xb8;
	[tilespmem:$0x10780] =	vst v63  }
0x2c: {  	s3 =	sshll.u32 @!p1 s21, $0x7;
	s14 =	simm.s32 @!p1 $0x80;
	s15 =	simm.s32 @!p1 $0x400  }
0x2d: {  	[tilespmem:s15], [sflag:$0x1] =	stream.indirect.gather @!p1 [hbm4b:s1+s14], $0x80, s3, s14, $0xb8;
	[tilespmem:$0x10780] =	vst v63  }
0x2e: {  	s3 =	sadd.s32 @!p1 $0x200, s3;
	s15 =	simm.s32 @!p1 $0x8400  }
0x2f: {  	[tilespmem:s15], [sflag:$0x2] =	stream.indirect.gather @!p1 [hbm4b:s1+s14], $0x80, s3, s14, $0xb8;
	[tilespmem:$0x10780] =	vst v63  }
0x30: {  	p1 =	sne.s32 s2, $0x0  }
0x31: {  	s3 =	simm.s32 @!p1 $0x1  }
0x32: {  	_ =	swait.ge @!p1 [sflag:s3], $0x4000  }
0x33: {  	[sflag:s3] =	ssyncset.done @!p1 $0x0  }
0x34: {  	[sflag:s3] =	ssyncadd.s32 @!p1 $0xFFFFC000;
	s3 =	simm.s32 @!p1 $0x2  }
0x35: {  	s22 =	sshll.u32 s2, $0xE;
	_ =	swait.ge @!p1 [sflag:s3], $0x4000  }
0x36: {  	s0 =	sshll.u32 s0, $0x7;
	s26 =	sor.u32 $0x100, s22;
	[sflag:s3] =	ssyncset.done @!p1 $0x0  }
0x37: {  	s23 =	sor.u32 $0x280, s22;
	[sflag:s3] =	ssyncadd.s32 @!p1 $0xFFFFC000;
	s3 =	simm.s32 @p0 $0x3  }
0x38: {  	s24 =	sor.u32 $0x300, s22;
	s25 =	sor.u32 $0x380, s22;
	_ =	swait.ge @p0 [sflag:s3], $0x4000  }
0x39: {  	s28 =	sor.u32 $0x480, s22;
	s29 =	sor.u32 $0x500, s22;
	[sflag:s3] =	ssyncset.done @p0 $0x0  }
0x3a: {  	s2 =	sor.u32 $0x80, s22;
	[sflag:s3] =	ssyncadd.s32 @p0 $0xFFFFC000;
	s3 =	simm.s32 @p0 $0x4  }
0x3b: {  	s30 =	sor.u32 $0x580, s22;
	_ =	swait.ge @p0 [sflag:s3], $0x4000;
	[dreg:$0x5] =	wrdreg s2  }
0x3c: {  	s16 =	sand.u32 $0x3FFFFF80, s0;
	s14 =	sor.u32 $0x180, s22;
	[dreg:$0x6] =	wrdreg s26  }
0x3d: {  	s31 =	sor.u32 $0x600, s22;
	s15 =	sor.u32 $0x200, s22;
	[dreg:$0x7] =	wrdreg s14  }
0x3e: {  	s0 =	sor.u32 $0x680, s22;
	s19 =	sadd.s32 $0x10480, s16;
	[dreg:$0x8] =	wrdreg s15  }
0x3f: {  	v0 =	vmov s19;
	s26 =	sor.u32 $0x400, s22;
	s2 =	sor.u32 $0x780, s22;
	[sflag:s3] =	ssyncset.done @p0 $0x0  }
0x40: {  	s14 =	simm.s32 $0x0;
	[tilespmem:$0x1FFD0] =	vst v0;
	[sflag:s3] =	ssyncadd.s32 @p0 $0xFFFFC000;
	s3 =	sor.u32 $0x700, s22  }
.LBB2_4:
0x41: {  	s15 =	sshll.u32 s14, $0xB  }
0x42: {  	s16 =	sor.u32 s22, s15  }
0x43: {  	v25 =	vld [tilespmem:s16+$0x400]  }
0x44: {  	v26 =	vld [tilespmem:s16+$0x440]  }
0x45: {  	v27 =	vld [tilespmem:s16+$0x8400]  }
0x46: {  	v28 =	vld [tilespmem:s16+$0x8440]  }
0x47: {  	v29 =	vld [tilespmem:s16+$0x410]  }
0x48: {  	v30 =	vld [tilespmem:s16+$0x450]  }
0x49: {  	v31 =	vld [tilespmem:s16+$0x8410]  }
0x4a: {  	v32 =	vld [tilespmem:s16+$0x8450]  }
0x4b: {  	v33 =	vld [tilespmem:s16+$0x420]  }
0x4c: {  	v34 =	vld [tilespmem:s16+$0x460]  }
0x4d: {  	v35 =	vld [tilespmem:s16+$0x8420]  }
0x4e: {  	v36 =	vld [tilespmem:s16+$0x8460]  }
0x4f: {  	v37 =	vld [tilespmem:s16+$0x430]  }
0x50: {  	v4 =	vmov v38;
	v38 =	vld [tilespmem:s16+$0x470]  }
0x51: {  	s19 =	rddreg [dreg:$0x5];
	v3 =	vmov v39;
	v39 =	vld [tilespmem:s16+$0x8430]  }
0x52: {  	v40 =	vld [tilespmem:s16+$0x8470];
	s16 =	sor.u32 s19, s15  }
0x53: {  	v41 =	vld [tilespmem:s16+$0x400]  }
0x54: {  	v42 =	vld [tilespmem:s16+$0x440]  }
0x55: {  	v43 =	vld [tilespmem:s16+$0x8400]  }
0x56: {  	v44 =	vld [tilespmem:s16+$0x8440]  }
0x57: {  	v45 =	vld [tilespmem:s16+$0x410]  }
0x58: {  	v46 =	vld [tilespmem:s16+$0x450]  }
0x59: {  	v47 =	vld [tilespmem:s16+$0x8410]  }
0x5a: {  	v48 =	vld [tilespmem:s16+$0x8450]  }
0x5b: {  	v49 =	vld [tilespmem:s16+$0x420];
	v51 =	vmul.f32 v27, v16  }
0x5c: {  	v50 =	vld [tilespmem:s16+$0x460];
	v52 =	vmul.f32 v28, v20;
	v28 =	vmul.f32 v28, v16  }
0x5d: {  	v53 =	vld [tilespmem:s16+$0x8420];
	v27 =	vmul.f32 v27, v20;
	v55 =	vmul.f32 v31, v17  }
0x5e: {  	v54 =	vld [tilespmem:s16+$0x8460];
	v56 =	vmul.f32 v32, v21;
	v32 =	vmul.f32 v32, v17  }
0x5f: {  	v57 =	vld [tilespmem:s16+$0x430];
	v31 =	vmul.f32 v31, v21;
	v2 =	vmul.f32 v35, v18  }
0x60: {  	v58 =	vld [tilespmem:s16+$0x470];
	v59 =	vmul.f32 v36, v22;
	v62 =	vmul.f32 v36, v18  }
0x61: {  	s19 =	rddreg [dreg:$0x6];
	v60 =	vld [tilespmem:s16+$0x8430];
	v35 =	vmul.f32 v35, v22;
	v0 =	vmul.f32 v39, v19  }
0x62: {  	v36 =	vld [tilespmem:s16+$0x8470];
	s16 =	sor.u32 s19, s15;
	v1 =	vmul.f32 v40, v23;
	v40 =	vmul.f32 v40, v19  }
0x63: {  	v39 =	vmul.f32 v39, v23;
	v61 =	vld [tilespmem:s16+$0x8410];
	v51 =	vadd.f32 v52, v51;
	v27 =	vsub.f32 v28, v27  }
0x64: {  	v63 =	vadd.f32 v56, v55;
	v31 =	vsub.f32 v32, v31;
	v32 =	vld [tilespmem:s16+$0x400];
	v56 =	vmul.f32 v43, v16  }
0x65: {  	v28 =	vsub.f32 v62, v35;
	v35 =	vld [tilespmem:s16+$0x440];
	v43 =	vmul.f32 v43, v20;
	v25 =	vmul.f32 v51, v25  }
0x66: {  	v52 =	vld [tilespmem:s16+$0x410];
	v26 =	vmul.f32 v27, v26;
	v29 =	vmul.f32 v63, v29  }
0x67: {  	v55 =	vld [tilespmem:s16+$0x450];
	v30 =	vmul.f32 v31, v30;
	v28 =	vmul.f32 v28, v34  }
0x68: {  	v62 =	vld [tilespmem:s16+$0x8450];
	v27 =	vadd.f32 v59, v2;
	v59 =	vmul.f32 v44, v20;
	v44 =	vmul.f32 v44, v16  }
0x69: {  	v39 =	vsub.f32 v40, v39;
	v31 =	vld [tilespmem:s16+$0x8400];
	v51 =	vmul.f32 v47, v17;
	v63 =	vmul.f32 v48, v21  }
0x6a: {  	v34 =	vadd.f32 v1, v0;
	v0 =	vld [tilespmem:s16+$0x420];
	v2 =	vmul.f32 v48, v17;
	v47 =	vmul.f32 v47, v21  }
0x6b: {  	v48 =	vld [tilespmem:s16+$0x460];
	v38 =	vmul.f32 v39, v38;
	v1 =	vmul.f32 v53, v18  }
0x6c: {  	v53 =	vmul.f32 v53, v22;
	v27 =	vmul.f32 v27, v33;
	v33 =	vld [tilespmem:s16+$0x8440]  }
0x6d: {  	v34 =	vmul.f32 v34, v37;
	v59 =	vadd.f32 v59, v56;
	v43 =	vsub.f32 v44, v43;
	v44 =	vld [tilespmem:s16+$0x8420]  }
0x6e: {  	v63 =	vadd.f32 v63, v51;
	v40 =	vsub.f32 v2, v47;
	v47 =	vld [tilespmem:s16+$0x8460];
	v2 =	vmul.f32 v54, v22  }
0x6f: {  	v51 =	vld [tilespmem:s16+$0x8430];
	v54 =	vmul.f32 v54, v18;
	v25 =	vadd.f32 v29, v25;
	v29 =	vmul.f32 v60, v19  }
0x70: {  	v56 =	vld [tilespmem:s16+$0x8470];
	v26 =	vadd.f32 v30, v26;
	v30 =	vmul.f32 v36, v19;
	v37 =	vmul.f32 v59, v41  }
0x71: {  	s19 =	rddreg [dreg:$0x7];
	v41 =	vmul.f32 v43, v42;
	v42 =	vld [tilespmem:s16+$0x430];
	v39 =	vmul.f32 v63, v45  }
0x72: {  	v40 =	vmul.f32 v40, v46;
	v43 =	vld [tilespmem:s16+$0x470];
	s16 =	sor.u32 s19, s15;
	v59 =	vmul.f32 v36, v23  }
0x73: {  	v36 =	vmul.f32 v60, v23;
	v45 =	vadd.f32 v2, v1;
	v53 =	vsub.f32 v54, v53;
	v63 =	vld [tilespmem:s16+$0x400]  }
0x74: {  	v25 =	vadd.f32 v27, v25;
	v26 =	vadd.f32 v28, v26;
	v60 =	vld [tilespmem:s16+$0x440];
	v46 =	vmul.f32 v31, v16  }
0x75: {  	v2 =	vld [tilespmem:s16+$0x8400];
	v31 =	vmul.f32 v31, v20;
	v45 =	vmul.f32 v45, v49;
	v30 =	vsub.f32 v30, v36  }
0x76: {  	v54 =	vld [tilespmem:s16+$0x8440];
	v49 =	vmul.f32 v53, v50;
	v25 =	vadd.f32 v34, v25;
	v34 =	vmul.f32 v62, v21  }
0x77: {  	v36 =	vld [tilespmem:s16+$0x410];
	v26 =	vadd.f32 v38, v26;
	v38 =	vmul.f32 v62, v17;
	v1 =	vmul.f32 v33, v20  }
0x78: {  	v29 =	vadd.f32 v59, v29;
	v50 =	vld [tilespmem:s16+$0x460];
	v33 =	vmul.f32 v33, v16;
	v53 =	vmul.f32 v44, v18  }
0x79: {  	v59 =	vmul.f32 v56, v23;
	v62 =	vmul.f32 v56, v19;
	v56 =	vld [tilespmem:s16+$0x470]  }
0x7a: {  	v27 =	vmul.f32 v29, v57;
	v29 =	vmul.f32 v30, v58;
	v30 =	vld [tilespmem:s16+$0x8410]  }
0x7b: {  	s19 =	rddreg [dreg:$0x8];
	v37 =	vadd.f32 v39, v37;
	v44 =	vmul.f32 v44, v22;
	v57 =	vmul.f32 v47, v22;
	v58 =	vld [tilespmem:s16+$0x8420]  }
0x7c: {  	s19 =	sor.u32 s19, s15;
	v25 =	vadd.f32 v26, v25;
	v26 =	vmul.f32 v47, v18;
	v47 =	vld [tilespmem:s16+$0x8460];
	v1 =	vadd.f32 v1, v46  }
0x7d: {  	v37 =	vadd.f32 v45, v37;
	v45 =	vld [tilespmem:s19+$0x8400];
	v31 =	vsub.f32 v33, v31;
	v46 =	vmul.f32 v61, v21  }
0x7e: {  	v33 =	vld [tilespmem:s16+$0x450];
	v57 =	vadd.f32 v57, v53;
	v26 =	vsub.f32 v26, v44;
	v1 =	vmul.f32 v1, v32  }
0x7f: {  	v44 =	vld [tilespmem:s16+$0x8430];
	v28 =	vmul.f32 v31, v35;
	v32 =	vmul.f32 v61, v17  }
0x80: {  	v53 =	vld [tilespmem:s19+$0x410];
	v38 =	vsub.f32 v38, v46;
	v0 =	vmul.f32 v57, v0;
	v39 =	vmul.f32 v26, v48  }
0x81: {  	v31 =	vld [tilespmem:s16+$0x8450];
	v57 =	vmul.f32 v54, v20;
	v32 =	vadd.f32 v34, v32;
	v34 =	vmul.f32 v51, v19  }
0x82: {  	v35 =	vld [tilespmem:s16+$0x420];
	v26 =	vadd.f32 v40, v41;
	v51 =	vmul.f32 v51, v23;
	v38 =	vmul.f32 v38, v55  }
0x83: {  	v27 =	vadd.f32 v27, v37;
	v61 =	vld [tilespmem:s16+$0x430];
	v37 =	vmul.f32 v30, v17;
	v30 =	vmul.f32 v30, v21  }
0x84: {  	v48 =	vld [tilespmem:s19+$0x400];
	v26 =	vadd.f32 v49, v26;
	v32 =	vmul.f32 v32, v52;
	v34 =	vadd.f32 v59, v34  }
0x85: {  	v41 =	vld [tilespmem:s19+$0x440];
	v46 =	vsub.f32 v62, v51;
	v62 =	vmul.f32 v2, v16;
	v59 =	vmul.f32 v54, v16  }
0x86: {  	v55 =	vld [tilespmem:s19+$0x8410];
	v2 =	vmul.f32 v2, v20;
	v54 =	vmul.f32 v47, v22;
	v28 =	vadd.f32 v38, v28  }
0x87: {  	v49 =	vld [tilespmem:s19+$0x8440];
	v52 =	vmul.f32 v31, v21;
	v26 =	vadd.f32 v29, v26;
	v29 =	vmul.f32 v31, v17  }
0x88: {  	v51 =	vld [tilespmem:s16+$0x8470];
	v34 =	vmul.f32 v34, v42;
	v40 =	vmul.f32 v46, v43;
	v42 =	vadd.f32 v57, v62  }
0x89: {  	v31 =	vld [tilespmem:s19+$0x450];
	v43 =	vmul.f32 v58, v18;
	v2 =	vsub.f32 v59, v2;
	v46 =	vmul.f32 v47, v18  }
0x8a: {  	v62 =	vmul.f32 v58, v22;
	v57 =	vld [tilespmem:s19+$0x8450];
	v1 =	vadd.f32 v32, v1;
	v58 =	vmul.f32 v44, v19  }
0x8b: {  	v47 =	vld [tilespmem:s19+$0x460];
	v44 =	vmul.f32 v44, v23;
	v28 =	vadd.f32 v39, v28;
	v29 =	vsub.f32 v29, v30  }
0x8c: {  	v39 =	vmul.f32 v45, v16;
	v45 =	vmul.f32 v45, v20;
	v37 =	vadd.f32 v52, v37;
	v30 =	vld [tilespmem:s19+$0x420]  }
0x8d: {  	v26 =	vadd.f32 v26, v27;
	v42 =	vmul.f32 v42, v63;
	v29 =	vmul.f32 v29, v33;
	v33 =	vld [tilespmem:s19+$0x8420]  }
0x8e: {  	v2 =	vmul.f32 v2, v60;
	v43 =	vadd.f32 v54, v43;
	v27 =	vmul.f32 v37, v36;
	v36 =	vld [tilespmem:s19+$0x8460]  }
0x8f: {  	v46 =	vsub.f32 v46, v62;
	v59 =	vmul.f32 v51, v23;
	v60 =	vmul.f32 v51, v19;
	v51 =	vld [tilespmem:s19+$0x8430]  }
0x90: {  	v0 =	vadd.f32 v0, v1;
	v62 =	vmul.f32 v55, v17;
	v32 =	vmul.f32 v43, v35;
	v43 =	vld [tilespmem:s19+$0x430]  }
0x91: {  	v55 =	vmul.f32 v55, v21;
	v28 =	vadd.f32 v40, v28;
	v35 =	vmul.f32 v46, v50;
	v46 =	vld [tilespmem:s19+$0x470]  }
0x92: {  	v50 =	vmul.f32 v49, v20;
	v0 =	vadd.f32 v34, v0;
	v34 =	vmul.f32 v49, v16;
	v49 =	vld [tilespmem:s19+$0x8470];
	s19 =	sor.u32 s23, s15  }
0x93: {  	v37 =	vadd.f32 v59, v58;
	v63 =	vmul.f32 v57, v21;
	v54 =	vld [tilespmem:s19+$0x400];
	v1 =	vsub.f32 v60, v44  }
0x94: {  	v60 =	vmul.f32 v57, v17;
	v57 =	vld [tilespmem:s19+$0x440];
	v27 =	vadd.f32 v27, v42;
	v39 =	vadd.f32 v50, v39  }
0x95: {  	v40 =	vld [tilespmem:s19+$0x410];
	v2 =	vadd.f32 v29, v2;
	v34 =	vsub.f32 v34, v45;
	v37 =	vmul.f32 v37, v61  }
0x96: {  	v52 =	vld [tilespmem:s19+$0x420];
	v1 =	vmul.f32 v1, v56;
	v38 =	vadd.f32 v63, v62;
	v39 =	vmul.f32 v39, v48  }
0x97: {  	v45 =	vld [tilespmem:s19+$0x8400];
	v44 =	vsub.f32 v60, v55;
	v34 =	vmul.f32 v34, v41;
	v61 =	vmul.f32 v33, v18  }
0x98: {  	s16 =	sor.u32 s24, s15;
	v50 =	vld [tilespmem:s19+$0x8440];
	v27 =	vadd.f32 v32, v27;
	v62 =	vmul.f32 v36, v22;
	v63 =	vmul.f32 v36, v18  }
0x99: {  	v2 =	vadd.f32 v35, v2;
	v55 =	vld [tilespmem:s16+$0x460];
	v33 =	vmul.f32 v33, v22;
	v35 =	vmul.f32 v51, v19  }
0x9a: {  	v41 =	vld [tilespmem:s19+$0x450];
	v58 =	vmul.f32 v51, v23;
	v38 =	vmul.f32 v38, v53  }
0x9b: {  	v36 =	vld [tilespmem:s19+$0x8450];
	v31 =	vmul.f32 v44, v31;
	v48 =	vmul.f32 v49, v23;
	v37 =	vadd.f32 v37, v27  }
0x9c: {  	v51 =	vld [tilespmem:s19+$0x460];
	v27 =	vmul.f32 v49, v19;
	v1 =	vadd.f32 v1, v2;
	v29 =	vadd.f32 v62, v61  }
0x9d: {  	v44 =	vld [tilespmem:s19+$0x8410];
	v32 =	vsub.f32 v63, v33;
	v59 =	vmul.f32 v45, v16;
	v60 =	vmul.f32 v50, v20  }
0x9e: {  	v49 =	vld [tilespmem:s16+$0x430];
	v62 =	vmul.f32 v50, v16;
	v45 =	vmul.f32 v45, v20;
	v48 =	vadd.f32 v48, v35  }
0x9f: {  	v61 =	vld [tilespmem:s19+$0x8420];
	v27 =	vsub.f32 v27, v58;
	v38 =	vadd.f32 v38, v39;
	v29 =	vmul.f32 v29, v30  }
0xa0: {  	v63 =	vld [tilespmem:s19+$0x8460];
	v32 =	vmul.f32 v32, v47;
	v42 =	vadd.f32 v60, v59;
	v2 =	vmul.f32 v48, v43  }
0xa1: {  	v35 =	vld [tilespmem:s19+$0x430];
	v33 =	vsub.f32 v62, v45;
	v30 =	vmul.f32 v27, v46;
	v56 =	vmul.f32 v36, v21  }
0xa2: {  	v50 =	vld [tilespmem:s16+$0x8440];
	v27 =	vadd.f32 v28, v0;
	v36 =	vmul.f32 v36, v17;
	v0 =	vmul.f32 v42, v54  }
0xa3: {  	v31 =	vadd.f32 v31, v34;
	v43 =	vld [tilespmem:s19+$0x8430];
	v33 =	vmul.f32 v33, v57;
	v54 =	vmul.f32 v44, v17  }
0xa4: {  	v28 =	vadd.f32 v1, v37;
	v48 =	vld [tilespmem:s16+$0x8400];
	v57 =	vmul.f32 v44, v21;
	v58 =	vmul.f32 v61, v18  }
0xa5: {  	v45 =	vld [tilespmem:s19+$0x470];
	v29 =	vadd.f32 v29, v38;
	v60 =	vmul.f32 v63, v18;
	v61 =	vmul.f32 v61, v22  }
0xa6: {  	v31 =	vadd.f32 v32, v31;
	v42 =	vld [tilespmem:s19+$0x8470];
	v59 =	vmul.f32 v63, v22;
	v1 =	vadd.f32 v56, v54  }
0xa7: {  	v46 =	vld [tilespmem:s16+$0x400];
	v36 =	vsub.f32 v36, v57;
	v38 =	vsub.f32 v60, v61;
	v61 =	vmul.f32 v50, v20  }
0xa8: {  	v44 =	vld [tilespmem:s16+$0x440];
	v34 =	vadd.f32 v59, v58;
	v62 =	vmul.f32 v43, v19;
	v57 =	vmul.f32 v43, v23  }
0xa9: {  	s19 =	sor.u32 s25, s15;
	v2 =	vadd.f32 v2, v29;
	v58 =	vld [tilespmem:s16+$0x8450];
	v60 =	vmul.f32 v48, v16;
	v1 =	vmul.f32 v1, v40  }
0xaa: {  	v30 =	vadd.f32 v30, v31;
	v53 =	vld [tilespmem:s19+$0x8450];
	v36 =	vmul.f32 v36, v41;
	v59 =	vmul.f32 v34, v52  }
0xab: {  	v40 =	vld [tilespmem:s16+$0x8410];
	v34 =	vmul.f32 v38, v51;
	v63 =	vmul.f32 v42, v23;
	v31 =	vadd.f32 v61, v60  }
0xac: {  	v38 =	vld [tilespmem:s16+$0x8420];
	v56 =	vmul.f32 v42, v19;
	v0 =	vadd.f32 v1, v0;
	v33 =	vadd.f32 v36, v33  }
0xad: {  	v54 =	vld [tilespmem:s16+$0x410];
	v37 =	vadd.f32 v63, v62;
	v62 =	vmul.f32 v50, v16;
	v63 =	vmul.f32 v48, v20  }
0xae: {  	v41 =	vld [tilespmem:s16+$0x8430];
	v39 =	vsub.f32 v56, v57;
	v57 =	vmul.f32 v58, v21;
	v58 =	vmul.f32 v58, v17  }
0xaf: {  	v61 =	vld [tilespmem:s19+$0x8400];
	v31 =	vmul.f32 v31, v46;
	v0 =	vadd.f32 v59, v0;
	v29 =	vmul.f32 v37, v35  }
0xb0: {  	v43 =	vld [tilespmem:s16+$0x450];
	v33 =	vadd.f32 v34, v33;
	v56 =	vmul.f32 v40, v17;
	v40 =	vmul.f32 v40, v21  }
0xb1: {  	v35 =	vmul.f32 v39, v45;
	v37 =	vld [tilespmem:s16+$0x8460];
	v59 =	vmul.f32 v38, v18;
	v1 =	vsub.f32 v62, v63  }
0xb2: {  	v51 =	vld [tilespmem:s16+$0x8470];
	v38 =	vmul.f32 v38, v22;
	v36 =	vadd.f32 v57, v56;
	v32 =	vsub.f32 v58, v40  }
0xb3: {  	v62 =	vld [tilespmem:s19+$0x8440];
	v1 =	vmul.f32 v1, v44;
	v33 =	vadd.f32 v35, v33;
	v35 =	vmul.f32 v41, v19  }
0xb4: {  	v63 =	vld [tilespmem:s19+$0x8410];
	v57 =	vmul.f32 v61, v20;
	v41 =	vmul.f32 v41, v23  }
0xb5: {  	v42 =	vld [tilespmem:s16+$0x420];
	v52 =	vmul.f32 v36, v54;
	v32 =	vmul.f32 v32, v43  }
0xb6: {  	v2 =	vadd.f32 v30, v2;
	v46 =	vld [tilespmem:s19+$0x410];
	v60 =	vmul.f32 v37, v22;
	v37 =	vmul.f32 v37, v18  }
0xb7: {  	v48 =	vld [tilespmem:s19+$0x8420];
	v0 =	vadd.f32 v29, v0;
	v54 =	vmul.f32 v61, v16;
	v61 =	vmul.f32 v53, v17  }
0xb8: {  	v58 =	vld [tilespmem:s19+$0x450];
	v56 =	vmul.f32 v62, v16;
	v31 =	vadd.f32 v52, v31;
	v37 =	vsub.f32 v37, v38  }
0xb9: {  	v43 =	vld [tilespmem:s19+$0x440];
	v52 =	vmul.f32 v51, v19;
	v39 =	vadd.f32 v60, v59;
	v59 =	vmul.f32 v63, v17  }
0xba: {  	v0 =	vadd.f32 v33, v0;
	v60 =	vmul.f32 v53, v21;
	v53 =	vld [tilespmem:s19+$0x8430];
	v37 =	vmul.f32 v37, v55  }
0xbb: {  	v1 =	vadd.f32 v32, v1;
	v55 =	vmul.f32 v62, v20;
	v62 =	vmul.f32 v63, v21;
	v63 =	vld [tilespmem:s19+$0x8460]  }
0xbc: {  	v33 =	vsub.f32 v56, v57;
	v41 =	vsub.f32 v52, v41;
	v29 =	vmul.f32 v39, v42;
	v39 =	vld [tilespmem:s19+$0x400]  }
0xbd: {  	v42 =	vmul.f32 v51, v23;
	v34 =	vadd.f32 v60, v59;
	v59 =	vld [tilespmem:s19+$0x460];
	v32 =	vsub.f32 v61, v62  }
0xbe: {  	v56 =	vmul.f32 v33, v43;
	v60 =	vmul.f32 v48, v18;
	v30 =	vadd.f32 v55, v54;
	v54 =	vld [tilespmem:s19+$0x8470]  }
0xbf: {  	v29 =	vadd.f32 v29, v31;
	v57 =	vmul.f32 v34, v46;
	v32 =	vmul.f32 v32, v58;
	v58 =	vld [tilespmem:s19+$0x420]  }
0xc0: {  	v55 =	vld [tilespmem:s16+$0x470];
	v1 =	vadd.f32 v37, v1;
	v62 =	vmul.f32 v48, v22;
	v61 =	vmul.f32 v63, v22  }
0xc1: {  	v35 =	vadd.f32 v42, v35;
	v48 =	vld [tilespmem:s19+$0x470];
	v50 =	vmul.f32 v53, v19;
	v38 =	vmul.f32 v63, v18  }
0xc2: {  	v40 =	vmul.f32 v53, v23;
	v30 =	vmul.f32 v30, v39;
	v63 =	vld [tilespmem:s19+$0x430];
	v39 =	vadd.f32 v61, v60  }
0xc3: {  	v51 =	vmul.f32 v54, v23;
	v38 =	vsub.f32 v38, v62;
	v36 =	vmul.f32 v54, v19  }
0xc4: {  	v31 =	vadd.f32 v32, v56;
	v30 =	vadd.f32 v57, v30;
	v52 =	vmul.f32 v39, v58  }
0xc5: {  	v53 =	vmul.f32 v38, v59;
	v54 =	vadd.f32 v51, v50;
	v36 =	vsub.f32 v36, v40  }
0xc6: {  	v35 =	vmul.f32 v35, v49;
	[tilespmem:$0x10680] =	vst v25;
	v55 =	vmul.f32 v41, v55;
	v30 =	vadd.f32 v52, v30  }
0xc7: {  	[tilespmem:$0x10690] =	vst v26;
	v25 =	vadd.f32 v53, v31;
	v56 =	vmul.f32 v54, v63;
	v57 =	vmul.f32 v36, v48  }
0xc8: {  	[tilespmem:$0x106A0] =	vst v27;
	v26 =	vadd.f32 v35, v29;
	v1 =	vadd.f32 v55, v1  }
0xc9: {  	[tilespmem:$0x106B0] =	vst v28;
	v27 =	vadd.f32 v56, v30;
	v25 =	vadd.f32 v57, v25  }
0xca: {  	[tilespmem:$0x106C0] =	vst v2;
	v1 =	vadd.f32 v1, v26  }
0xcb: {  	[tilespmem:$0x106D0] =	vst v0;
	v58 =	vadd.f32 v25, v27  }
0xcc: {  	[tilespmem:$0x106E0] =	vst v1  }
0xcd: {  	s19 =	sor.u32 s26, s15;
	[tilespmem:$0x106F0] =	vst v58  }
0xce: {  	v0 =	vld [tilespmem:s19+$0x400]  }
0xcf: {  	v1 =	vld [tilespmem:s19+$0x440]  }
0xd0: {  	v2 =	vld [tilespmem:s19+$0x8400]  }
0xd1: {  	v25 =	vld [tilespmem:s19+$0x8440]  }
0xd2: {  	v26 =	vld [tilespmem:s19+$0x410]  }
0xd3: {  	v27 =	vld [tilespmem:s19+$0x450]  }
0xd4: {  	v28 =	vld [tilespmem:s19+$0x8410]  }
0xd5: {  	v59 =	vld [tilespmem:s19+$0x8450]  }
0xd6: {  	v30 =	vld [tilespmem:s19+$0x420]  }
0xd7: {  	v31 =	vld [tilespmem:s19+$0x460]  }
0xd8: {  	v32 =	vld [tilespmem:s19+$0x8420]  }
0xd9: {  	v33 =	vld [tilespmem:s19+$0x8460]  }
0xda: {  	v34 =	vld [tilespmem:s19+$0x430]  }
0xdb: {  	v35 =	vld [tilespmem:s19+$0x470]  }
0xdc: {  	v36 =	vld [tilespmem:s19+$0x8430]  }
0xdd: {  	v37 =	vld [tilespmem:s19+$0x8470];
	s19 =	sor.u32 s28, s15  }
0xde: {  	v38 =	vld [tilespmem:s19+$0x400]  }
0xdf: {  	v39 =	vld [tilespmem:s19+$0x440]  }
0xe0: {  	v40 =	vld [tilespmem:s19+$0x8400]  }
0xe1: {  	v41 =	vld [tilespmem:s19+$0x8440]  }
0xe2: {  	v42 =	vld [tilespmem:s19+$0x410]  }
0xe3: {  	v43 =	vld [tilespmem:s19+$0x450]  }
0xe4: {  	v44 =	vld [tilespmem:s19+$0x8410]  }
0xe5: {  	v45 =	vld [tilespmem:s19+$0x8450]  }
0xe6: {  	v46 =	vld [tilespmem:s19+$0x420]  }
0xe7: {  	v47 =	vld [tilespmem:s19+$0x460];
	v63 =	vmul.f32 v2, v16;
	v60 =	vmul.f32 v25, v20  }
0xe8: {  	v48 =	vld [tilespmem:s19+$0x8420];
	v25 =	vmul.f32 v25, v16;
	v2 =	vmul.f32 v2, v20  }
0xe9: {  	v51 =	vld [tilespmem:s19+$0x8460];
	v61 =	vmul.f32 v28, v17;
	v62 =	vmul.f32 v59, v21  }
0xea: {  	v52 =	vld [tilespmem:s19+$0x430];
	v29 =	vmul.f32 v59, v17;
	v28 =	vmul.f32 v28, v21  }
0xeb: {  	v55 =	vld [tilespmem:s19+$0x470];
	v54 =	vmul.f32 v40, v16;
	v57 =	vmul.f32 v41, v20  }
0xec: {  	v56 =	vld [tilespmem:s19+$0x8430];
	v41 =	vmul.f32 v41, v16;
	v40 =	vmul.f32 v40, v20  }
0xed: {  	v58 =	vld [tilespmem:s19+$0x8470];
	s19 =	sor.u32 s29, s15;
	v49 =	vadd.f32 v60, v63;
	v63 =	vmul.f32 v32, v18;
	v60 =	vmul.f32 v33, v22  }
0xee: {  	v50 =	vld [tilespmem:s19+$0x450];
	v2 =	vsub.f32 v25, v2;
	v25 =	vmul.f32 v33, v18;
	v61 =	vadd.f32 v62, v61  }
0xef: {  	v53 =	vld [tilespmem:s19+$0x8410];
	v32 =	vmul.f32 v32, v22;
	v28 =	vsub.f32 v29, v28;
	v0 =	vmul.f32 v49, v0  }
0xf0: {  	v59 =	vld [tilespmem:s19+$0x8450];
	v1 =	vmul.f32 v2, v1;
	v26 =	vmul.f32 v61, v26  }
0xf1: {  	v33 =	vld [tilespmem:s19+$0x400];
	v62 =	vadd.f32 v60, v63;
	v27 =	vmul.f32 v28, v27;
	v49 =	vmul.f32 v37, v23  }
0xf2: {  	v29 =	vld [tilespmem:s19+$0x440];
	v25 =	vsub.f32 v25, v32;
	v37 =	vmul.f32 v37, v19;
	v61 =	vmul.f32 v45, v21  }
0xf3: {  	v40 =	vsub.f32 v41, v40;
	v41 =	vld [tilespmem:s19+$0x8460];
	v63 =	vmul.f32 v45, v17;
	v2 =	vmul.f32 v62, v30  }
0xf4: {  	v57 =	vadd.f32 v57, v54;
	v32 =	vld [tilespmem:s19+$0x8400];
	v25 =	vmul.f32 v25, v31;
	v31 =	vmul.f32 v36, v19  }
0xf5: {  	v28 =	vld [tilespmem:s19+$0x8440];
	v36 =	vmul.f32 v36, v23;
	v0 =	vadd.f32 v26, v0;
	v26 =	vmul.f32 v48, v18  }
0xf6: {  	v60 =	vld [tilespmem:s19+$0x420];
	v1 =	vadd.f32 v27, v1;
	v27 =	vmul.f32 v51, v18;
	v48 =	vmul.f32 v48, v22  }
0xf7: {  	v45 =	vld [tilespmem:s19+$0x8420];
	v31 =	vadd.f32 v49, v31;
	v49 =	vmul.f32 v44, v17;
	v36 =	vsub.f32 v37, v36  }
0xf8: {  	v30 =	vld [tilespmem:s19+$0x410];
	v44 =	vmul.f32 v44, v21;
	v0 =	vadd.f32 v2, v0;
	v2 =	vmul.f32 v56, v19  }
0xf9: {  	v62 =	vld [tilespmem:s19+$0x460];
	v1 =	vadd.f32 v25, v1;
	v25 =	vmul.f32 v58, v19;
	v56 =	vmul.f32 v56, v23  }
0xfa: {  	v31 =	vmul.f32 v31, v34;
	v35 =	vmul.f32 v36, v35;
	v37 =	vsub.f32 v63, v44;
	v44 =	vld [tilespmem:s19+$0x430]  }
0xfb: {  	v34 =	vmul.f32 v57, v38;
	v38 =	vmul.f32 v40, v39;
	v39 =	vld [tilespmem:s19+$0x470]  }
0xfc: {  	v27 =	vsub.f32 v27, v48;
	v40 =	vld [tilespmem:s19+$0x8430];
	v63 =	vmul.f32 v51, v22;
	v51 =	vmul.f32 v58, v23  }
0xfd: {  	v58 =	vmul.f32 v28, v20;
	v37 =	vmul.f32 v37, v43;
	v43 =	vld [tilespmem:s19+$0x8470];
	s19 =	sor.u32 s30, s15  }
0xfe: {  	v61 =	vadd.f32 v61, v49;
	v28 =	vmul.f32 v28, v16;
	v27 =	vmul.f32 v27, v47;
	v49 =	vld [tilespmem:s19+$0x400]  }
0xff: {  	v25 =	vsub.f32 v25, v56;
	v56 =	vmul.f32 v53, v17;
	v47 =	vmul.f32 v53, v21;
	v54 =	vld [tilespmem:s19+$0x440]  }
0x100: {  	v36 =	vmul.f32 v61, v42;
	v26 =	vadd.f32 v63, v26;
	v42 =	vmul.f32 v32, v16;
	v57 =	vld [tilespmem:s19+$0x8400]  }
0x101: {  	v32 =	vmul.f32 v32, v20;
	v2 =	vadd.f32 v51, v2;
	v0 =	vadd.f32 v31, v0;
	v61 =	vld [tilespmem:s19+$0x8440]  }
0x102: {  	v25 =	vmul.f32 v25, v55;
	v48 =	vld [tilespmem:s19+$0x410];
	v26 =	vmul.f32 v26, v46;
	v42 =	vadd.f32 v58, v42  }
0x103: {  	v31 =	vld [tilespmem:s19+$0x8450];
	v28 =	vsub.f32 v28, v32;
	v2 =	vmul.f32 v2, v52;
	v58 =	vmul.f32 v59, v21  }
0x104: {  	v51 =	vld [tilespmem:s19+$0x8420];
	v37 =	vadd.f32 v37, v38;
	v38 =	vmul.f32 v59, v17;
	v52 =	vmul.f32 v41, v22  }
0x105: {  	v53 =	vld [tilespmem:s19+$0x8460];
	v34 =	vadd.f32 v36, v34;
	v36 =	vmul.f32 v40, v19;
	v40 =	vmul.f32 v40, v23  }
0x106: {  	v1 =	vadd.f32 v35, v1;
	v46 =	vld [tilespmem:s19+$0x450];
	v33 =	vmul.f32 v42, v33;
	v28 =	vmul.f32 v28, v29  }
0x107: {  	v32 =	vld [tilespmem:s19+$0x8410];
	v26 =	vadd.f32 v26, v34;
	v34 =	vmul.f32 v45, v18;
	v27 =	vadd.f32 v27, v37  }
0x108: {  	v29 =	vld [tilespmem:s19+$0x420];
	v37 =	vmul.f32 v41, v18;
	v41 =	vmul.f32 v45, v22;
	v35 =	vadd.f32 v58, v56  }
0x109: {  	v42 =	vld [tilespmem:s19+$0x460];
	v38 =	vsub.f32 v38, v47;
	v63 =	vmul.f32 v43, v23;
	v43 =	vmul.f32 v43, v19  }
0x10a: {  	v45 =	vld [tilespmem:s19+$0x430];
	v30 =	vmul.f32 v35, v30;
	v34 =	vadd.f32 v52, v34;
	v58 =	vsub.f32 v37, v41  }
0x10b: {  	v56 =	vld [tilespmem:s19+$0x470];
	v38 =	vmul.f32 v38, v50;
	v2 =	vadd.f32 v2, v26;
	v26 =	vadd.f32 v25, v27  }
0x10c: {  	v47 =	vld [tilespmem:s19+$0x8430];
	v59 =	vmul.f32 v57, v16;
	v36 =	vadd.f32 v63, v36;
	v63 =	vmul.f32 v57, v20  }
0x10d: {  	v37 =	vld [tilespmem:s19+$0x8470];
	s19 =	sor.u32 s31, s15;
	v40 =	vsub.f32 v43, v40;
	v34 =	vmul.f32 v34, v60;
	v35 =	vmul.f32 v58, v62  }
0x10e: {  	v41 =	vld [tilespmem:s19+$0x400];
	v62 =	vmul.f32 v61, v20;
	v26 =	vadd.f32 v26, v2;
	v2 =	vmul.f32 v61, v16  }
0x10f: {  	v43 =	vld [tilespmem:s19+$0x440];
	v30 =	vadd.f32 v30, v33;
	v33 =	vmul.f32 v32, v17;
	v60 =	vmul.f32 v31, v21  }
0x110: {  	v25 =	vadd.f32 v1, v0;
	v50 =	vld [tilespmem:s19+$0x410];
	v31 =	vmul.f32 v31, v17;
	v32 =	vmul.f32 v32, v21  }
0x111: {  	v55 =	vld [tilespmem:s19+$0x450];
	v28 =	vadd.f32 v38, v28;
	v61 =	vmul.f32 v51, v18;
	v51 =	vmul.f32 v51, v22  }
0x112: {  	v38 =	vld [tilespmem:s19+$0x8410];
	v27 =	vmul.f32 v36, v44;
	v36 =	vmul.f32 v40, v39;
	v0 =	vadd.f32 v62, v59  }
0x113: {  	v58 =	vld [tilespmem:s19+$0x8450];
	v62 =	vmul.f32 v53, v22;
	v2 =	vsub.f32 v2, v63;
	v33 =	vadd.f32 v60, v33  }
0x114: {  	v39 =	vld [tilespmem:s19+$0x8400];
	v63 =	vmul.f32 v53, v18;
	v31 =	vsub.f32 v31, v32;
	v30 =	vadd.f32 v34, v30  }
0x115: {  	v40 =	vld [tilespmem:s19+$0x8440];
	v28 =	vadd.f32 v35, v28;
	v59 =	vmul.f32 v47, v19;
	v60 =	vmul.f32 v37, v23  }
0x116: {  	v53 =	vld [tilespmem:s19+$0x420];
	v0 =	vmul.f32 v0, v49;
	v2 =	vmul.f32 v2, v54;
	v1 =	vadd.f32 v62, v61  }
0x117: {  	v32 =	vld [tilespmem:s19+$0x460];
	v44 =	vsub.f32 v63, v51;
	v33 =	vmul.f32 v33, v48;
	v31 =	vmul.f32 v31, v46  }
0x118: {  	v34 =	vld [tilespmem:s19+$0x8460];
	v27 =	vadd.f32 v27, v30;
	v28 =	vadd.f32 v36, v28;
	v36 =	vmul.f32 v37, v19  }
0x119: {  	v35 =	vld [tilespmem:s19+$0x430];
	v61 =	vmul.f32 v47, v23;
	v30 =	vadd.f32 v60, v59;
	v59 =	vmul.f32 v38, v17  }
0x11a: {  	v49 =	vld [tilespmem:s19+$0x8420];
	v60 =	vmul.f32 v58, v21;
	v38 =	vmul.f32 v38, v21  }
0x11b: {  	v46 =	vld [tilespmem:s19+$0x8430];
	v1 =	vmul.f32 v1, v29;
	v29 =	vmul.f32 v44, v42;
	v0 =	vadd.f32 v33, v0  }
0x11c: {  	v48 =	vld [tilespmem:s19+$0x8470];
	v62 =	vmul.f32 v39, v16;
	v63 =	vmul.f32 v40, v20;
	v2 =	vadd.f32 v31, v2  }
0x11d: {  	v44 =	vld [tilespmem:s19+$0x470];
	s19 =	sor.u32 s0, s15;
	v57 =	vmul.f32 v40, v16;
	v39 =	vmul.f32 v39, v20;
	v36 =	vsub.f32 v36, v61  }
0x11e: {  	v61 =	vmul.f32 v58, v17;
	v40 =	vld [tilespmem:s19+$0x400];
	v30 =	vmul.f32 v30, v45;
	v42 =	vadd.f32 v60, v59  }
0x11f: {  	v52 =	vld [tilespmem:s19+$0x440];
	v33 =	vadd.f32 v63, v62;
	v31 =	vsub.f32 v57, v39;
	v36 =	vmul.f32 v36, v56  }
0x120: {  	v54 =	vld [tilespmem:s19+$0x8400];
	v2 =	vadd.f32 v29, v2;
	v29 =	vmul.f32 v42, v50;
	v63 =	vmul.f32 v49, v18  }
0x121: {  	v45 =	vld [tilespmem:s19+$0x420];
	v37 =	vsub.f32 v61, v38;
	v56 =	vmul.f32 v49, v22;
	v47 =	vmul.f32 v46, v19  }
0x122: {  	v62 =	vld [tilespmem:s19+$0x8440];
	v0 =	vadd.f32 v1, v0;
	v49 =	vmul.f32 v48, v23;
	v57 =	vmul.f32 v48, v19  }
0x123: {  	v27 =	vadd.f32 v28, v27;
	v38 =	vld [tilespmem:s19+$0x410];
	v58 =	vmul.f32 v46, v23;
	v37 =	vmul.f32 v37, v55  }
0x124: {  	v61 =	vld [tilespmem:s19+$0x8460];
	v0 =	vadd.f32 v30, v0;
	v55 =	vmul.f32 v34, v22;
	v2 =	vadd.f32 v36, v2  }
0x125: {  	v46 =	vld [tilespmem:s19+$0x8420];
	v1 =	vmul.f32 v33, v41;
	v34 =	vmul.f32 v34, v18;
	v47 =	vadd.f32 v49, v47  }
0x126: {  	v31 =	vmul.f32 v31, v43;
	v41 =	vld [tilespmem:s19+$0x8410];
	v28 =	vadd.f32 v2, v0;
	v30 =	vadd.f32 v55, v63  }
0x127: {  	v43 =	vld [tilespmem:s19+$0x8450];
	v59 =	vmul.f32 v54, v16;
	v34 =	vsub.f32 v34, v56;
	v63 =	vmul.f32 v54, v20  }
0x128: {  	v39 =	vld [tilespmem:s19+$0x8430];
	v0 =	vsub.f32 v57, v58;
	v60 =	vmul.f32 v62, v20;
	v62 =	vmul.f32 v62, v16  }
0x129: {  	v50 =	vld [tilespmem:s19+$0x460];
	v30 =	vmul.f32 v30, v53;
	v32 =	vmul.f32 v34, v32  }
0x12a: {  	v33 =	vld [tilespmem:s19+$0x450];
	v53 =	vmul.f32 v47, v35;
	v0 =	vmul.f32 v0, v44  }
0x12b: {  	v54 =	vld [tilespmem:s19+$0x430];
	v58 =	vmul.f32 v46, v18;
	v46 =	vmul.f32 v46, v22  }
0x12c: {  	v2 =	vld [tilespmem:s19+$0x470];
	v1 =	vadd.f32 v29, v1;
	v55 =	vmul.f32 v41, v17;
	v56 =	vmul.f32 v43, v21  }
0x12d: {  	v31 =	vadd.f32 v37, v31;
	v35 =	vld [tilespmem:s19+$0x8470];
	s19 =	sor.u32 s3, s15;
	v57 =	vmul.f32 v43, v17;
	v41 =	vmul.f32 v41, v21  }
0x12e: {  	v49 =	vadd.f32 v60, v59;
	v37 =	vld [tilespmem:s19+$0x400];
	v59 =	vmul.f32 v61, v22;
	v61 =	vmul.f32 v61, v18  }
0x12f: {  	v36 =	vsub.f32 v62, v63;
	v42 =	vld [tilespmem:s19+$0x440];
	v62 =	vmul.f32 v39, v19;
	v39 =	vmul.f32 v39, v23  }
0x130: {  	v43 =	vld [tilespmem:s19+$0x8400];
	v1 =	vadd.f32 v30, v1;
	v31 =	vadd.f32 v32, v31;
	v34 =	vmul.f32 v49, v40  }
0x131: {  	v60 =	vld [tilespmem:s19+$0x8440];
	v36 =	vmul.f32 v36, v52;
	v30 =	vadd.f32 v56, v55;
	v32 =	vsub.f32 v57, v41  }
0x132: {  	v48 =	vld [tilespmem:s19+$0x410];
	v29 =	vadd.f32 v59, v58;
	v0 =	vadd.f32 v0, v31;
	v63 =	vmul.f32 v35, v23  }
0x133: {  	v52 =	vld [tilespmem:s19+$0x8410];
	v31 =	vsub.f32 v61, v46;
	v35 =	vmul.f32 v35, v19;
	v30 =	vmul.f32 v30, v38  }
0x134: {  	v56 =	vld [tilespmem:s19+$0x8420];
	v32 =	vmul.f32 v32, v33;
	v29 =	vmul.f32 v29, v45  }
0x135: {  	v51 =	vld [tilespmem:s19+$0x450];
	v1 =	vadd.f32 v53, v1;
	v31 =	vmul.f32 v31, v50;
	v58 =	vmul.f32 v43, v16  }
0x136: {  	v53 =	vld [tilespmem:s19+$0x8450];
	v59 =	vmul.f32 v60, v20;
	v60 =	vmul.f32 v60, v16;
	v55 =	vadd.f32 v63, v62  }
0x137: {  	v57 =	vld [tilespmem:s19+$0x8460];
	v43 =	vmul.f32 v43, v20;
	v35 =	vsub.f32 v35, v39;
	v30 =	vadd.f32 v30, v34  }
0x138: {  	v44 =	vld [tilespmem:s19+$0x430];
	v32 =	vadd.f32 v32, v36;
	v61 =	vmul.f32 v52, v17;
	v52 =	vmul.f32 v52, v21  }
0x139: {  	v40 =	vld [tilespmem:s19+$0x460];
	v34 =	vmul.f32 v56, v22;
	v33 =	vmul.f32 v55, v54  }
0x13a: {  	v41 =	vld [tilespmem:s19+$0x8470];
	v2 =	vmul.f32 v35, v2;
	v29 =	vadd.f32 v29, v30;
	v31 =	vadd.f32 v31, v32  }
0x13b: {  	v39 =	vld [tilespmem:s19+$0x420];
	v62 =	vmul.f32 v53, v21;
	v30 =	vadd.f32 v59, v58;
	v63 =	vmul.f32 v53, v17  }
0x13c: {  	s15 =	sor.u32 s2, s15;
	v46 =	vld [tilespmem:s19+$0x8430];
	v32 =	vsub.f32 v60, v43;
	v53 =	vmul.f32 v56, v18;
	v54 =	vmul.f32 v57, v22  }
0x13d: {  	v55 =	vld [tilespmem:s15+$0x8400];
	v35 =	vmul.f32 v57, v18;
	v29 =	vadd.f32 v33, v29;
	v33 =	vadd.f32 v62, v61  }
0x13e: {  	v56 =	vld [tilespmem:s15+$0x8440];
	v30 =	vmul.f32 v30, v37;
	v36 =	vsub.f32 v63, v52;
	v57 =	vadd.f32 v54, v53  }
0x13f: {  	v58 =	vld [tilespmem:s15+$0x8410];
	v32 =	vmul.f32 v32, v42;
	v34 =	vsub.f32 v35, v34;
	v33 =	vmul.f32 v33, v48  }
0x140: {  	v59 =	vld [tilespmem:s15+$0x8450];
	v60 =	vmul.f32 v36, v51;
	v36 =	vmul.f32 v57, v39  }
0x141: {  	v0 =	vadd.f32 v0, v1;
	v37 =	vld [tilespmem:s15+$0x400];
	v1 =	vmul.f32 v34, v40;
	v34 =	vmul.f32 v46, v19  }
0x142: {  	v2 =	vadd.f32 v2, v31;
	v63 =	vld [tilespmem:s15+$0x410];
	v46 =	vmul.f32 v46, v23;
	v61 =	vmul.f32 v55, v16  }
0x143: {  	v54 =	vld [tilespmem:s15+$0x450];
	v62 =	vmul.f32 v56, v20;
	v52 =	vmul.f32 v56, v16  }
0x144: {  	v39 =	vld [tilespmem:s15+$0x440];
	v2 =	vadd.f32 v2, v29;
	v53 =	vmul.f32 v55, v20;
	v55 =	vmul.f32 v58, v17  }
0x145: {  	v57 =	vld [tilespmem:s15+$0x8420];
	v56 =	vmul.f32 v59, v21;
	v35 =	vmul.f32 v59, v17;
	v30 =	vadd.f32 v33, v30  }
0x146: {  	v38 =	vmul.f32 v58, v21;
	v58 =	vld [tilespmem:s15+$0x8460];
	v31 =	vadd.f32 v60, v32;
	v29 =	vadd.f32 v62, v61  }
0x147: {  	v59 =	vmul.f32 v41, v23;
	v60 =	vld [tilespmem:s15+$0x8470];
	v33 =	vsub.f32 v52, v53;
	v32 =	vadd.f32 v56, v55  }
0x148: {  	v47 =	vld [tilespmem:s15+$0x8430];
	v41 =	vmul.f32 v41, v19;
	v35 =	vsub.f32 v35, v38;
	v29 =	vmul.f32 v29, v37  }
0x149: {  	v34 =	vadd.f32 v59, v34;
	v52 =	vld [tilespmem:s15+$0x460];
	v33 =	vmul.f32 v33, v39;
	v61 =	vmul.f32 v32, v63  }
0x14a: {  	v30 =	vadd.f32 v36, v30;
	v36 =	vld [tilespmem:s19+$0x470];
	v62 =	vmul.f32 v35, v54;
	v53 =	vmul.f32 v57, v18  }
0x14b: {  	v41 =	vsub.f32 v41, v46;
	v63 =	vld [tilespmem:s15+$0x420];
	v55 =	vmul.f32 v57, v22;
	v54 =	vmul.f32 v58, v22  }
0x14c: {  	v1 =	vadd.f32 v1, v31;
	v57 =	vld [tilespmem:s15+$0x470];
	v40 =	vmul.f32 v58, v18;
	v59 =	vmul.f32 v60, v23  }
0x14d: {  	v56 =	vld [tilespmem:s15+$0x430];
	v38 =	vmul.f32 v60, v19;
	v60 =	vmul.f32 v47, v23;
	v29 =	vadd.f32 v61, v29  }
0x14e: {  	v58 =	vmul.f32 v47, v19;
	v39 =	vadd.f32 v54, v53;
	v40 =	vsub.f32 v40, v55  }
0x14f: {  	v34 =	vmul.f32 v34, v44;
	v61 =	vadd.f32 v62, v33;
	v43 =	vsub.f32 v38, v60  }
0x150: {  	v62 =	vmul.f32 v39, v63;
	v63 =	vmul.f32 v40, v52;
	v40 =	vadd.f32 v59, v58  }
0x151: {  	[tilespmem:$0x10700] =	vst v25;
	v36 =	vmul.f32 v41, v36;
	v38 =	vmov v4;
	v4 =	vld [tilespmem:$0x1FFF0];
	v45 =	vmul.f32 v43, v57  }
0x152: {  	[tilespmem:$0x10710] =	vst v26;
	v29 =	vadd.f32 v62, v29;
	v25 =	vadd.f32 v63, v61;
	v44 =	vmul.f32 v40, v56  }
0x153: {  	[tilespmem:$0x10720] =	vst v27;
	v26 =	vadd.f32 v34, v30;
	v1 =	vadd.f32 v36, v1  }
0x154: {  	[tilespmem:$0x10730] =	vst v28;
	v27 =	vadd.f32 v44, v29;
	v25 =	vadd.f32 v45, v25  }
0x155: {  	[tilespmem:$0x10740] =	vst v0;
	v1 =	vadd.f32 v1, v26  }
0x156: {  	[tilespmem:$0x10750] =	vst v2;
	v46 =	vadd.f32 v25, v27  }
0x157: {  	[tilespmem:$0x10760] =	vst v1  }
0x158: {  	v39 =	vmov v3;
	v3 =	vld [tilespmem:$0x1FFE0];
	[tilespmem:$0x10770] =	vst v46  }
0x159: {  	v1 =	vld.idx.msk [tilespmem:v4+s18+$0x0], $0xffff  }
0x15a: {  	v2 =	vld.idx.msk [tilespmem:v5+s18+$0x0], $0xffff  }
0x15b: {  	v25 =	vld.idx.msk [tilespmem:v6+s18+$0x0], $0xffff  }
0x15c: {  	v26 =	vld.idx.msk [tilespmem:v7+s18+$0x0], $0xffff  }
0x15d: {  	v27 =	vld.idx.msk [tilespmem:v8+s18+$0x0], $0xffff  }
0x15e: {  	v28 =	vld.idx.msk [tilespmem:v9+s18+$0x0], $0xffff  }
0x15f: {  	v47 =	vld.idx.msk [tilespmem:v10+s18+$0x0], $0xffff  }
0x160: {  	v48 =	vld.idx.msk [tilespmem:v11+s18+$0x0], $0xffff  }
0x161: {  	v49 =	vld.idx.msk [tilespmem:v12+s18+$0x0], $0xffff  }
0x162: {  	v50 =	vld.idx.msk [tilespmem:v13+s18+$0x0], $0xffff  }
0x163: {  	v51 =	vld.idx.msk [tilespmem:v14+s18+$0x0], $0xffff  }
0x164: {  	v52 =	vld.idx.msk [tilespmem:v15+s18+$0x0], $0xffff  }
0x165: {  	v53 =	vld.idx.msk [tilespmem:v24+s18+$0x0], $0xffff  }
0x166: {  	v54 =	vld.idx.msk [tilespmem:v38+s18+$0x0], $0xffff  }
0x167: {  	v55 =	vld.idx.msk [tilespmem:v39+s18+$0x0], $0xffff  }
0x168: {  	v0 =	vld.idx.msk [tilespmem:v3+s18+$0x0], $0xffff;
	_ =	sdelay $0x1  }
0x169: {  	v56 =	vadd.f32 v25, v2;
	v57 =	vadd.f32 v27, v26  }
0x16a: {  	v25 =	vadd.f32 v47, v28;
	v26 =	vadd.f32 v49, v48  }
0x16b: {  	v27 =	vadd.f32 v51, v50;
	v58 =	vadd.f32 v53, v52  }
0x16c: {  	v63 =	vld [tilespmem:$0x1FFD0];
	v59 =	vadd.f32 v55, v54;
	v0 =	vadd.f32 v1, v0  }
0x16d: {  	v60 =	vadd.f32 v25, v57;
	v61 =	vadd.f32 v27, v26  }
0x16e: {  	v25 =	vadd.f32 v59, v58;
	v0 =	vadd.f32 v56, v0  }
0x16f: {  	p0 =	seq.s32 s14, $0x7  }
.Ltmp0:
0x170: {  	v62 =	vadd.f32 v25, v61;
	v0 =	vadd.f32 v60, v0;
	(pc) =	sbr.rel @!p0 .LBB2_4-.Ltmp0, $4  }
0x171: {  	_ = 	snop  }
0x172: {  	s19 =	sshll.u32 s14, $0x4;
	v0 =	vadd.f32 v62, v0  }
0x173: {  	s15 =	sand.u32 $0x3FFFFFF0, s19  }
0x174: {  	s14 =	sadd.s32 $0x1, s14;
	[tilespmem:v63+s15+$0x0 ss:$0x1] =	vst.idx.msk $0xffff, v0  }
0x175: {  	p0 =	seq.s32 s21, $0x4  }
.Ltmp1:
0x176: {  	_ = 	snop;
	(pc) =	sbr.rel @!p0 .LBB2_3-.Ltmp1, $1  }
0x177: {  	_ =	sdelay $0x3  }
0x178: {  	s20 =	sadd.s32 $0x1, s20  }
0x179: {  	p0 =	sne.s32 s20, s8  }
.Ltmp2:
0x17a: {  	s0 =	simm.s32 $0x10480;
	(pc) =	sbr.rel @p0 .LBB2_1-.Ltmp2, $4  }
0x17b: {  	[hbm4b:s7+s4] =	stream.linear.scatter [tilespmem:s0], [sflag:$0x5], $0x200, $0x38;
	[tilespmem:$0x10780] =	vst v63  }
0x17c: {  	_ =	swait.ge [sflag:s17], $0x200  }
0x17d: {  	[sflag:s17] =	ssyncset.done $0x0  }
0x17e: {  	[sflag:s17] =	ssyncadd.s32 $0xFFFFFE00  }
0x17f: {  	_ =	sfence.sel $0x180000  }
0x180: {  	[bflag:$0x0] =	sbarrier.arrive $0xFFFF  }
0x181: {  	_ =	strace $0x90000047  }
0x182: {  	s0 =	stileid.u32;
	[bflag:$0x2] =	sbarrier.arrive $0xFFFF  }
0x183: {  	p0 =	sne.s32 s0, $0x0;
	s0 =	rddreg [dreg:$0x4]  }
0x184: {  	s0 =	sadd.s32 @!p0 $0x100000, s0  }
0x185: {  	[sflag:s0] =	ssyncadd.tile.s32 @!p0 $0x1;
	_ =	shalt  }
.Lfunc_end2:
_tile_overlayer_lowered:
.L_overlay_start_2:
0x186: {  	(tag) =	ssettag $0x2  }
0x187: {  	s0 =	rddreg [dreg:$0x0];
	s2 =	stileid.u32  }
0x188: {  	s1 =	rddreg [dreg:$0x1];
	p0 =	sne.s32 s2, $0x0  }
0x189: {  	s3 =	rddreg [dreg:$0x2];
	[bflag:$0x3] =	sbarrier.arrive $0xFFFF;
	s2 =	simm.s32 @!p0 $0x1C05  }
0x18a: {  	[timem:s3], [sflag:s2] =	dma.local @!p0 [hbm:s0], s1  }
0x18b: {  	s0 =	simm.s32 @!p0 $0x5  }
0x18c: {  	_ =	swait.ge @!p0 [sflag:s0], s1  }
0x18d: {  	s1 =	ssub.s32 @!p0 $0x0, s1;
	[sflag:s0] =	ssyncset.done @!p0 $0x0  }
0x18e: {  	[sflag:s0] =	ssyncadd.s32 @!p0 s1  }
0x18f: {  	[bflag:$0x3] =	sbarrier.arrive $0xFFFF  }
0x190: {  	_ =	shalt  }

</sc_bundles>
